<compile_context>
chip_gen: v7x
topology: tpu7x:2x2x1
jax: 0.10.2.dev20260603
libtpu: 0.0.44.dev20260713+nightly
codegen_flags: <defaults>
</compile_context>

<pallas_src>
import functools

import jax
import jax.numpy as jnp
from jax import lax
from jax.experimental import pallas as pl
from jax.experimental.pallas import tpu as pltpu
from jax.experimental.pallas import tpu_sc as plsc

N = 10000
L = 4
IN_C = 128
HID = 300
HIDP = 304
OUT_C = 128
E = 320000
BATCH = 128
E_PAD = 327680
EB = 2560
NB_DEG = 80
BG = 64
NB_SCAT = 320
CHB = 64
NCH = NB_SCAT // CHB
NPAD_D = 10240
RPT_D = 640
NPAD_S = 10112
RPT_S = 632
TRASH = 10000
TRASH_ROWS = 112
T1 = HIDP // 2
T2 = OUT_C // 2
NBLK = 1000
GRID_N = N // NBLK

_HIGH = lax.Precision.HIGHEST



def _dinv(d_ref):
    return lax.rsqrt(d_ref[0, :, 0] + d_ref[1, :, 0] + 1.0)


def _h1_body(d_ref, x_ref, w_ref, b_ref, o_ref):
    dinv = _dinv(d_ref)
    xm = jnp.mean(x_ref[...], axis=1)
    h = (
        lax.dot_general(xm, w_ref[...], (((1,), (0,)), ((), ())),
                        precision=_HIGH)
        + b_ref[...]
    )
    hs = h * dinv[:, None]
    o_ref[0] = hs[:, :T1]
    o_ref[1] = hs[:, T1:]


EBLK = 128


def _edge_body(e_ref, srcp_ref, dstp_ref, goff_ref):
    i = pl.program_id(0)
    s = e_ref[0]
    d = e_ref[1]
    m = s == d
    base = (lax.broadcasted_iota(jnp.int32, (EBLK, BATCH), 0) * BATCH
            + lax.broadcasted_iota(jnp.int32, (EBLK, BATCH), 1)
            + i * (EBLK * BATCH))
    trash = TRASH + base % TRASH_ROWS
    srcp_ref[...] = jnp.where(m, trash, s)
    dstp_ref[...] = jnp.where(m, trash, d)
    g = jnp.where(m, (base * 9) % N, s)
    goff_ref[0] = g
    goff_ref[1] = g + N


def _mid_body(d_ref, acc_ref, hs_ref, w_ref, b_ref, o_ref):
    dinv = _dinv(d_ref)
    t = acc_ref[...] + hs_ref[...]
    p = jnp.concatenate([t[0], t[1]], axis=1) * dinv[:, None]
    p = jnp.where(p >= 0, p, 0.01 * p)
    h2 = (
        lax.dot_general(p, w_ref[...], (((1,), (0,)), ((), ())),
                        precision=_HIGH)
        + b_ref[...]
    )
    hs2 = h2 * dinv[:, None]
    o_ref[0] = hs2[:, :T2]
    o_ref[1] = hs2[:, T2:]


def _out_body(d_ref, acc_ref, hs_ref, o_ref):
    dinv = _dinv(d_ref)
    t = acc_ref[...] + hs_ref[...]
    o_ref[...] = jnp.concatenate([t[0], t[1]], axis=1) * dinv[:, None]



_MESH = plsc.VectorSubcoreMesh(core_axis_name="c", subcore_axis_name="s")
_SC_PARAMS = pltpu.CompilerParams(use_tc_tiling_on_sc=False)


@functools.partial(
    pl.kernel,
    mesh=_MESH,
    out_type=jax.ShapeDtypeStruct((2, NPAD_D), jnp.float32),
    compiler_params=_SC_PARAMS,
    scratch_types=[
        pltpu.VMEM((NB_DEG, BATCH), jnp.int32),
        pltpu.VMEM((BATCH,), jnp.float32),
        pltpu.VMEM((RPT_D,), jnp.float32),
        pltpu.VMEM_SHARED((NPAD_D,), jnp.float32),
    ],
)
def _sc_deg(srcp_hbm, ones_hbm, z640_hbm, deg_hbm, idxv, ones, obuf, degS):
    c = lax.axis_index("c")
    s = lax.axis_index("s")
    pltpu.sync_copy(ones_hbm, ones)
    pltpu.sync_copy(z640_hbm, obuf)
    pltpu.sync_copy(obuf, degS.at[pl.ds(s * RPT_D, RPT_D)])
    pltpu.sync_copy(srcp_hbm.at[c, s], idxv)
    plsc.subcore_barrier()

    @pl.loop(0, NB_DEG)
    def _(j):
        pltpu.sync_copy(ones, degS.at[idxv.at[j]], add=True)

    plsc.subcore_barrier()
    pltpu.sync_copy(degS.at[pl.ds(s * RPT_D, RPT_D)], obuf)
    pltpu.sync_copy(obuf, deg_hbm.at[c, pl.ds(s * RPT_D, RPT_D)])


def _make_sc_scat(T, bg, chb, dbuf):
    nb = E_PAD // 16 // bg
    nch = nb // chb
    assert nch % 2 == 0
    nfull = RPT_S // bg
    rem = RPT_S - nfull * bg
    scratch = [
        pltpu.VMEM((chb, bg), jnp.int32),
        pltpu.VMEM((chb, bg), jnp.int32),
        pltpu.VMEM((chb, bg), jnp.int32),
        pltpu.VMEM((chb, bg), jnp.int32),
        pltpu.VMEM((bg, T), jnp.float32),
        pltpu.VMEM((bg, T), jnp.float32),
        pltpu.VMEM_SHARED((NPAD_S, T), jnp.float32),
        pltpu.SemaphoreType.DMA,
        pltpu.SemaphoreType.DMA,
    ]

    def _body(hst_hbm, goff_hbm, dstp_hbm, zrows_hbm, acc_hbm,
              srcA, dstA, srcB, dstB, g0, g1, accS, sem, semi):
        c = lax.axis_index("c")
        s = lax.axis_index("s")
        pltpu.sync_copy(zrows_hbm, g0)

        @pl.loop(0, nfull)
        def _(k):
            pltpu.sync_copy(g0, accS.at[pl.ds(s * RPT_S + k * bg, bg)])

        if rem:
            pltpu.sync_copy(g0.at[pl.ds(0, rem)],
                            accS.at[pl.ds(s * RPT_S + nfull * bg, rem)])
        plsc.subcore_barrier()

        def _process(srcv, dstv):
            pltpu.async_copy(hst_hbm.at[srcv.at[0]], g0, sem)

            @pl.loop(0, chb // 2 - 1)
            def _(p):
                j = 2 * p
                pltpu.make_async_copy(hst_hbm.at[srcv.at[j]], g0, sem).wait()
                pltpu.async_copy(hst_hbm.at[srcv.at[j + 1]], g1, sem)
                pltpu.sync_copy(g0, accS.at[dstv.at[j]], add=True)
                pltpu.make_async_copy(
                    hst_hbm.at[srcv.at[j + 1]], g1, sem).wait()
                pltpu.async_copy(hst_hbm.at[srcv.at[j + 2]], g0, sem)
                pltpu.sync_copy(g1, accS.at[dstv.at[j + 1]], add=True)

            pltpu.make_async_copy(hst_hbm.at[srcv.at[chb - 2]], g0, sem).wait()
            pltpu.async_copy(hst_hbm.at[srcv.at[chb - 1]], g1, sem)
            pltpu.sync_copy(g0, accS.at[dstv.at[chb - 2]], add=True)
            pltpu.make_async_copy(hst_hbm.at[srcv.at[chb - 1]], g1, sem).wait()
            pltpu.sync_copy(g1, accS.at[dstv.at[chb - 1]], add=True)

        def _load_idx(q, sv, dv):
            pltpu.async_copy(goff_hbm.at[c, s, pl.ds(q * chb, chb)], sv, semi)
            pltpu.async_copy(dstp_hbm.at[s, pl.ds(q * chb, chb)], dv, semi)

        def _wait_idx(q, sv, dv):
            pltpu.make_async_copy(
                goff_hbm.at[c, s, pl.ds(q * chb, chb)], sv, semi).wait()
            pltpu.make_async_copy(
                dstp_hbm.at[s, pl.ds(q * chb, chb)], dv, semi).wait()

        pltpu.sync_copy(goff_hbm.at[c, s, pl.ds(0, chb)], srcA)
        pltpu.sync_copy(dstp_hbm.at[s, pl.ds(0, chb)], dstA)

        @pl.loop(0, nch // 2)
        def _(u):
            _load_idx(2 * u + 1, srcB, dstB)
            _process(srcA, dstA)
            _wait_idx(2 * u + 1, srcB, dstB)

            @pl.when(u < nch // 2 - 1)
            def _():
                _load_idx(2 * u + 2, srcA, dstA)

            _process(srcB, dstB)

            @pl.when(u < nch // 2 - 1)
            def _():
                _wait_idx(2 * u + 2, srcA, dstA)

        plsc.subcore_barrier()
        pltpu.sync_copy(accS.at[pl.ds(s * RPT_S, RPT_S)],
                        acc_hbm.at[c, pl.ds(s * RPT_S, RPT_S)])

    return pl.kernel(
        _body,
        mesh=_MESH,
        out_type=jax.ShapeDtypeStruct((2, NPAD_S, T), jnp.float32),
        compiler_params=_SC_PARAMS,
        scratch_types=scratch,
    )


BG1, CHB1 = 80, 32
BG2, CHB2 = 128, 80
_sc_scat1 = _make_sc_scat(T1, BG1, CHB1, True)
_sc_scat2 = _make_sc_scat(T2, BG2, CHB2, True)



def kernel(x, edge_index, W1, b1, W2, b2):
    f32 = jnp.float32
    W1p = jnp.pad(W1, ((0, 0), (0, HIDP - HID)))
    b1p = jnp.pad(b1, (0, HIDP - HID)).reshape(1, HIDP)
    W2p = jnp.pad(W2, ((0, HIDP - HID), (0, 0)))
    b2r = b2.reshape(1, OUT_C)
    ei3 = jnp.pad(edge_index, ((0, 0), (0, E_PAD - E))).reshape(2, EB, BATCH)

    ones128 = jnp.ones((BATCH,), f32)
    z640 = jnp.zeros((RPT_D,), f32)
    z1 = jnp.zeros((BG1, T1), f32)
    z2 = jnp.zeros((BG2, T2), f32)

    srcp, dstp, goff = pl.pallas_call(
        _edge_body,
        grid=(EB // EBLK,),
        in_specs=[pl.BlockSpec((2, EBLK, BATCH), lambda i: (0, i, 0))],
        out_specs=[
            pl.BlockSpec((EBLK, BATCH), lambda i: (i, 0)),
            pl.BlockSpec((EBLK, BATCH), lambda i: (i, 0)),
            pl.BlockSpec((2, EBLK, BATCH), lambda i: (0, i, 0)),
        ],
        out_shape=[
            jax.ShapeDtypeStruct((EB, BATCH), jnp.int32),
            jax.ShapeDtypeStruct((EB, BATCH), jnp.int32),
            jax.ShapeDtypeStruct((2, EB, BATCH), jnp.int32),
        ],
    )(ei3)

    srcp_r = srcp.reshape(2, 16, NB_DEG, BATCH)
    dstp_r1 = dstp.reshape(16, E_PAD // 16 // BG1, BG1)
    goff_r1 = goff.reshape(2, 16, E_PAD // 16 // BG1, BG1)
    dstp_r2 = dstp.reshape(16, E_PAD // 16 // BG2, BG2)
    goff_r2 = goff.reshape(2, 16, E_PAD // 16 // BG2, BG2)

    deg2 = _sc_deg(srcp_r, ones128, z640).reshape(2, NPAD_D, 1)

    hst1 = pl.pallas_call(
        _h1_body,
        grid=(GRID_N,),
        in_specs=[
            pl.BlockSpec((2, NBLK, 1), lambda i: (0, i, 0)),
            pl.BlockSpec((NBLK, L, IN_C), lambda i: (i, 0, 0)),
            pl.BlockSpec((IN_C, HIDP), lambda i: (0, 0)),
            pl.BlockSpec((1, HIDP), lambda i: (0, 0)),
        ],
        out_specs=pl.BlockSpec((2, NBLK, T1), lambda i: (0, i, 0)),
        out_shape=jax.ShapeDtypeStruct((2, N, T1), f32),
    )(deg2, x, W1p, b1p)

    acc1 = _sc_scat1(hst1.reshape(2 * N, T1), goff_r1, dstp_r1, z1)

    hst2 = pl.pallas_call(
        _mid_body,
        grid=(GRID_N,),
        in_specs=[
            pl.BlockSpec((2, NBLK, 1), lambda i: (0, i, 0)),
            pl.BlockSpec((2, NBLK, T1), lambda i: (0, i, 0)),
            pl.BlockSpec((2, NBLK, T1), lambda i: (0, i, 0)),
            pl.BlockSpec((HIDP, OUT_C), lambda i: (0, 0)),
            pl.BlockSpec((1, OUT_C), lambda i: (0, 0)),
        ],
        out_specs=pl.BlockSpec((2, NBLK, T2), lambda i: (0, i, 0)),
        out_shape=jax.ShapeDtypeStruct((2, N, T2), f32),
    )(deg2, acc1, hst1, W2p, b2r)

    acc2 = _sc_scat2(hst2.reshape(2 * N, T2), goff_r2, dstp_r2, z2)

    out = pl.pallas_call(
        _out_body,
        grid=(GRID_N,),
        in_specs=[
            pl.BlockSpec((2, NBLK, 1), lambda i: (0, i, 0)),
            pl.BlockSpec((2, NBLK, T2), lambda i: (0, i, 0)),
            pl.BlockSpec((2, NBLK, T2), lambda i: (0, i, 0)),
        ],
        out_specs=pl.BlockSpec((NBLK, OUT_C), lambda i: (i, 0)),
        out_shape=jax.ShapeDtypeStruct((N, OUT_C), f32),
    )(deg2, acc2, hst2)

    return out

# --- scband reference (transcript-rebuilt; emitter-appended) ---
"""Pipeline reference for scband-gcn-net-88897233092952 (READ-ONLY COPY).

The authoritative reference and input builder live on the scoring server;
editing this copy changes nothing except your own understanding.
"""

import jax, jax.numpy as jnp
import numpy as np

N = 10000
L = 4
IN_C = 128
HID = 300
OUT_C = 128
E = 320000


def setup_inputs(seed: int = 0) -> dict:
    key = jax.random.key(seed)
    k1, k2, k3, k4, k5, k6 = jax.random.split(key, 6)
    x = jax.random.normal(k1, (N, L, IN_C), dtype=jnp.float32)
    edge_index = jax.random.randint(k2, (2, E), 0, N, dtype=jnp.int32)
    # learned params: gcn1.lin (IN_C -> 300), gcn2.lin (300 -> OUT_C)
    W1 = jax.random.normal(k3, (IN_C, HID), dtype=jnp.float32) / np.sqrt(IN_C)
    b1 = jax.random.normal(k4, (HID,), dtype=jnp.float32) * 0.01
    W2 = jax.random.normal(k5, (HID, OUT_C), dtype=jnp.float32) / np.sqrt(HID)
    b2 = jax.random.normal(k6, (OUT_C,), dtype=jnp.float32) * 0.01
    return {"x": x, "edge_index": edge_index, "W1": W1, "b1": b1, "W2": W2, "b2": b2}


def _preprocess_edges(edge_index, num_nodes):
    # remove_self_loops then add_self_loops (as in both GCNCov layers)
    src = edge_index[0]
    dst = edge_index[1]
    mask = src != dst
    loop = jnp.arange(num_nodes, dtype=src.dtype)
    row = jnp.concatenate([src, loop])  # source / j
    col = jnp.concatenate([dst, loop])  # target / i (aggregation index)
    w = jnp.concatenate(
        [mask.astype(jnp.float32), jnp.ones((num_nodes,), jnp.float32)]
    )
    return row, col, w


def _gcn_propagate(h, row, col, w, num_nodes):
    # deg computed over row (source index), per message()
    deg = jnp.zeros((num_nodes,), jnp.float32).at[row].add(w)
    deg_inv_sqrt = jnp.power(deg, -0.5)
    norm = deg_inv_sqrt[row] * deg_inv_sqrt[col] * w
    msg = norm[:, None] * h[row]  # x_j = x[edge_index[0]]
    out = jnp.zeros((num_nodes, h.shape[1]), jnp.float32).at[col].add(msg)  # aggr='add' at target
    return out


def reference(x, edge_index, W1, b1, W2, b2):
    num_nodes = x.shape[0]
    row, col, w = _preprocess_edges(edge_index, num_nodes)
    # GCNCov1: lin, then mean-pool over dim=1, then propagate
    h = x @ W1 + b1              # [N, L, 300]
    h = jnp.mean(h, axis=1)      # entPoolType == 'mean' -> [N, 300]
    h = _gcn_propagate(h, row, col, w, num_nodes)
    h = jax.nn.leaky_relu(h, negative_slope=0.01)
    # GCNCov2: lin then propagate
    h2 = h @ W2 + b2             # [N, OUT_C]
    out = _gcn_propagate(h2, row, col, w, num_nodes)
    return out

if __name__ == "__main__":
    import jax
    _d = setup_inputs()
    print(jax.jit(kernel)(*tuple(_d.values())))

</pallas_src>

<mosaic_0001>
#map = affine_map<(d0, d1) -> (0, 0, 0, 0)>
#map1 = affine_map<(d0, d1) -> (0)>
#map2 = affine_map<(d0, d1) -> (0, 0)>
module attributes {stable_mosaic.version = 14 : i64} {
  func.func @_sc_deg(%arg0: i32, %arg1: i32, %arg2: memref<2x16x80x128xi32, #tpu.memory_space<hbm>>, %arg3: memref<128xf32, #tpu.memory_space<hbm>>, %arg4: memref<640xf32, #tpu.memory_space<hbm>>, %arg5: memref<2x10240xf32, #tpu.memory_space<hbm>>, %arg6: memref<80x128xi32, #tpu.memory_space<vmem>>, %arg7: memref<128xf32, #tpu.memory_space<vmem>>, %arg8: memref<640xf32, #tpu.memory_space<vmem>>, %arg9: memref<10240xf32, #tpu.memory_space<vmem_shared>>) attributes {dimension_semantics = [#tpu.dimension_semantics<core_parallel>, #tpu.dimension_semantics<subcore_parallel>], iteration_bounds = array<i64: 2, 16>, scalar_prefetch = 0 : i64, scratch_operands = 4 : i64, tpu.core_type = #tpu.core_type<sc_vector_subcore>, window_params = [{transform_indices = #map}, {transform_indices = #map1}, {transform_indices = #map1}, {transform_indices = #map2}]} {
    "tpu.region"() ({
      %run_scoped3A = tpu.sem_alloc : memref<!tpu.dma_semaphore, #tpu.memory_space<semaphore_mem>>
      tpu.enqueue_dma source(%arg3 : memref<128xf32, #tpu.memory_space<hbm>>) target(%arg7 : memref<128xf32, #tpu.memory_space<vmem>>) target_semaphore(%run_scoped3A : memref<!tpu.dma_semaphore, #tpu.memory_space<semaphore_mem>>)
      tpu.wait_dma2 semaphore(%run_scoped3A : memref<!tpu.dma_semaphore, #tpu.memory_space<semaphore_mem>>) src(%arg3 : memref<128xf32, #tpu.memory_space<hbm>>) dst(%arg7 : memref<128xf32, #tpu.memory_space<vmem>>)
      tpu.yield
    }) : () -> ()
    "tpu.region"() ({
      %run_scoped3A = tpu.sem_alloc : memref<!tpu.dma_semaphore, #tpu.memory_space<semaphore_mem>>
      tpu.enqueue_dma source(%arg4 : memref<640xf32, #tpu.memory_space<hbm>>) target(%arg8 : memref<640xf32, #tpu.memory_space<vmem>>) target_semaphore(%run_scoped3A : memref<!tpu.dma_semaphore, #tpu.memory_space<semaphore_mem>>)
      tpu.wait_dma2 semaphore(%run_scoped3A : memref<!tpu.dma_semaphore, #tpu.memory_space<semaphore_mem>>) src(%arg4 : memref<640xf32, #tpu.memory_space<hbm>>) dst(%arg8 : memref<640xf32, #tpu.memory_space<vmem>>)
      tpu.yield
    }) : () -> ()
    %mul3A = arith.constant 640 : i32
    %mul3A_0 = arith.muli %arg1, %mul3A : i32
    "tpu.region"() ({
      %run_scoped3A = tpu.sem_alloc : memref<!tpu.dma_semaphore, #tpu.memory_space<semaphore_mem>>
      %dma_start3A = tpu.memref_slice %arg9[%mul3A_0] : memref<10240xf32, #tpu.memory_space<vmem_shared>> -> memref<640xf32, #tpu.memory_space<vmem_shared>>
      %dma_start3A_10 = tpu.memref_slice %arg9[%mul3A_0] : memref<10240xf32, #tpu.memory_space<vmem_shared>> -> memref<640xf32, #tpu.memory_space<vmem_shared>>
      tpu.enqueue_dma source(%arg8 : memref<640xf32, #tpu.memory_space<vmem>>) target(%dma_start3A_10 : memref<640xf32, #tpu.memory_space<vmem_shared>>) target_semaphore(%run_scoped3A : memref<!tpu.dma_semaphore, #tpu.memory_space<semaphore_mem>>)
      %dma_wait3A = tpu.memref_slice %arg9[%mul3A_0] : memref<10240xf32, #tpu.memory_space<vmem_shared>> -> memref<640xf32, #tpu.memory_space<vmem_shared>>
      %dma_wait3A_11 = tpu.memref_slice %arg9[%mul3A_0] : memref<10240xf32, #tpu.memory_space<vmem_shared>> -> memref<640xf32, #tpu.memory_space<vmem_shared>>
      tpu.wait_dma2 semaphore(%run_scoped3A : memref<!tpu.dma_semaphore, #tpu.memory_space<semaphore_mem>>) src(%arg8 : memref<640xf32, #tpu.memory_space<vmem>>) dst(%dma_wait3A_11 : memref<640xf32, #tpu.memory_space<vmem_shared>>)
      tpu.yield
    }) : () -> ()
    "tpu.region"() ({
      %run_scoped3A = tpu.sem_alloc : memref<!tpu.dma_semaphore, #tpu.memory_space<semaphore_mem>>
      %dma_start3A = arith.constant 0 : i32
      %dma_start3A_10 = arith.constant 0 : i32
      %dma_start3A_11 = tpu.memref_slice %arg2[%arg0, %arg1, %dma_start3A, %dma_start3A_10] : memref<2x16x80x128xi32, #tpu.memory_space<hbm>> -> memref<1x1x80x128xi32, #tpu.memory_space<hbm>>
      %dma_start3A_12 = tpu.memref_squeeze %dma_start3A_11 : memref<1x1x80x128xi32, #tpu.memory_space<hbm>> -> memref<80x128xi32, #tpu.memory_space<hbm>>
      %dma_start3A_13 = arith.constant 0 : i32
      %dma_start3A_14 = arith.constant 0 : i32
      %dma_start3A_15 = tpu.memref_slice %arg2[%arg0, %arg1, %dma_start3A_13, %dma_start3A_14] : memref<2x16x80x128xi32, #tpu.memory_space<hbm>> -> memref<1x1x80x128xi32, #tpu.memory_space<hbm>>
      %dma_start3A_16 = tpu.memref_squeeze %dma_start3A_15 : memref<1x1x80x128xi32, #tpu.memory_space<hbm>> -> memref<80x128xi32, #tpu.memory_space<hbm>>
      tpu.enqueue_dma source(%dma_start3A_16 : memref<80x128xi32, #tpu.memory_space<hbm>>) target(%arg6 : memref<80x128xi32, #tpu.memory_space<vmem>>) target_semaphore(%run_scoped3A : memref<!tpu.dma_semaphore, #tpu.memory_space<semaphore_mem>>)
      %dma_wait3A = arith.constant 0 : i32
      %dma_wait3A_17 = arith.constant 0 : i32
      %dma_wait3A_18 = tpu.memref_slice %arg2[%arg0, %arg1, %dma_wait3A, %dma_wait3A_17] : memref<2x16x80x128xi32, #tpu.memory_space<hbm>> -> memref<1x1x80x128xi32, #tpu.memory_space<hbm>>
      %dma_wait3A_19 = tpu.memref_squeeze %dma_wait3A_18 : memref<1x1x80x128xi32, #tpu.memory_space<hbm>> -> memref<80x128xi32, #tpu.memory_space<hbm>>
      %dma_wait3A_20 = arith.constant 0 : i32
      %dma_wait3A_21 = arith.constant 0 : i32
      %dma_wait3A_22 = tpu.memref_slice %arg2[%arg0, %arg1, %dma_wait3A_20, %dma_wait3A_21] : memref<2x16x80x128xi32, #tpu.memory_space<hbm>> -> memref<1x1x80x128xi32, #tpu.memory_space<hbm>>
      %dma_wait3A_23 = tpu.memref_squeeze %dma_wait3A_22 : memref<1x1x80x128xi32, #tpu.memory_space<hbm>> -> memref<80x128xi32, #tpu.memory_space<hbm>>
      tpu.wait_dma2 semaphore(%run_scoped3A : memref<!tpu.dma_semaphore, #tpu.memory_space<semaphore_mem>>) src(%dma_wait3A_23 : memref<80x128xi32, #tpu.memory_space<hbm>>) dst(%arg6 : memref<80x128xi32, #tpu.memory_space<vmem>>)
      tpu.yield
    }) : () -> ()
    %barrier3A = arith.constant 0 : index
    tpu.barrier barrier_id(%barrier3A)
    %scan3A = arith.constant 0 : i32
    %scan3A_1 = arith.constant 80 : i32
    %scan3A_2 = arith.addi %scan3A, %scan3A_1 : i32
    %scan3A_3 = arith.constant 1 : i32
    scf.for %scan3A_10 = %scan3A to %scan3A_2 step %scan3A_3  : i32 {
      %mul3A_11 = arith.constant 1 : i32
      %mul3A_12 = arith.muli %scan3A_10, %mul3A_11 : i32
      %add3A = arith.constant 0 : i32
      %add3A_13 = arith.addi %add3A, %mul3A_12 : i32
      "tpu.region"() ({
        %run_scoped3A = tpu.sem_alloc : memref<!tpu.dma_semaphore, #tpu.memory_space<semaphore_mem>>
        %dma_start3A = arith.constant 0 : i32
        %dma_start3A_14 = tpu.memref_slice %arg6[%add3A_13, %dma_start3A] : memref<80x128xi32, #tpu.memory_space<vmem>> -> memref<1x128xi32, #tpu.memory_space<vmem>>
        %dma_start3A_15 = tpu.memref_squeeze %dma_start3A_14 : memref<1x128xi32, #tpu.memory_space<vmem>> -> memref<128xi32, #tpu.memory_space<vmem>>
        %dma_start3A_16 = arith.constant 0 : i32
        %dma_start3A_17 = tpu.memref_slice %arg9[%dma_start3A_16] : memref<10240xf32, #tpu.memory_space<vmem_shared>> -> memref<10240xf32, #tpu.memory_space<vmem_shared>>
        tpu.enqueue_indirect_dma source(%arg7 : memref<128xf32, #tpu.memory_space<vmem>>) target(%dma_start3A_17 : memref<10240xf32, #tpu.memory_space<vmem_shared>>) offsets(%dma_start3A_15 : memref<128xi32, #tpu.memory_space<vmem>>) semaphore(%run_scoped3A : memref<!tpu.dma_semaphore, #tpu.memory_space<semaphore_mem>>) {add = true}
        %dma_wait3A = arith.constant 0 : i32
        %dma_wait3A_18 = tpu.memref_slice %arg6[%add3A_13, %dma_wait3A] : memref<80x128xi32, #tpu.memory_space<vmem>> -> memref<1x128xi32, #tpu.memory_space<vmem>>
        %dma_wait3A_19 = tpu.memref_squeeze %dma_wait3A_18 : memref<1x128xi32, #tpu.memory_space<vmem>> -> memref<128xi32, #tpu.memory_space<vmem>>
        %dma_wait3A_20 = arith.constant 0 : i32
        %dma_wait3A_21 = tpu.memref_slice %arg9[%dma_wait3A_20] : memref<10240xf32, #tpu.memory_space<vmem_shared>> -> memref<10240xf32, #tpu.memory_space<vmem_shared>>
        tpu.wait_indirect_dma semaphore(%run_scoped3A : memref<!tpu.dma_semaphore, #tpu.memory_space<semaphore_mem>>) src(%arg7 : memref<128xf32, #tpu.memory_space<vmem>>) dst(%dma_wait3A_21 : memref<10240xf32, #tpu.memory_space<vmem_shared>>)
        tpu.yield
      }) : () -> ()
    }
    %scan3A_4 = arith.constant 80 : i32
    %barrier3A_5 = arith.constant 0 : index
    tpu.barrier barrier_id(%barrier3A_5)
    %mul3A_6 = arith.constant 640 : i32
    %mul3A_7 = arith.muli %arg1, %mul3A_6 : i32
    "tpu.region"() ({
      %run_scoped3A = tpu.sem_alloc : memref<!tpu.dma_semaphore, #tpu.memory_space<semaphore_mem>>
      %dma_start3A = tpu.memref_slice %arg9[%mul3A_7] : memref<10240xf32, #tpu.memory_space<vmem_shared>> -> memref<640xf32, #tpu.memory_space<vmem_shared>>
      %dma_start3A_10 = tpu.memref_slice %arg9[%mul3A_7] : memref<10240xf32, #tpu.memory_space<vmem_shared>> -> memref<640xf32, #tpu.memory_space<vmem_shared>>
      tpu.enqueue_dma source(%dma_start3A_10 : memref<640xf32, #tpu.memory_space<vmem_shared>>) target(%arg8 : memref<640xf32, #tpu.memory_space<vmem>>) target_semaphore(%run_scoped3A : memref<!tpu.dma_semaphore, #tpu.memory_space<semaphore_mem>>)
      %dma_wait3A = tpu.memref_slice %arg9[%mul3A_7] : memref<10240xf32, #tpu.memory_space<vmem_shared>> -> memref<640xf32, #tpu.memory_space<vmem_shared>>
      %dma_wait3A_11 = tpu.memref_slice %arg9[%mul3A_7] : memref<10240xf32, #tpu.memory_space<vmem_shared>> -> memref<640xf32, #tpu.memory_space<vmem_shared>>
      tpu.wait_dma2 semaphore(%run_scoped3A : memref<!tpu.dma_semaphore, #tpu.memory_space<semaphore_mem>>) src(%dma_wait3A_11 : memref<640xf32, #tpu.memory_space<vmem_shared>>) dst(%arg8 : memref<640xf32, #tpu.memory_space<vmem>>)
      tpu.yield
    }) : () -> ()
    %mul3A_8 = arith.constant 640 : i32
    %mul3A_9 = arith.muli %arg1, %mul3A_8 : i32
    "tpu.region"() ({
      %run_scoped3A = tpu.sem_alloc : memref<!tpu.dma_semaphore, #tpu.memory_space<semaphore_mem>>
      %dma_start3A = tpu.memref_slice %arg5[%arg0, %mul3A_9] : memref<2x10240xf32, #tpu.memory_space<hbm>> -> memref<1x640xf32, #tpu.memory_space<hbm>>
      %dma_start3A_10 = tpu.memref_squeeze %dma_start3A : memref<1x640xf32, #tpu.memory_space<hbm>> -> memref<640xf32, #tpu.memory_space<hbm>>
      %dma_start3A_11 = tpu.memref_slice %arg5[%arg0, %mul3A_9] : memref<2x10240xf32, #tpu.memory_space<hbm>> -> memref<1x640xf32, #tpu.memory_space<hbm>>
      %dma_start3A_12 = tpu.memref_squeeze %dma_start3A_11 : memref<1x640xf32, #tpu.memory_space<hbm>> -> memref<640xf32, #tpu.memory_space<hbm>>
      tpu.enqueue_dma source(%arg8 : memref<640xf32, #tpu.memory_space<vmem>>) target(%dma_start3A_12 : memref<640xf32, #tpu.memory_space<hbm>>) target_semaphore(%run_scoped3A : memref<!tpu.dma_semaphore, #tpu.memory_space<semaphore_mem>>)
      %dma_wait3A = tpu.memref_slice %arg5[%arg0, %mul3A_9] : memref<2x10240xf32, #tpu.memory_space<hbm>> -> memref<1x640xf32, #tpu.memory_space<hbm>>
      %dma_wait3A_13 = tpu.memref_squeeze %dma_wait3A : memref<1x640xf32, #tpu.memory_space<hbm>> -> memref<640xf32, #tpu.memory_space<hbm>>
      %dma_wait3A_14 = tpu.memref_slice %arg5[%arg0, %mul3A_9] : memref<2x10240xf32, #tpu.memory_space<hbm>> -> memref<1x640xf32, #tpu.memory_space<hbm>>
      %dma_wait3A_15 = tpu.memref_squeeze %dma_wait3A_14 : memref<1x640xf32, #tpu.memory_space<hbm>> -> memref<640xf32, #tpu.memory_space<hbm>>
      tpu.wait_dma2 semaphore(%run_scoped3A : memref<!tpu.dma_semaphore, #tpu.memory_space<semaphore_mem>>) src(%arg8 : memref<640xf32, #tpu.memory_space<vmem>>) dst(%dma_wait3A_15 : memref<640xf32, #tpu.memory_space<hbm>>)
      tpu.yield
    }) : () -> ()
    return
  }
}

#map = affine_map<(d0, d1) -> (0, 0)>
#map1 = affine_map<(d0, d1) -> (0, 0, 0, 0)>
#map2 = affine_map<(d0, d1) -> (0, 0, 0)>
module attributes {stable_mosaic.version = 14 : i64} {
  func.func @_body(%arg0: i32, %arg1: i32, %arg2: memref<20000x152xf32, #tpu.memory_space<hbm>>, %arg3: memref<2x16x256x80xi32, #tpu.memory_space<hbm>>, %arg4: memref<16x256x80xi32, #tpu.memory_space<hbm>>, %arg5: memref<80x152xf32, #tpu.memory_space<hbm>>, %arg6: memref<2x10112x152xf32, #tpu.memory_space<hbm>>, %arg7: memref<32x80xi32, #tpu.memory_space<vmem>>, %arg8: memref<32x80xi32, #tpu.memory_space<vmem>>, %arg9: memref<32x80xi32, #tpu.memory_space<vmem>>, %arg10: memref<32x80xi32, #tpu.memory_space<vmem>>, %arg11: memref<80x152xf32, #tpu.memory_space<vmem>>, %arg12: memref<80x152xf32, #tpu.memory_space<vmem>>, %arg13: memref<10112x152xf32, #tpu.memory_space<vmem_shared>>, %arg14: memref<!tpu.dma_semaphore, #tpu.memory_space<semaphore_mem>>, %arg15: memref<!tpu.dma_semaphore, #tpu.memory_space<semaphore_mem>>) attributes {dimension_semantics = [#tpu.dimension_semantics<core_parallel>, #tpu.dimension_semantics<subcore_parallel>], iteration_bounds = array<i64: 2, 16>, scalar_prefetch = 0 : i64, scratch_operands = 9 : i64, tpu.core_type = #tpu.core_type<sc_vector_subcore>, window_params = [{transform_indices = #map}, {transform_indices = #map1}, {transform_indices = #map2}, {transform_indices = #map}, {transform_indices = #map2}]} {
    "tpu.region"() ({
      %run_scoped3A = tpu.sem_alloc : memref<!tpu.dma_semaphore, #tpu.memory_space<semaphore_mem>>
      tpu.enqueue_dma source(%arg5 : memref<80x152xf32, #tpu.memory_space<hbm>>) target(%arg11 : memref<80x152xf32, #tpu.memory_space<vmem>>) target_semaphore(%run_scoped3A : memref<!tpu.dma_semaphore, #tpu.memory_space<semaphore_mem>>)
      tpu.wait_dma2 semaphore(%run_scoped3A : memref<!tpu.dma_semaphore, #tpu.memory_space<semaphore_mem>>) src(%arg5 : memref<80x152xf32, #tpu.memory_space<hbm>>) dst(%arg11 : memref<80x152xf32, #tpu.memory_space<vmem>>)
      tpu.yield
    }) : () -> ()
    %scan3A = arith.constant 0 : i32
    %scan3A_0 = arith.constant 7 : i32
    %scan3A_1 = arith.addi %scan3A, %scan3A_0 : i32
    %scan3A_2 = arith.constant 1 : i32
    scf.for %scan3A_16 = %scan3A to %scan3A_1 step %scan3A_2  : i32 {
      %mul3A_17 = arith.constant 1 : i32
      %mul3A_18 = arith.muli %scan3A_16, %mul3A_17 : i32
      %add3A_19 = arith.constant 0 : i32
      %add3A_20 = arith.addi %add3A_19, %mul3A_18 : i32
      %mul3A_21 = arith.constant 632 : i32
      %mul3A_22 = arith.muli %arg1, %mul3A_21 : i32
      %mul3A_23 = arith.constant 80 : i32
      %mul3A_24 = arith.muli %add3A_20, %mul3A_23 : i32
      %add3A_25 = arith.addi %mul3A_22, %mul3A_24 : i32
      "tpu.region"() ({
        %run_scoped3A = tpu.sem_alloc : memref<!tpu.dma_semaphore, #tpu.memory_space<semaphore_mem>>
        %dma_start3A = arith.constant 0 : i32
        %dma_start3A_26 = tpu.memref_slice %arg13[%add3A_25, %dma_start3A] : memref<10112x152xf32, #tpu.memory_space<vmem_shared>> -> memref<80x152xf32, #tpu.memory_space<vmem_shared>>
        %dma_start3A_27 = arith.constant 0 : i32
        %dma_start3A_28 = tpu.memref_slice %arg13[%add3A_25, %dma_start3A_27] : memref<10112x152xf32, #tpu.memory_space<vmem_shared>> -> memref<80x152xf32, #tpu.memory_space<vmem_shared>>
        tpu.enqueue_dma source(%arg11 : memref<80x152xf32, #tpu.memory_space<vmem>>) target(%dma_start3A_28 : memref<80x152xf32, #tpu.memory_space<vmem_shared>>) target_semaphore(%run_scoped3A : memref<!tpu.dma_semaphore, #tpu.memory_space<semaphore_mem>>)
        %dma_wait3A = arith.constant 0 : i32
        %dma_wait3A_29 = tpu.memref_slice %arg13[%add3A_25, %dma_wait3A] : memref<10112x152xf32, #tpu.memory_space<vmem_shared>> -> memref<80x152xf32, #tpu.memory_space<vmem_shared>>
        %dma_wait3A_30 = arith.constant 0 : i32
        %dma_wait3A_31 = tpu.memref_slice %arg13[%add3A_25, %dma_wait3A_30] : memref<10112x152xf32, #tpu.memory_space<vmem_shared>> -> memref<80x152xf32, #tpu.memory_space<vmem_shared>>
        tpu.wait_dma2 semaphore(%run_scoped3A : memref<!tpu.dma_semaphore, #tpu.memory_space<semaphore_mem>>) src(%arg11 : memref<80x152xf32, #tpu.memory_space<vmem>>) dst(%dma_wait3A_31 : memref<80x152xf32, #tpu.memory_space<vmem_shared>>)
        tpu.yield
      }) : () -> ()
    }
    %scan3A_3 = arith.constant 7 : i32
    %mul3A = arith.constant 632 : i32
    %mul3A_4 = arith.muli %arg1, %mul3A : i32
    %add3A = arith.constant 560 : i32
    %add3A_5 = arith.addi %mul3A_4, %add3A : i32
    "tpu.region"() ({
      %run_scoped3A = tpu.sem_alloc : memref<!tpu.dma_semaphore, #tpu.memory_space<semaphore_mem>>
      %dma_start3A = arith.constant 0 : i32
      %dma_start3A_16 = arith.constant 0 : i32
      %dma_start3A_17 = tpu.memref_slice %arg11[%dma_start3A, %dma_start3A_16] : memref<80x152xf32, #tpu.memory_space<vmem>> -> memref<72x152xf32, #tpu.memory_space<vmem>>
      %dma_start3A_18 = arith.constant 0 : i32
      %dma_start3A_19 = tpu.memref_slice %arg13[%add3A_5, %dma_start3A_18] : memref<10112x152xf32, #tpu.memory_space<vmem_shared>> -> memref<72x152xf32, #tpu.memory_space<vmem_shared>>
      %dma_start3A_20 = arith.constant 0 : i32
      %dma_start3A_21 = tpu.memref_slice %arg13[%add3A_5, %dma_start3A_20] : memref<10112x152xf32, #tpu.memory_space<vmem_shared>> -> memref<72x152xf32, #tpu.memory_space<vmem_shared>>
      %dma_start3A_22 = arith.constant 0 : i32
      %dma_start3A_23 = arith.constant 0 : i32
      %dma_start3A_24 = tpu.memref_slice %arg11[%dma_start3A_22, %dma_start3A_23] : memref<80x152xf32, #tpu.memory_space<vmem>> -> memref<72x152xf32, #tpu.memory_space<vmem>>
      tpu.enqueue_dma source(%dma_start3A_24 : memref<72x152xf32, #tpu.memory_space<vmem>>) target(%dma_start3A_21 : memref<72x152xf32, #tpu.memory_space<vmem_shared>>) target_semaphore(%run_scoped3A : memref<!tpu.dma_semaphore, #tpu.memory_space<semaphore_mem>>)
      %dma_wait3A = arith.constant 0 : i32
      %dma_wait3A_25 = arith.constant 0 : i32
      %dma_wait3A_26 = tpu.memref_slice %arg11[%dma_wait3A, %dma_wait3A_25] : memref<80x152xf32, #tpu.memory_space<vmem>> -> memref<72x152xf32, #tpu.memory_space<vmem>>
      %dma_wait3A_27 = arith.constant 0 : i32
      %dma_wait3A_28 = tpu.memref_slice %arg13[%add3A_5, %dma_wait3A_27] : memref<10112x152xf32, #tpu.memory_space<vmem_shared>> -> memref<72x152xf32, #tpu.memory_space<vmem_shared>>
      %dma_wait3A_29 = arith.constant 0 : i32
      %dma_wait3A_30 = tpu.memref_slice %arg13[%add3A_5, %dma_wait3A_29] : memref<10112x152xf32, #tpu.memory_space<vmem_shared>> -> memref<72x152xf32, #tpu.memory_space<vmem_shared>>
      %dma_wait3A_31 = arith.constant 0 : i32
      %dma_wait3A_32 = arith.constant 0 : i32
      %dma_wait3A_33 = tpu.memref_slice %arg11[%dma_wait3A_31, %dma_wait3A_32] : memref<80x152xf32, #tpu.memory_space<vmem>> -> memref<72x152xf32, #tpu.memory_space<vmem>>
      tpu.wait_dma2 semaphore(%run_scoped3A : memref<!tpu.dma_semaphore, #tpu.memory_space<semaphore_mem>>) src(%dma_wait3A_33 : memref<72x152xf32, #tpu.memory_space<vmem>>) dst(%dma_wait3A_30 : memref<72x152xf32, #tpu.memory_space<vmem_shared>>)
      tpu.yield
    }) : () -> ()
    %barrier3A = arith.constant 0 : index
    tpu.barrier barrier_id(%barrier3A)
    "tpu.region"() ({
      %run_scoped3A = tpu.sem_alloc : memref<!tpu.dma_semaphore, #tpu.memory_space<semaphore_mem>>
      %dma_start3A = arith.constant 0 : i32
      %dma_start3A_16 = arith.constant 0 : i32
      %dma_start3A_17 = tpu.memref_slice %arg3[%arg0, %arg1, %dma_start3A, %dma_start3A_16] : memref<2x16x256x80xi32, #tpu.memory_space<hbm>> -> memref<1x1x32x80xi32, #tpu.memory_space<hbm>>
      %dma_start3A_18 = tpu.memref_squeeze %dma_start3A_17 : memref<1x1x32x80xi32, #tpu.memory_space<hbm>> -> memref<32x80xi32, #tpu.memory_space<hbm>>
      %dma_start3A_19 = arith.constant 0 : i32
      %dma_start3A_20 = arith.constant 0 : i32
      %dma_start3A_21 = tpu.memref_slice %arg3[%arg0, %arg1, %dma_start3A_19, %dma_start3A_20] : memref<2x16x256x80xi32, #tpu.memory_space<hbm>> -> memref<1x1x32x80xi32, #tpu.memory_space<hbm>>
      %dma_start3A_22 = tpu.memref_squeeze %dma_start3A_21 : memref<1x1x32x80xi32, #tpu.memory_space<hbm>> -> memref<32x80xi32, #tpu.memory_space<hbm>>
      tpu.enqueue_dma source(%dma_start3A_22 : memref<32x80xi32, #tpu.memory_space<hbm>>) target(%arg7 : memref<32x80xi32, #tpu.memory_space<vmem>>) target_semaphore(%run_scoped3A : memref<!tpu.dma_semaphore, #tpu.memory_space<semaphore_mem>>)
      %dma_wait3A = arith.constant 0 : i32
      %dma_wait3A_23 = arith.constant 0 : i32
      %dma_wait3A_24 = tpu.memref_slice %arg3[%arg0, %arg1, %dma_wait3A, %dma_wait3A_23] : memref<2x16x256x80xi32, #tpu.memory_space<hbm>> -> memref<1x1x32x80xi32, #tpu.memory_space<hbm>>
      %dma_wait3A_25 = tpu.memref_squeeze %dma_wait3A_24 : memref<1x1x32x80xi32, #tpu.memory_space<hbm>> -> memref<32x80xi32, #tpu.memory_space<hbm>>
      %dma_wait3A_26 = arith.constant 0 : i32
      %dma_wait3A_27 = arith.constant 0 : i32
      %dma_wait3A_28 = tpu.memref_slice %arg3[%arg0, %arg1, %dma_wait3A_26, %dma_wait3A_27] : memref<2x16x256x80xi32, #tpu.memory_space<hbm>> -> memref<1x1x32x80xi32, #tpu.memory_space<hbm>>
      %dma_wait3A_29 = tpu.memref_squeeze %dma_wait3A_28 : memref<1x1x32x80xi32, #tpu.memory_space<hbm>> -> memref<32x80xi32, #tpu.memory_space<hbm>>
      tpu.wait_dma2 semaphore(%run_scoped3A : memref<!tpu.dma_semaphore, #tpu.memory_space<semaphore_mem>>) src(%dma_wait3A_29 : memref<32x80xi32, #tpu.memory_space<hbm>>) dst(%arg7 : memref<32x80xi32, #tpu.memory_space<vmem>>)
      tpu.yield
    }) : () -> ()
    "tpu.region"() ({
      %run_scoped3A = tpu.sem_alloc : memref<!tpu.dma_semaphore, #tpu.memory_space<semaphore_mem>>
      %dma_start3A = arith.constant 0 : i32
      %dma_start3A_16 = arith.constant 0 : i32
      %dma_start3A_17 = tpu.memref_slice %arg4[%arg1, %dma_start3A, %dma_start3A_16] : memref<16x256x80xi32, #tpu.memory_space<hbm>> -> memref<1x32x80xi32, #tpu.memory_space<hbm>>
      %dma_start3A_18 = tpu.memref_squeeze %dma_start3A_17 : memref<1x32x80xi32, #tpu.memory_space<hbm>> -> memref<32x80xi32, #tpu.memory_space<hbm>>
      %dma_start3A_19 = arith.constant 0 : i32
      %dma_start3A_20 = arith.constant 0 : i32
      %dma_start3A_21 = tpu.memref_slice %arg4[%arg1, %dma_start3A_19, %dma_start3A_20] : memref<16x256x80xi32, #tpu.memory_space<hbm>> -> memref<1x32x80xi32, #tpu.memory_space<hbm>>
      %dma_start3A_22 = tpu.memref_squeeze %dma_start3A_21 : memref<1x32x80xi32, #tpu.memory_space<hbm>> -> memref<32x80xi32, #tpu.memory_space<hbm>>
      tpu.enqueue_dma source(%dma_start3A_22 : memref<32x80xi32, #tpu.memory_space<hbm>>) target(%arg8 : memref<32x80xi32, #tpu.memory_space<vmem>>) target_semaphore(%run_scoped3A : memref<!tpu.dma_semaphore, #tpu.memory_space<semaphore_mem>>)
      %dma_wait3A = arith.constant 0 : i32
      %dma_wait3A_23 = arith.constant 0 : i32
      %dma_wait3A_24 = tpu.memref_slice %arg4[%arg1, %dma_wait3A, %dma_wait3A_23] : memref<16x256x80xi32, #tpu.memory_space<hbm>> -> memref<1x32x80xi32, #tpu.memory_space<hbm>>
      %dma_wait3A_25 = tpu.memref_squeeze %dma_wait3A_24 : memref<1x32x80xi32, #tpu.memory_space<hbm>> -> memref<32x80xi32, #tpu.memory_space<hbm>>
      %dma_wait3A_26 = arith.constant 0 : i32
      %dma_wait3A_27 = arith.constant 0 : i32
      %dma_wait3A_28 = tpu.memref_slice %arg4[%arg1, %dma_wait3A_26, %dma_wait3A_27] : memref<16x256x80xi32, #tpu.memory_space<hbm>> -> memref<1x32x80xi32, #tpu.memory_space<hbm>>
      %dma_wait3A_29 = tpu.memref_squeeze %dma_wait3A_28 : memref<1x32x80xi32, #tpu.memory_space<hbm>> -> memref<32x80xi32, #tpu.memory_space<hbm>>
      tpu.wait_dma2 semaphore(%run_scoped3A : memref<!tpu.dma_semaphore, #tpu.memory_space<semaphore_mem>>) src(%dma_wait3A_29 : memref<32x80xi32, #tpu.memory_space<hbm>>) dst(%arg8 : memref<32x80xi32, #tpu.memory_space<vmem>>)
      tpu.yield
    }) : () -> ()
    %scan3A_6 = arith.constant 0 : i32
    %scan3A_7 = arith.constant 4 : i32
    %scan3A_8 = arith.addi %scan3A_6, %scan3A_7 : i32
    %scan3A_9 = arith.constant 1 : i32
    scf.for %scan3A_16 = %scan3A_6 to %scan3A_8 step %scan3A_9  : i32 {
      %mul3A_17 = arith.constant 1 : i32
      %mul3A_18 = arith.muli %scan3A_16, %mul3A_17 : i32
      %add3A_19 = arith.constant 0 : i32
      %add3A_20 = arith.addi %add3A_19, %mul3A_18 : i32
      %mul3A_21 = arith.constant 2 : i32
      %mul3A_22 = arith.muli %mul3A_21, %add3A_20 : i32
      %add3A_23 = arith.constant 1 : i32
      %add3A_24 = arith.addi %mul3A_22, %add3A_23 : i32
      %mul3A_25 = arith.constant 32 : i32
      %mul3A_26 = arith.muli %add3A_24, %mul3A_25 : i32
      %dma_start3A = arith.constant 0 : i32
      %dma_start3A_27 = tpu.memref_slice %arg3[%arg0, %arg1, %mul3A_26, %dma_start3A] : memref<2x16x256x80xi32, #tpu.memory_space<hbm>> -> memref<1x1x32x80xi32, #tpu.memory_space<hbm>>
      %dma_start3A_28 = tpu.memref_squeeze %dma_start3A_27 : memref<1x1x32x80xi32, #tpu.memory_space<hbm>> -> memref<32x80xi32, #tpu.memory_space<hbm>>
      %dma_start3A_29 = arith.constant 0 : i32
      %dma_start3A_30 = tpu.memref_slice %arg3[%arg0, %arg1, %mul3A_26, %dma_start3A_29] : memref<2x16x256x80xi32, #tpu.memory_space<hbm>> -> memref<1x1x32x80xi32, #tpu.memory_space<hbm>>
      %dma_start3A_31 = tpu.memref_squeeze %dma_start3A_30 : memref<1x1x32x80xi32, #tpu.memory_space<hbm>> -> memref<32x80xi32, #tpu.memory_space<hbm>>
      tpu.enqueue_dma source(%dma_start3A_31 : memref<32x80xi32, #tpu.memory_space<hbm>>) target(%arg9 : memref<32x80xi32, #tpu.memory_space<vmem>>) target_semaphore(%arg15 : memref<!tpu.dma_semaphore, #tpu.memory_space<semaphore_mem>>)
      %mul3A_32 = arith.constant 32 : i32
      %mul3A_33 = arith.muli %add3A_24, %mul3A_32 : i32
      %dma_start3A_34 = arith.constant 0 : i32
      %dma_start3A_35 = tpu.memref_slice %arg4[%arg1, %mul3A_33, %dma_start3A_34] : memref<16x256x80xi32, #tpu.memory_space<hbm>> -> memref<1x32x80xi32, #tpu.memory_space<hbm>>
      %dma_start3A_36 = tpu.memref_squeeze %dma_start3A_35 : memref<1x32x80xi32, #tpu.memory_space<hbm>> -> memref<32x80xi32, #tpu.memory_space<hbm>>
      %dma_start3A_37 = arith.constant 0 : i32
      %dma_start3A_38 = tpu.memref_slice %arg4[%arg1, %mul3A_33, %dma_start3A_37] : memref<16x256x80xi32, #tpu.memory_space<hbm>> -> memref<1x32x80xi32, #tpu.memory_space<hbm>>
      %dma_start3A_39 = tpu.memref_squeeze %dma_start3A_38 : memref<1x32x80xi32, #tpu.memory_space<hbm>> -> memref<32x80xi32, #tpu.memory_space<hbm>>
      tpu.enqueue_dma source(%dma_start3A_39 : memref<32x80xi32, #tpu.memory_space<hbm>>) target(%arg10 : memref<32x80xi32, #tpu.memory_space<vmem>>) target_semaphore(%arg15 : memref<!tpu.dma_semaphore, #tpu.memory_space<semaphore_mem>>)
      %dma_start3A_40 = arith.constant 0 : i32
      %dma_start3A_41 = arith.constant 0 : i32
      %dma_start3A_42 = tpu.memref_slice %arg7[%dma_start3A_40, %dma_start3A_41] : memref<32x80xi32, #tpu.memory_space<vmem>> -> memref<1x80xi32, #tpu.memory_space<vmem>>
      %dma_start3A_43 = tpu.memref_squeeze %dma_start3A_42 : memref<1x80xi32, #tpu.memory_space<vmem>> -> memref<80xi32, #tpu.memory_space<vmem>>
      %dma_start3A_44 = arith.constant 0 : i32
      %dma_start3A_45 = arith.constant 0 : i32
      %dma_start3A_46 = tpu.memref_slice %arg2[%dma_start3A_44, %dma_start3A_45] : memref<20000x152xf32, #tpu.memory_space<hbm>> -> memref<20000x152xf32, #tpu.memory_space<hbm>>
      tpu.enqueue_indirect_dma source(%dma_start3A_46 : memref<20000x152xf32, #tpu.memory_space<hbm>>) target(%arg11 : memref<80x152xf32, #tpu.memory_space<vmem>>) offsets(%dma_start3A_43 : memref<80xi32, #tpu.memory_space<vmem>>) semaphore(%arg14 : memref<!tpu.dma_semaphore, #tpu.memory_space<semaphore_mem>>)
      %scan3A_47 = arith.constant 0 : i32
      %scan3A_48 = arith.constant 15 : i32
      %scan3A_49 = arith.addi %scan3A_47, %scan3A_48 : i32
      %scan3A_50 = arith.constant 1 : i32
      scf.for %scan3A_135 = %scan3A_47 to %scan3A_49 step %scan3A_50  : i32 {
        %mul3A_136 = arith.constant 1 : i32
        %mul3A_137 = arith.muli %scan3A_135, %mul3A_136 : i32
        %add3A_138 = arith.constant 0 : i32
        %add3A_139 = arith.addi %add3A_138, %mul3A_137 : i32
        %mul3A_140 = arith.constant 2 : i32
        %mul3A_141 = arith.muli %mul3A_140, %add3A_139 : i32
        %dma_wait3A_142 = arith.constant 0 : i32
        %dma_wait3A_143 = tpu.memref_slice %arg7[%mul3A_141, %dma_wait3A_142] : memref<32x80xi32, #tpu.memory_space<vmem>> -> memref<1x80xi32, #tpu.memory_space<vmem>>
        %dma_wait3A_144 = tpu.memref_squeeze %dma_wait3A_143 : memref<1x80xi32, #tpu.memory_space<vmem>> -> memref<80xi32, #tpu.memory_space<vmem>>
        %dma_wait3A_145 = arith.constant 0 : i32
        %dma_wait3A_146 = arith.constant 0 : i32
        %dma_wait3A_147 = tpu.memref_slice %arg2[%dma_wait3A_145, %dma_wait3A_146] : memref<20000x152xf32, #tpu.memory_space<hbm>> -> memref<20000x152xf32, #tpu.memory_space<hbm>>
        tpu.wait_indirect_dma semaphore(%arg14 : memref<!tpu.dma_semaphore, #tpu.memory_space<semaphore_mem>>) src(%dma_wait3A_147 : memref<20000x152xf32, #tpu.memory_space<hbm>>) dst(%arg11 : memref<80x152xf32, #tpu.memory_space<vmem>>)
        %add3A_148 = arith.constant 1 : i32
        %add3A_149 = arith.addi %mul3A_141, %add3A_148 : i32
        %dma_start3A_150 = arith.constant 0 : i32
        %dma_start3A_151 = tpu.memref_slice %arg7[%add3A_149, %dma_start3A_150] : memref<32x80xi32, #tpu.memory_space<vmem>> -> memref<1x80xi32, #tpu.memory_space<vmem>>
        %dma_start3A_152 = tpu.memref_squeeze %dma_start3A_151 : memref<1x80xi32, #tpu.memory_space<vmem>> -> memref<80xi32, #tpu.memory_space<vmem>>
        %dma_start3A_153 = arith.constant 0 : i32
        %dma_start3A_154 = arith.constant 0 : i32
        %dma_start3A_155 = tpu.memref_slice %arg2[%dma_start3A_153, %dma_start3A_154] : memref<20000x152xf32, #tpu.memory_space<hbm>> -> memref<20000x152xf32, #tpu.memory_space<hbm>>
        tpu.enqueue_indirect_dma source(%dma_start3A_155 : memref<20000x152xf32, #tpu.memory_space<hbm>>) target(%arg12 : memref<80x152xf32, #tpu.memory_space<vmem>>) offsets(%dma_start3A_152 : memref<80xi32, #tpu.memory_space<vmem>>) semaphore(%arg14 : memref<!tpu.dma_semaphore, #tpu.memory_space<semaphore_mem>>)
        "tpu.region"() ({
          %run_scoped3A_174 = tpu.sem_alloc : memref<!tpu.dma_semaphore, #tpu.memory_space<semaphore_mem>>
          %dma_start3A_175 = arith.constant 0 : i32
          %dma_start3A_176 = tpu.memref_slice %arg8[%mul3A_141, %dma_start3A_175] : memref<32x80xi32, #tpu.memory_space<vmem>> -> memref<1x80xi32, #tpu.memory_space<vmem>>
          %dma_start3A_177 = tpu.memref_squeeze %dma_start3A_176 : memref<1x80xi32, #tpu.memory_space<vmem>> -> memref<80xi32, #tpu.memory_space<vmem>>
          %dma_start3A_178 = arith.constant 0 : i32
          %dma_start3A_179 = arith.constant 0 : i32
          %dma_start3A_180 = tpu.memref_slice %arg13[%dma_start3A_178, %dma_start3A_179] : memref<10112x152xf32, #tpu.memory_space<vmem_shared>> -> memref<10112x152xf32, #tpu.memory_space<vmem_shared>>
          tpu.enqueue_indirect_dma source(%arg11 : memref<80x152xf32, #tpu.memory_space<vmem>>) target(%dma_start3A_180 : memref<10112x152xf32, #tpu.memory_space<vmem_shared>>) offsets(%dma_start3A_177 : memref<80xi32, #tpu.memory_space<vmem>>) semaphore(%run_scoped3A_174 : memref<!tpu.dma_semaphore, #tpu.memory_space<semaphore_mem>>) {add = true}
          %dma_wait3A_181 = arith.constant 0 : i32
          %dma_wait3A_182 = tpu.memref_slice %arg8[%mul3A_141, %dma_wait3A_181] : memref<32x80xi32, #tpu.memory_space<vmem>> -> memref<1x80xi32, #tpu.memory_space<vmem>>
          %dma_wait3A_183 = tpu.memref_squeeze %dma_wait3A_182 : memref<1x80xi32, #tpu.memory_space<vmem>> -> memref<80xi32, #tpu.memory_space<vmem>>
          %dma_wait3A_184 = arith.constant 0 : i32
          %dma_wait3A_185 = arith.constant 0 : i32
          %dma_wait3A_186 = tpu.memref_slice %arg13[%dma_wait3A_184, %dma_wait3A_185] : memref<10112x152xf32, #tpu.memory_space<vmem_shared>> -> memref<10112x152xf32, #tpu.memory_space<vmem_shared>>
          tpu.wait_indirect_dma semaphore(%run_scoped3A_174 : memref<!tpu.dma_semaphore, #tpu.memory_space<semaphore_mem>>) src(%arg11 : memref<80x152xf32, #tpu.memory_space<vmem>>) dst(%dma_wait3A_186 : memref<10112x152xf32, #tpu.memory_space<vmem_shared>>)
          tpu.yield
        }) : () -> ()
        %add3A_156 = arith.constant 1 : i32
        %add3A_157 = arith.addi %mul3A_141, %add3A_156 : i32
        %dma_wait3A_158 = arith.constant 0 : i32
        %dma_wait3A_159 = tpu.memref_slice %arg7[%add3A_157, %dma_wait3A_158] : memref<32x80xi32, #tpu.memory_space<vmem>> -> memref<1x80xi32, #tpu.memory_space<vmem>>
        %dma_wait3A_160 = tpu.memref_squeeze %dma_wait3A_159 : memref<1x80xi32, #tpu.memory_space<vmem>> -> memref<80xi32, #tpu.memory_space<vmem>>
        %dma_wait3A_161 = arith.constant 0 : i32
        %dma_wait3A_162 = arith.constant 0 : i32
        %dma_wait3A_163 = tpu.memref_slice %arg2[%dma_wait3A_161, %dma_wait3A_162] : memref<20000x152xf32, #tpu.memory_space<hbm>> -> memref<20000x152xf32, #tpu.memory_space<hbm>>
        tpu.wait_indirect_dma semaphore(%arg14 : memref<!tpu.dma_semaphore, #tpu.memory_space<semaphore_mem>>) src(%dma_wait3A_163 : memref<20000x152xf32, #tpu.memory_space<hbm>>) dst(%arg12 : memref<80x152xf32, #tpu.memory_space<vmem>>)
        %add3A_164 = arith.constant 2 : i32
        %add3A_165 = arith.addi %mul3A_141, %add3A_164 : i32
        %dma_start3A_166 = arith.constant 0 : i32
        %dma_start3A_167 = tpu.memref_slice %arg7[%add3A_165, %dma_start3A_166] : memref<32x80xi32, #tpu.memory_space<vmem>> -> memref<1x80xi32, #tpu.memory_space<vmem>>
        %dma_start3A_168 = tpu.memref_squeeze %dma_start3A_167 : memref<1x80xi32, #tpu.memory_space<vmem>> -> memref<80xi32, #tpu.memory_space<vmem>>
        %dma_start3A_169 = arith.constant 0 : i32
        %dma_start3A_170 = arith.constant 0 : i32
        %dma_start3A_171 = tpu.memref_slice %arg2[%dma_start3A_169, %dma_start3A_170] : memref<20000x152xf32, #tpu.memory_space<hbm>> -> memref<20000x152xf32, #tpu.memory_space<hbm>>
        tpu.enqueue_indirect_dma source(%dma_start3A_171 : memref<20000x152xf32, #tpu.memory_space<hbm>>) target(%arg11 : memref<80x152xf32, #tpu.memory_space<vmem>>) offsets(%dma_start3A_168 : memref<80xi32, #tpu.memory_space<vmem>>) semaphore(%arg14 : memref<!tpu.dma_semaphore, #tpu.memory_space<semaphore_mem>>)
        %add3A_172 = arith.constant 1 : i32
        %add3A_173 = arith.addi %mul3A_141, %add3A_172 : i32
        "tpu.region"() ({
          %run_scoped3A_174 = tpu.sem_alloc : memref<!tpu.dma_semaphore, #tpu.memory_space<semaphore_mem>>
          %dma_start3A_175 = arith.constant 0 : i32
          %dma_start3A_176 = tpu.memref_slice %arg8[%add3A_173, %dma_start3A_175] : memref<32x80xi32, #tpu.memory_space<vmem>> -> memref<1x80xi32, #tpu.memory_space<vmem>>
          %dma_start3A_177 = tpu.memref_squeeze %dma_start3A_176 : memref<1x80xi32, #tpu.memory_space<vmem>> -> memref<80xi32, #tpu.memory_space<vmem>>
          %dma_start3A_178 = arith.constant 0 : i32
          %dma_start3A_179 = arith.constant 0 : i32
          %dma_start3A_180 = tpu.memref_slice %arg13[%dma_start3A_178, %dma_start3A_179] : memref<10112x152xf32, #tpu.memory_space<vmem_shared>> -> memref<10112x152xf32, #tpu.memory_space<vmem_shared>>
          tpu.enqueue_indirect_dma source(%arg12 : memref<80x152xf32, #tpu.memory_space<vmem>>) target(%dma_start3A_180 : memref<10112x152xf32, #tpu.memory_space<vmem_shared>>) offsets(%dma_start3A_177 : memref<80xi32, #tpu.memory_space<vmem>>) semaphore(%run_scoped3A_174 : memref<!tpu.dma_semaphore, #tpu.memory_space<semaphore_mem>>) {add = true}
          %dma_wait3A_181 = arith.constant 0 : i32
          %dma_wait3A_182 = tpu.memref_slice %arg8[%add3A_173, %dma_wait3A_181] : memref<32x80xi32, #tpu.memory_space<vmem>> -> memref<1x80xi32, #tpu.memory_space<vmem>>
          %dma_wait3A_183 = tpu.memref_squeeze %dma_wait3A_182 : memref<1x80xi32, #tpu.memory_space<vmem>> -> memref<80xi32, #tpu.memory_space<vmem>>
          %dma_wait3A_184 = arith.constant 0 : i32
          %dma_wait3A_185 = arith.constant 0 : i32
          %dma_wait3A_186 = tpu.memref_slice %arg13[%dma_wait3A_184, %dma_wait3A_185] : memref<10112x152xf32, #tpu.memory_space<vmem_shared>> -> memref<10112x152xf32, #tpu.memory_space<vmem_shared>>
          tpu.wait_indirect_dma semaphore(%run_scoped3A_174 : memref<!tpu.dma_semaphore, #tpu.memory_space<semaphore_mem>>) src(%arg12 : memref<80x152xf32, #tpu.memory_space<vmem>>) dst(%dma_wait3A_186 : memref<10112x152xf32, #tpu.memory_space<vmem_shared>>)
          tpu.yield
        }) : () -> ()
      }
      %scan3A_51 = arith.constant 15 : i32
      %dma_wait3A = arith.constant 30 : i32
      %dma_wait3A_52 = arith.constant 0 : i32
      %dma_wait3A_53 = tpu.memref_slice %arg7[%dma_wait3A, %dma_wait3A_52] : memref<32x80xi32, #tpu.memory_space<vmem>> -> memref<1x80xi32, #tpu.memory_space<vmem>>
      %dma_wait3A_54 = tpu.memref_squeeze %dma_wait3A_53 : memref<1x80xi32, #tpu.memory_space<vmem>> -> memref<80xi32, #tpu.memory_space<vmem>>
      %dma_wait3A_55 = arith.constant 0 : i32
      %dma_wait3A_56 = arith.constant 0 : i32
      %dma_wait3A_57 = tpu.memref_slice %arg2[%dma_wait3A_55, %dma_wait3A_56] : memref<20000x152xf32, #tpu.memory_space<hbm>> -> memref<20000x152xf32, #tpu.memory_space<hbm>>
      tpu.wait_indirect_dma semaphore(%arg14 : memref<!tpu.dma_semaphore, #tpu.memory_space<semaphore_mem>>) src(%dma_wait3A_57 : memref<20000x152xf32, #tpu.memory_space<hbm>>) dst(%arg11 : memref<80x152xf32, #tpu.memory_space<vmem>>)
      %dma_start3A_58 = arith.constant 31 : i32
      %dma_start3A_59 = arith.constant 0 : i32
      %dma_start3A_60 = tpu.memref_slice %arg7[%dma_start3A_58, %dma_start3A_59] : memref<32x80xi32, #tpu.memory_space<vmem>> -> memref<1x80xi32, #tpu.memory_space<vmem>>
      %dma_start3A_61 = tpu.memref_squeeze %dma_start3A_60 : memref<1x80xi32, #tpu.memory_space<vmem>> -> memref<80xi32, #tpu.memory_space<vmem>>
      %dma_start3A_62 = arith.constant 0 : i32
      %dma_start3A_63 = arith.constant 0 : i32
      %dma_start3A_64 = tpu.memref_slice %arg2[%dma_start3A_62, %dma_start3A_63] : memref<20000x152xf32, #tpu.memory_space<hbm>> -> memref<20000x152xf32, #tpu.memory_space<hbm>>
      tpu.enqueue_indirect_dma source(%dma_start3A_64 : memref<20000x152xf32, #tpu.memory_space<hbm>>) target(%arg12 : memref<80x152xf32, #tpu.memory_space<vmem>>) offsets(%dma_start3A_61 : memref<80xi32, #tpu.memory_space<vmem>>) semaphore(%arg14 : memref<!tpu.dma_semaphore, #tpu.memory_space<semaphore_mem>>)
      %run_scoped3A = arith.constant 30 : i32
      "tpu.region"() ({
        %run_scoped3A_135 = tpu.sem_alloc : memref<!tpu.dma_semaphore, #tpu.memory_space<semaphore_mem>>
        %dma_start3A_136 = arith.constant 0 : i32
        %dma_start3A_137 = tpu.memref_slice %arg8[%run_scoped3A, %dma_start3A_136] : memref<32x80xi32, #tpu.memory_space<vmem>> -> memref<1x80xi32, #tpu.memory_space<vmem>>
        %dma_start3A_138 = tpu.memref_squeeze %dma_start3A_137 : memref<1x80xi32, #tpu.memory_space<vmem>> -> memref<80xi32, #tpu.memory_space<vmem>>
        %dma_start3A_139 = arith.constant 0 : i32
        %dma_start3A_140 = arith.constant 0 : i32
        %dma_start3A_141 = tpu.memref_slice %arg13[%dma_start3A_139, %dma_start3A_140] : memref<10112x152xf32, #tpu.memory_space<vmem_shared>> -> memref<10112x152xf32, #tpu.memory_space<vmem_shared>>
        tpu.enqueue_indirect_dma source(%arg11 : memref<80x152xf32, #tpu.memory_space<vmem>>) target(%dma_start3A_141 : memref<10112x152xf32, #tpu.memory_space<vmem_shared>>) offsets(%dma_start3A_138 : memref<80xi32, #tpu.memory_space<vmem>>) semaphore(%run_scoped3A_135 : memref<!tpu.dma_semaphore, #tpu.memory_space<semaphore_mem>>) {add = true}
        %dma_wait3A_142 = arith.constant 0 : i32
        %dma_wait3A_143 = tpu.memref_slice %arg8[%run_scoped3A, %dma_wait3A_142] : memref<32x80xi32, #tpu.memory_space<vmem>> -> memref<1x80xi32, #tpu.memory_space<vmem>>
        %dma_wait3A_144 = tpu.memref_squeeze %dma_wait3A_143 : memref<1x80xi32, #tpu.memory_space<vmem>> -> memref<80xi32, #tpu.memory_space<vmem>>
        %dma_wait3A_145 = arith.constant 0 : i32
        %dma_wait3A_146 = arith.constant 0 : i32
        %dma_wait3A_147 = tpu.memref_slice %arg13[%dma_wait3A_145, %dma_wait3A_146] : memref<10112x152xf32, #tpu.memory_space<vmem_shared>> -> memref<10112x152xf32, #tpu.memory_space<vmem_shared>>
        tpu.wait_indirect_dma semaphore(%run_scoped3A_135 : memref<!tpu.dma_semaphore, #tpu.memory_space<semaphore_mem>>) src(%arg11 : memref<80x152xf32, #tpu.memory_space<vmem>>) dst(%dma_wait3A_147 : memref<10112x152xf32, #tpu.memory_space<vmem_shared>>)
        tpu.yield
      }) : () -> ()
      %dma_wait3A_65 = arith.constant 31 : i32
      %dma_wait3A_66 = arith.constant 0 : i32
      %dma_wait3A_67 = tpu.memref_slice %arg7[%dma_wait3A_65, %dma_wait3A_66] : memref<32x80xi32, #tpu.memory_space<vmem>> -> memref<1x80xi32, #tpu.memory_space<vmem>>
      %dma_wait3A_68 = tpu.memref_squeeze %dma_wait3A_67 : memref<1x80xi32, #tpu.memory_space<vmem>> -> memref<80xi32, #tpu.memory_space<vmem>>
      %dma_wait3A_69 = arith.constant 0 : i32
      %dma_wait3A_70 = arith.constant 0 : i32
      %dma_wait3A_71 = tpu.memref_slice %arg2[%dma_wait3A_69, %dma_wait3A_70] : memref<20000x152xf32, #tpu.memory_space<hbm>> -> memref<20000x152xf32, #tpu.memory_space<hbm>>
      tpu.wait_indirect_dma semaphore(%arg14 : memref<!tpu.dma_semaphore, #tpu.memory_space<semaphore_mem>>) src(%dma_wait3A_71 : memref<20000x152xf32, #tpu.memory_space<hbm>>) dst(%arg12 : memref<80x152xf32, #tpu.memory_space<vmem>>)
      %run_scoped3A_72 = arith.constant 31 : i32
      "tpu.region"() ({
        %run_scoped3A_135 = tpu.sem_alloc : memref<!tpu.dma_semaphore, #tpu.memory_space<semaphore_mem>>
        %dma_start3A_136 = arith.constant 0 : i32
        %dma_start3A_137 = tpu.memref_slice %arg8[%run_scoped3A_72, %dma_start3A_136] : memref<32x80xi32, #tpu.memory_space<vmem>> -> memref<1x80xi32, #tpu.memory_space<vmem>>
        %dma_start3A_138 = tpu.memref_squeeze %dma_start3A_137 : memref<1x80xi32, #tpu.memory_space<vmem>> -> memref<80xi32, #tpu.memory_space<vmem>>
        %dma_start3A_139 = arith.constant 0 : i32
        %dma_start3A_140 = arith.constant 0 : i32
        %dma_start3A_141 = tpu.memref_slice %arg13[%dma_start3A_139, %dma_start3A_140] : memref<10112x152xf32, #tpu.memory_space<vmem_shared>> -> memref<10112x152xf32, #tpu.memory_space<vmem_shared>>
        tpu.enqueue_indirect_dma source(%arg12 : memref<80x152xf32, #tpu.memory_space<vmem>>) target(%dma_start3A_141 : memref<10112x152xf32, #tpu.memory_space<vmem_shared>>) offsets(%dma_start3A_138 : memref<80xi32, #tpu.memory_space<vmem>>) semaphore(%run_scoped3A_135 : memref<!tpu.dma_semaphore, #tpu.memory_space<semaphore_mem>>) {add = true}
        %dma_wait3A_142 = arith.constant 0 : i32
        %dma_wait3A_143 = tpu.memref_slice %arg8[%run_scoped3A_72, %dma_wait3A_142] : memref<32x80xi32, #tpu.memory_space<vmem>> -> memref<1x80xi32, #tpu.memory_space<vmem>>
        %dma_wait3A_144 = tpu.memref_squeeze %dma_wait3A_143 : memref<1x80xi32, #tpu.memory_space<vmem>> -> memref<80xi32, #tpu.memory_space<vmem>>
        %dma_wait3A_145 = arith.constant 0 : i32
        %dma_wait3A_146 = arith.constant 0 : i32
        %dma_wait3A_147 = tpu.memref_slice %arg13[%dma_wait3A_145, %dma_wait3A_146] : memref<10112x152xf32, #tpu.memory_space<vmem_shared>> -> memref<10112x152xf32, #tpu.memory_space<vmem_shared>>
        tpu.wait_indirect_dma semaphore(%run_scoped3A_135 : memref<!tpu.dma_semaphore, #tpu.memory_space<semaphore_mem>>) src(%arg12 : memref<80x152xf32, #tpu.memory_space<vmem>>) dst(%dma_wait3A_147 : memref<10112x152xf32, #tpu.memory_space<vmem_shared>>)
        tpu.yield
      }) : () -> ()
      %mul3A_73 = arith.constant 2 : i32
      %mul3A_74 = arith.muli %mul3A_73, %add3A_20 : i32
      %add3A_75 = arith.constant 1 : i32
      %add3A_76 = arith.addi %mul3A_74, %add3A_75 : i32
      %mul3A_77 = arith.constant 32 : i32
      %mul3A_78 = arith.muli %add3A_76, %mul3A_77 : i32
      %dma_wait3A_79 = arith.constant 0 : i32
      %dma_wait3A_80 = tpu.memref_slice %arg3[%arg0, %arg1, %mul3A_78, %dma_wait3A_79] : memref<2x16x256x80xi32, #tpu.memory_space<hbm>> -> memref<1x1x32x80xi32, #tpu.memory_space<hbm>>
      %dma_wait3A_81 = tpu.memref_squeeze %dma_wait3A_80 : memref<1x1x32x80xi32, #tpu.memory_space<hbm>> -> memref<32x80xi32, #tpu.memory_space<hbm>>
      %dma_wait3A_82 = arith.constant 0 : i32
      %dma_wait3A_83 = tpu.memref_slice %arg3[%arg0, %arg1, %mul3A_78, %dma_wait3A_82] : memref<2x16x256x80xi32, #tpu.memory_space<hbm>> -> memref<1x1x32x80xi32, #tpu.memory_space<hbm>>
      %dma_wait3A_84 = tpu.memref_squeeze %dma_wait3A_83 : memref<1x1x32x80xi32, #tpu.memory_space<hbm>> -> memref<32x80xi32, #tpu.memory_space<hbm>>
      tpu.wait_dma2 semaphore(%arg15 : memref<!tpu.dma_semaphore, #tpu.memory_space<semaphore_mem>>) src(%dma_wait3A_84 : memref<32x80xi32, #tpu.memory_space<hbm>>) dst(%arg9 : memref<32x80xi32, #tpu.memory_space<vmem>>)
      %mul3A_85 = arith.constant 32 : i32
      %mul3A_86 = arith.muli %add3A_76, %mul3A_85 : i32
      %dma_wait3A_87 = arith.constant 0 : i32
      %dma_wait3A_88 = tpu.memref_slice %arg4[%arg1, %mul3A_86, %dma_wait3A_87] : memref<16x256x80xi32, #tpu.memory_space<hbm>> -> memref<1x32x80xi32, #tpu.memory_space<hbm>>
      %dma_wait3A_89 = tpu.memref_squeeze %dma_wait3A_88 : memref<1x32x80xi32, #tpu.memory_space<hbm>> -> memref<32x80xi32, #tpu.memory_space<hbm>>
      %dma_wait3A_90 = arith.constant 0 : i32
      %dma_wait3A_91 = tpu.memref_slice %arg4[%arg1, %mul3A_86, %dma_wait3A_90] : memref<16x256x80xi32, #tpu.memory_space<hbm>> -> memref<1x32x80xi32, #tpu.memory_space<hbm>>
      %dma_wait3A_92 = tpu.memref_squeeze %dma_wait3A_91 : memref<1x32x80xi32, #tpu.memory_space<hbm>> -> memref<32x80xi32, #tpu.memory_space<hbm>>
      tpu.wait_dma2 semaphore(%arg15 : memref<!tpu.dma_semaphore, #tpu.memory_space<semaphore_mem>>) src(%dma_wait3A_92 : memref<32x80xi32, #tpu.memory_space<hbm>>) dst(%arg10 : memref<32x80xi32, #tpu.memory_space<vmem>>)
      %lt3A = arith.constant 3 : i32
      %lt3A_93 = arith.cmpi slt, %add3A_20, %lt3A : i32
      %convert_element_type3A = arith.extui %lt3A_93 : i1 to i32
      %cond3A = arith.constant 0 : i32
      %cond3A_94 = arith.cmpi ne, %convert_element_type3A, %cond3A : i32
      scf.if %cond3A_94 {
        %mul3A_135 = arith.constant 2 : i32
        %mul3A_136 = arith.muli %mul3A_135, %add3A_20 : i32
        %add3A_137 = arith.constant 2 : i32
        %add3A_138 = arith.addi %mul3A_136, %add3A_137 : i32
        %mul3A_139 = arith.constant 32 : i32
        %mul3A_140 = arith.muli %add3A_138, %mul3A_139 : i32
        %dma_start3A_141 = arith.constant 0 : i32
        %dma_start3A_142 = tpu.memref_slice %arg3[%arg0, %arg1, %mul3A_140, %dma_start3A_141] : memref<2x16x256x80xi32, #tpu.memory_space<hbm>> -> memref<1x1x32x80xi32, #tpu.memory_space<hbm>>
        %dma_start3A_143 = tpu.memref_squeeze %dma_start3A_142 : memref<1x1x32x80xi32, #tpu.memory_space<hbm>> -> memref<32x80xi32, #tpu.memory_space<hbm>>
        %dma_start3A_144 = arith.constant 0 : i32
        %dma_start3A_145 = tpu.memref_slice %arg3[%arg0, %arg1, %mul3A_140, %dma_start3A_144] : memref<2x16x256x80xi32, #tpu.memory_space<hbm>> -> memref<1x1x32x80xi32, #tpu.memory_space<hbm>>
        %dma_start3A_146 = tpu.memref_squeeze %dma_start3A_145 : memref<1x1x32x80xi32, #tpu.memory_space<hbm>> -> memref<32x80xi32, #tpu.memory_space<hbm>>
        tpu.enqueue_dma source(%dma_start3A_146 : memref<32x80xi32, #tpu.memory_space<hbm>>) target(%arg7 : memref<32x80xi32, #tpu.memory_space<vmem>>) target_semaphore(%arg15 : memref<!tpu.dma_semaphore, #tpu.memory_space<semaphore_mem>>)
        %mul3A_147 = arith.constant 32 : i32
        %mul3A_148 = arith.muli %add3A_138, %mul3A_147 : i32
        %dma_start3A_149 = arith.constant 0 : i32
        %dma_start3A_150 = tpu.memref_slice %arg4[%arg1, %mul3A_148, %dma_start3A_149] : memref<16x256x80xi32, #tpu.memory_space<hbm>> -> memref<1x32x80xi32, #tpu.memory_space<hbm>>
        %dma_start3A_151 = tpu.memref_squeeze %dma_start3A_150 : memref<1x32x80xi32, #tpu.memory_space<hbm>> -> memref<32x80xi32, #tpu.memory_space<hbm>>
        %dma_start3A_152 = arith.constant 0 : i32
        %dma_start3A_153 = tpu.memref_slice %arg4[%arg1, %mul3A_148, %dma_start3A_152] : memref<16x256x80xi32, #tpu.memory_space<hbm>> -> memref<1x32x80xi32, #tpu.memory_space<hbm>>
        %dma_start3A_154 = tpu.memref_squeeze %dma_start3A_153 : memref<1x32x80xi32, #tpu.memory_space<hbm>> -> memref<32x80xi32, #tpu.memory_space<hbm>>
        tpu.enqueue_dma source(%dma_start3A_154 : memref<32x80xi32, #tpu.memory_space<hbm>>) target(%arg8 : memref<32x80xi32, #tpu.memory_space<vmem>>) target_semaphore(%arg15 : memref<!tpu.dma_semaphore, #tpu.memory_space<semaphore_mem>>)
      } else {
      }
      %dma_start3A_95 = arith.constant 0 : i32
      %dma_start3A_96 = arith.constant 0 : i32
      %dma_start3A_97 = tpu.memref_slice %arg9[%dma_start3A_95, %dma_start3A_96] : memref<32x80xi32, #tpu.memory_space<vmem>> -> memref<1x80xi32, #tpu.memory_space<vmem>>
      %dma_start3A_98 = tpu.memref_squeeze %dma_start3A_97 : memref<1x80xi32, #tpu.memory_space<vmem>> -> memref<80xi32, #tpu.memory_space<vmem>>
      %dma_start3A_99 = arith.constant 0 : i32
      %dma_start3A_100 = arith.constant 0 : i32
      %dma_start3A_101 = tpu.memref_slice %arg2[%dma_start3A_99, %dma_start3A_100] : memref<20000x152xf32, #tpu.memory_space<hbm>> -> memref<20000x152xf32, #tpu.memory_space<hbm>>
      tpu.enqueue_indirect_dma source(%dma_start3A_101 : memref<20000x152xf32, #tpu.memory_space<hbm>>) target(%arg11 : memref<80x152xf32, #tpu.memory_space<vmem>>) offsets(%dma_start3A_98 : memref<80xi32, #tpu.memory_space<vmem>>) semaphore(%arg14 : memref<!tpu.dma_semaphore, #tpu.memory_space<semaphore_mem>>)
      %scan3A_102 = arith.constant 0 : i32
      %scan3A_103 = arith.constant 15 : i32
      %scan3A_104 = arith.addi %scan3A_102, %scan3A_103 : i32
      %scan3A_105 = arith.constant 1 : i32
      scf.for %scan3A_135 = %scan3A_102 to %scan3A_104 step %scan3A_105  : i32 {
        %mul3A_136 = arith.constant 1 : i32
        %mul3A_137 = arith.muli %scan3A_135, %mul3A_136 : i32
        %add3A_138 = arith.constant 0 : i32
        %add3A_139 = arith.addi %add3A_138, %mul3A_137 : i32
        %mul3A_140 = arith.constant 2 : i32
        %mul3A_141 = arith.muli %mul3A_140, %add3A_139 : i32
        %dma_wait3A_142 = arith.constant 0 : i32
        %dma_wait3A_143 = tpu.memref_slice %arg9[%mul3A_141, %dma_wait3A_142] : memref<32x80xi32, #tpu.memory_space<vmem>> -> memref<1x80xi32, #tpu.memory_space<vmem>>
        %dma_wait3A_144 = tpu.memref_squeeze %dma_wait3A_143 : memref<1x80xi32, #tpu.memory_space<vmem>> -> memref<80xi32, #tpu.memory_space<vmem>>
        %dma_wait3A_145 = arith.constant 0 : i32
        %dma_wait3A_146 = arith.constant 0 : i32
        %dma_wait3A_147 = tpu.memref_slice %arg2[%dma_wait3A_145, %dma_wait3A_146] : memref<20000x152xf32, #tpu.memory_space<hbm>> -> memref<20000x152xf32, #tpu.memory_space<hbm>>
        tpu.wait_indirect_dma semaphore(%arg14 : memref<!tpu.dma_semaphore, #tpu.memory_space<semaphore_mem>>) src(%dma_wait3A_147 : memref<20000x152xf32, #tpu.memory_space<hbm>>) dst(%arg11 : memref<80x152xf32, #tpu.memory_space<vmem>>)
        %add3A_148 = arith.constant 1 : i32
        %add3A_149 = arith.addi %mul3A_141, %add3A_148 : i32
        %dma_start3A_150 = arith.constant 0 : i32
        %dma_start3A_151 = tpu.memref_slice %arg9[%add3A_149, %dma_start3A_150] : memref<32x80xi32, #tpu.memory_space<vmem>> -> memref<1x80xi32, #tpu.memory_space<vmem>>
        %dma_start3A_152 = tpu.memref_squeeze %dma_start3A_151 : memref<1x80xi32, #tpu.memory_space<vmem>> -> memref<80xi32, #tpu.memory_space<vmem>>
        %dma_start3A_153 = arith.constant 0 : i32
        %dma_start3A_154 = arith.constant 0 : i32
        %dma_start3A_155 = tpu.memref_slice %arg2[%dma_start3A_153, %dma_start3A_154] : memref<20000x152xf32, #tpu.memory_space<hbm>> -> memref<20000x152xf32, #tpu.memory_space<hbm>>
        tpu.enqueue_indirect_dma source(%dma_start3A_155 : memref<20000x152xf32, #tpu.memory_space<hbm>>) target(%arg12 : memref<80x152xf32, #tpu.memory_space<vmem>>) offsets(%dma_start3A_152 : memref<80xi32, #tpu.memory_space<vmem>>) semaphore(%arg14 : memref<!tpu.dma_semaphore, #tpu.memory_space<semaphore_mem>>)
        "tpu.region"() ({
          %run_scoped3A_174 = tpu.sem_alloc : memref<!tpu.dma_semaphore, #tpu.memory_space<semaphore_mem>>
          %dma_start3A_175 = arith.constant 0 : i32
          %dma_start3A_176 = tpu.memref_slice %arg10[%mul3A_141, %dma_start3A_175] : memref<32x80xi32, #tpu.memory_space<vmem>> -> memref<1x80xi32, #tpu.memory_space<vmem>>
          %dma_start3A_177 = tpu.memref_squeeze %dma_start3A_176 : memref<1x80xi32, #tpu.memory_space<vmem>> -> memref<80xi32, #tpu.memory_space<vmem>>
          %dma_start3A_178 = arith.constant 0 : i32
          %dma_start3A_179 = arith.constant 0 : i32
          %dma_start3A_180 = tpu.memref_slice %arg13[%dma_start3A_178, %dma_start3A_179] : memref<10112x152xf32, #tpu.memory_space<vmem_shared>> -> memref<10112x152xf32, #tpu.memory_space<vmem_shared>>
          tpu.enqueue_indirect_dma source(%arg11 : memref<80x152xf32, #tpu.memory_space<vmem>>) target(%dma_start3A_180 : memref<10112x152xf32, #tpu.memory_space<vmem_shared>>) offsets(%dma_start3A_177 : memref<80xi32, #tpu.memory_space<vmem>>) semaphore(%run_scoped3A_174 : memref<!tpu.dma_semaphore, #tpu.memory_space<semaphore_mem>>) {add = true}
          %dma_wait3A_181 = arith.constant 0 : i32
          %dma_wait3A_182 = tpu.memref_slice %arg10[%mul3A_141, %dma_wait3A_181] : memref<32x80xi32, #tpu.memory_space<vmem>> -> memref<1x80xi32, #tpu.memory_space<vmem>>
          %dma_wait3A_183 = tpu.memref_squeeze %dma_wait3A_182 : memref<1x80xi32, #tpu.memory_space<vmem>> -> memref<80xi32, #tpu.memory_space<vmem>>
          %dma_wait3A_184 = arith.constant 0 : i32
          %dma_wait3A_185 = arith.constant 0 : i32
          %dma_wait3A_186 = tpu.memref_slice %arg13[%dma_wait3A_184, %dma_wait3A_185] : memref<10112x152xf32, #tpu.memory_space<vmem_shared>> -> memref<10112x152xf32, #tpu.memory_space<vmem_shared>>
          tpu.wait_indirect_dma semaphore(%run_scoped3A_174 : memref<!tpu.dma_semaphore, #tpu.memory_space<semaphore_mem>>) src(%arg11 : memref<80x152xf32, #tpu.memory_space<vmem>>) dst(%dma_wait3A_186 : memref<10112x152xf32, #tpu.memory_space<vmem_shared>>)
          tpu.yield
        }) : () -> ()
        %add3A_156 = arith.constant 1 : i32
        %add3A_157 = arith.addi %mul3A_141, %add3A_156 : i32
        %dma_wait3A_158 = arith.constant 0 : i32
        %dma_wait3A_159 = tpu.memref_slice %arg9[%add3A_157, %dma_wait3A_158] : memref<32x80xi32, #tpu.memory_space<vmem>> -> memref<1x80xi32, #tpu.memory_space<vmem>>
        %dma_wait3A_160 = tpu.memref_squeeze %dma_wait3A_159 : memref<1x80xi32, #tpu.memory_space<vmem>> -> memref<80xi32, #tpu.memory_space<vmem>>
        %dma_wait3A_161 = arith.constant 0 : i32
        %dma_wait3A_162 = arith.constant 0 : i32
        %dma_wait3A_163 = tpu.memref_slice %arg2[%dma_wait3A_161, %dma_wait3A_162] : memref<20000x152xf32, #tpu.memory_space<hbm>> -> memref<20000x152xf32, #tpu.memory_space<hbm>>
        tpu.wait_indirect_dma semaphore(%arg14 : memref<!tpu.dma_semaphore, #tpu.memory_space<semaphore_mem>>) src(%dma_wait3A_163 : memref<20000x152xf32, #tpu.memory_space<hbm>>) dst(%arg12 : memref<80x152xf32, #tpu.memory_space<vmem>>)
        %add3A_164 = arith.constant 2 : i32
        %add3A_165 = arith.addi %mul3A_141, %add3A_164 : i32
        %dma_start3A_166 = arith.constant 0 : i32
        %dma_start3A_167 = tpu.memref_slice %arg9[%add3A_165, %dma_start3A_166] : memref<32x80xi32, #tpu.memory_space<vmem>> -> memref<1x80xi32, #tpu.memory_space<vmem>>
        %dma_start3A_168 = tpu.memref_squeeze %dma_start3A_167 : memref<1x80xi32, #tpu.memory_space<vmem>> -> memref<80xi32, #tpu.memory_space<vmem>>
        %dma_start3A_169 = arith.constant 0 : i32
        %dma_start3A_170 = arith.constant 0 : i32
        %dma_start3A_171 = tpu.memref_slice %arg2[%dma_start3A_169, %dma_start3A_170] : memref<20000x152xf32, #tpu.memory_space<hbm>> -> memref<20000x152xf32, #tpu.memory_space<hbm>>
        tpu.enqueue_indirect_dma source(%dma_start3A_171 : memref<20000x152xf32, #tpu.memory_space<hbm>>) target(%arg11 : memref<80x152xf32, #tpu.memory_space<vmem>>) offsets(%dma_start3A_168 : memref<80xi32, #tpu.memory_space<vmem>>) semaphore(%arg14 : memref<!tpu.dma_semaphore, #tpu.memory_space<semaphore_mem>>)
        %add3A_172 = arith.constant 1 : i32
        %add3A_173 = arith.addi %mul3A_141, %add3A_172 : i32
        "tpu.region"() ({
          %run_scoped3A_174 = tpu.sem_alloc : memref<!tpu.dma_semaphore, #tpu.memory_space<semaphore_mem>>
          %dma_start3A_175 = arith.constant 0 : i32
          %dma_start3A_176 = tpu.memref_slice %arg10[%add3A_173, %dma_start3A_175] : memref<32x80xi32, #tpu.memory_space<vmem>> -> memref<1x80xi32, #tpu.memory_space<vmem>>
          %dma_start3A_177 = tpu.memref_squeeze %dma_start3A_176 : memref<1x80xi32, #tpu.memory_space<vmem>> -> memref<80xi32, #tpu.memory_space<vmem>>
          %dma_start3A_178 = arith.constant 0 : i32
          %dma_start3A_179 = arith.constant 0 : i32
          %dma_start3A_180 = tpu.memref_slice %arg13[%dma_start3A_178, %dma_start3A_179] : memref<10112x152xf32, #tpu.memory_space<vmem_shared>> -> memref<10112x152xf32, #tpu.memory_space<vmem_shared>>
          tpu.enqueue_indirect_dma source(%arg12 : memref<80x152xf32, #tpu.memory_space<vmem>>) target(%dma_start3A_180 : memref<10112x152xf32, #tpu.memory_space<vmem_shared>>) offsets(%dma_start3A_177 : memref<80xi32, #tpu.memory_space<vmem>>) semaphore(%run_scoped3A_174 : memref<!tpu.dma_semaphore, #tpu.memory_space<semaphore_mem>>) {add = true}
          %dma_wait3A_181 = arith.constant 0 : i32
          %dma_wait3A_182 = tpu.memref_slice %arg10[%add3A_173, %dma_wait3A_181] : memref<32x80xi32, #tpu.memory_space<vmem>> -> memref<1x80xi32, #tpu.memory_space<vmem>>
          %dma_wait3A_183 = tpu.memref_squeeze %dma_wait3A_182 : memref<1x80xi32, #tpu.memory_space<vmem>> -> memref<80xi32, #tpu.memory_space<vmem>>
          %dma_wait3A_184 = arith.constant 0 : i32
          %dma_wait3A_185 = arith.constant 0 : i32
          %dma_wait3A_186 = tpu.memref_slice %arg13[%dma_wait3A_184, %dma_wait3A_185] : memref<10112x152xf32, #tpu.memory_space<vmem_shared>> -> memref<10112x152xf32, #tpu.memory_space<vmem_shared>>
          tpu.wait_indirect_dma semaphore(%run_scoped3A_174 : memref<!tpu.dma_semaphore, #tpu.memory_space<semaphore_mem>>) src(%arg12 : memref<80x152xf32, #tpu.memory_space<vmem>>) dst(%dma_wait3A_186 : memref<10112x152xf32, #tpu.memory_space<vmem_shared>>)
          tpu.yield
        }) : () -> ()
      }
      %scan3A_106 = arith.constant 15 : i32
      %dma_wait3A_107 = arith.constant 30 : i32
      %dma_wait3A_108 = arith.constant 0 : i32
      %dma_wait3A_109 = tpu.memref_slice %arg9[%dma_wait3A_107, %dma_wait3A_108] : memref<32x80xi32, #tpu.memory_space<vmem>> -> memref<1x80xi32, #tpu.memory_space<vmem>>
      %dma_wait3A_110 = tpu.memref_squeeze %dma_wait3A_109 : memref<1x80xi32, #tpu.memory_space<vmem>> -> memref<80xi32, #tpu.memory_space<vmem>>
      %dma_wait3A_111 = arith.constant 0 : i32
      %dma_wait3A_112 = arith.constant 0 : i32
      %dma_wait3A_113 = tpu.memref_slice %arg2[%dma_wait3A_111, %dma_wait3A_112] : memref<20000x152xf32, #tpu.memory_space<hbm>> -> memref<20000x152xf32, #tpu.memory_space<hbm>>
      tpu.wait_indirect_dma semaphore(%arg14 : memref<!tpu.dma_semaphore, #tpu.memory_space<semaphore_mem>>) src(%dma_wait3A_113 : memref<20000x152xf32, #tpu.memory_space<hbm>>) dst(%arg11 : memref<80x152xf32, #tpu.memory_space<vmem>>)
      %dma_start3A_114 = arith.constant 31 : i32
      %dma_start3A_115 = arith.constant 0 : i32
      %dma_start3A_116 = tpu.memref_slice %arg9[%dma_start3A_114, %dma_start3A_115] : memref<32x80xi32, #tpu.memory_space<vmem>> -> memref<1x80xi32, #tpu.memory_space<vmem>>
      %dma_start3A_117 = tpu.memref_squeeze %dma_start3A_116 : memref<1x80xi32, #tpu.memory_space<vmem>> -> memref<80xi32, #tpu.memory_space<vmem>>
      %dma_start3A_118 = arith.constant 0 : i32
      %dma_start3A_119 = arith.constant 0 : i32
      %dma_start3A_120 = tpu.memref_slice %arg2[%dma_start3A_118, %dma_start3A_119] : memref<20000x152xf32, #tpu.memory_space<hbm>> -> memref<20000x152xf32, #tpu.memory_space<hbm>>
      tpu.enqueue_indirect_dma source(%dma_start3A_120 : memref<20000x152xf32, #tpu.memory_space<hbm>>) target(%arg12 : memref<80x152xf32, #tpu.memory_space<vmem>>) offsets(%dma_start3A_117 : memref<80xi32, #tpu.memory_space<vmem>>) semaphore(%arg14 : memref<!tpu.dma_semaphore, #tpu.memory_space<semaphore_mem>>)
      %run_scoped3A_121 = arith.constant 30 : i32
      "tpu.region"() ({
        %run_scoped3A_135 = tpu.sem_alloc : memref<!tpu.dma_semaphore, #tpu.memory_space<semaphore_mem>>
        %dma_start3A_136 = arith.constant 0 : i32
        %dma_start3A_137 = tpu.memref_slice %arg10[%run_scoped3A_121, %dma_start3A_136] : memref<32x80xi32, #tpu.memory_space<vmem>> -> memref<1x80xi32, #tpu.memory_space<vmem>>
        %dma_start3A_138 = tpu.memref_squeeze %dma_start3A_137 : memref<1x80xi32, #tpu.memory_space<vmem>> -> memref<80xi32, #tpu.memory_space<vmem>>
        %dma_start3A_139 = arith.constant 0 : i32
        %dma_start3A_140 = arith.constant 0 : i32
        %dma_start3A_141 = tpu.memref_slice %arg13[%dma_start3A_139, %dma_start3A_140] : memref<10112x152xf32, #tpu.memory_space<vmem_shared>> -> memref<10112x152xf32, #tpu.memory_space<vmem_shared>>
        tpu.enqueue_indirect_dma source(%arg11 : memref<80x152xf32, #tpu.memory_space<vmem>>) target(%dma_start3A_141 : memref<10112x152xf32, #tpu.memory_space<vmem_shared>>) offsets(%dma_start3A_138 : memref<80xi32, #tpu.memory_space<vmem>>) semaphore(%run_scoped3A_135 : memref<!tpu.dma_semaphore, #tpu.memory_space<semaphore_mem>>) {add = true}
        %dma_wait3A_142 = arith.constant 0 : i32
        %dma_wait3A_143 = tpu.memref_slice %arg10[%run_scoped3A_121, %dma_wait3A_142] : memref<32x80xi32, #tpu.memory_space<vmem>> -> memref<1x80xi32, #tpu.memory_space<vmem>>
        %dma_wait3A_144 = tpu.memref_squeeze %dma_wait3A_143 : memref<1x80xi32, #tpu.memory_space<vmem>> -> memref<80xi32, #tpu.memory_space<vmem>>
        %dma_wait3A_145 = arith.constant 0 : i32
        %dma_wait3A_146 = arith.constant 0 : i32
        %dma_wait3A_147 = tpu.memref_slice %arg13[%dma_wait3A_145, %dma_wait3A_146] : memref<10112x152xf32, #tpu.memory_space<vmem_shared>> -> memref<10112x152xf32, #tpu.memory_space<vmem_shared>>
        tpu.wait_indirect_dma semaphore(%run_scoped3A_135 : memref<!tpu.dma_semaphore, #tpu.memory_space<semaphore_mem>>) src(%arg11 : memref<80x152xf32, #tpu.memory_space<vmem>>) dst(%dma_wait3A_147 : memref<10112x152xf32, #tpu.memory_space<vmem_shared>>)
        tpu.yield
      }) : () -> ()
      %dma_wait3A_122 = arith.constant 31 : i32
      %dma_wait3A_123 = arith.constant 0 : i32
      %dma_wait3A_124 = tpu.memref_slice %arg9[%dma_wait3A_122, %dma_wait3A_123] : memref<32x80xi32, #tpu.memory_space<vmem>> -> memref<1x80xi32, #tpu.memory_space<vmem>>
      %dma_wait3A_125 = tpu.memref_squeeze %dma_wait3A_124 : memref<1x80xi32, #tpu.memory_space<vmem>> -> memref<80xi32, #tpu.memory_space<vmem>>
      %dma_wait3A_126 = arith.constant 0 : i32
      %dma_wait3A_127 = arith.constant 0 : i32
      %dma_wait3A_128 = tpu.memref_slice %arg2[%dma_wait3A_126, %dma_wait3A_127] : memref<20000x152xf32, #tpu.memory_space<hbm>> -> memref<20000x152xf32, #tpu.memory_space<hbm>>
      tpu.wait_indirect_dma semaphore(%arg14 : memref<!tpu.dma_semaphore, #tpu.memory_space<semaphore_mem>>) src(%dma_wait3A_128 : memref<20000x152xf32, #tpu.memory_space<hbm>>) dst(%arg12 : memref<80x152xf32, #tpu.memory_space<vmem>>)
      %run_scoped3A_129 = arith.constant 31 : i32
      "tpu.region"() ({
        %run_scoped3A_135 = tpu.sem_alloc : memref<!tpu.dma_semaphore, #tpu.memory_space<semaphore_mem>>
        %dma_start3A_136 = arith.constant 0 : i32
        %dma_start3A_137 = tpu.memref_slice %arg10[%run_scoped3A_129, %dma_start3A_136] : memref<32x80xi32, #tpu.memory_space<vmem>> -> memref<1x80xi32, #tpu.memory_space<vmem>>
        %dma_start3A_138 = tpu.memref_squeeze %dma_start3A_137 : memref<1x80xi32, #tpu.memory_space<vmem>> -> memref<80xi32, #tpu.memory_space<vmem>>
        %dma_start3A_139 = arith.constant 0 : i32
        %dma_start3A_140 = arith.constant 0 : i32
        %dma_start3A_141 = tpu.memref_slice %arg13[%dma_start3A_139, %dma_start3A_140] : memref<10112x152xf32, #tpu.memory_space<vmem_shared>> -> memref<10112x152xf32, #tpu.memory_space<vmem_shared>>
        tpu.enqueue_indirect_dma source(%arg12 : memref<80x152xf32, #tpu.memory_space<vmem>>) target(%dma_start3A_141 : memref<10112x152xf32, #tpu.memory_space<vmem_shared>>) offsets(%dma_start3A_138 : memref<80xi32, #tpu.memory_space<vmem>>) semaphore(%run_scoped3A_135 : memref<!tpu.dma_semaphore, #tpu.memory_space<semaphore_mem>>) {add = true}
        %dma_wait3A_142 = arith.constant 0 : i32
        %dma_wait3A_143 = tpu.memref_slice %arg10[%run_scoped3A_129, %dma_wait3A_142] : memref<32x80xi32, #tpu.memory_space<vmem>> -> memref<1x80xi32, #tpu.memory_space<vmem>>
        %dma_wait3A_144 = tpu.memref_squeeze %dma_wait3A_143 : memref<1x80xi32, #tpu.memory_space<vmem>> -> memref<80xi32, #tpu.memory_space<vmem>>
        %dma_wait3A_145 = arith.constant 0 : i32
        %dma_wait3A_146 = arith.constant 0 : i32
        %dma_wait3A_147 = tpu.memref_slice %arg13[%dma_wait3A_145, %dma_wait3A_146] : memref<10112x152xf32, #tpu.memory_space<vmem_shared>> -> memref<10112x152xf32, #tpu.memory_space<vmem_shared>>
        tpu.wait_indirect_dma semaphore(%run_scoped3A_135 : memref<!tpu.dma_semaphore, #tpu.memory_space<semaphore_mem>>) src(%arg12 : memref<80x152xf32, #tpu.memory_space<vmem>>) dst(%dma_wait3A_147 : memref<10112x152xf32, #tpu.memory_space<vmem_shared>>)
        tpu.yield
      }) : () -> ()
      %lt3A_130 = arith.constant 3 : i32
      %lt3A_131 = arith.cmpi slt, %add3A_20, %lt3A_130 : i32
      %convert_element_type3A_132 = arith.extui %lt3A_131 : i1 to i32
      %cond3A_133 = arith.constant 0 : i32
      %cond3A_134 = arith.cmpi ne, %convert_element_type3A_132, %cond3A_133 : i32
      scf.if %cond3A_134 {
        %mul3A_135 = arith.constant 2 : i32
        %mul3A_136 = arith.muli %mul3A_135, %add3A_20 : i32
        %add3A_137 = arith.constant 2 : i32
        %add3A_138 = arith.addi %mul3A_136, %add3A_137 : i32
        %mul3A_139 = arith.constant 32 : i32
        %mul3A_140 = arith.muli %add3A_138, %mul3A_139 : i32
        %dma_wait3A_141 = arith.constant 0 : i32
        %dma_wait3A_142 = tpu.memref_slice %arg3[%arg0, %arg1, %mul3A_140, %dma_wait3A_141] : memref<2x16x256x80xi32, #tpu.memory_space<hbm>> -> memref<1x1x32x80xi32, #tpu.memory_space<hbm>>
        %dma_wait3A_143 = tpu.memref_squeeze %dma_wait3A_142 : memref<1x1x32x80xi32, #tpu.memory_space<hbm>> -> memref<32x80xi32, #tpu.memory_space<hbm>>
        %dma_wait3A_144 = arith.constant 0 : i32
        %dma_wait3A_145 = tpu.memref_slice %arg3[%arg0, %arg1, %mul3A_140, %dma_wait3A_144] : memref<2x16x256x80xi32, #tpu.memory_space<hbm>> -> memref<1x1x32x80xi32, #tpu.memory_space<hbm>>
        %dma_wait3A_146 = tpu.memref_squeeze %dma_wait3A_145 : memref<1x1x32x80xi32, #tpu.memory_space<hbm>> -> memref<32x80xi32, #tpu.memory_space<hbm>>
        tpu.wait_dma2 semaphore(%arg15 : memref<!tpu.dma_semaphore, #tpu.memory_space<semaphore_mem>>) src(%dma_wait3A_146 : memref<32x80xi32, #tpu.memory_space<hbm>>) dst(%arg7 : memref<32x80xi32, #tpu.memory_space<vmem>>)
        %mul3A_147 = arith.constant 32 : i32
        %mul3A_148 = arith.muli %add3A_138, %mul3A_147 : i32
        %dma_wait3A_149 = arith.constant 0 : i32
        %dma_wait3A_150 = tpu.memref_slice %arg4[%arg1, %mul3A_148, %dma_wait3A_149] : memref<16x256x80xi32, #tpu.memory_space<hbm>> -> memref<1x32x80xi32, #tpu.memory_space<hbm>>
        %dma_wait3A_151 = tpu.memref_squeeze %dma_wait3A_150 : memref<1x32x80xi32, #tpu.memory_space<hbm>> -> memref<32x80xi32, #tpu.memory_space<hbm>>
        %dma_wait3A_152 = arith.constant 0 : i32
        %dma_wait3A_153 = tpu.memref_slice %arg4[%arg1, %mul3A_148, %dma_wait3A_152] : memref<16x256x80xi32, #tpu.memory_space<hbm>> -> memref<1x32x80xi32, #tpu.memory_space<hbm>>
        %dma_wait3A_154 = tpu.memref_squeeze %dma_wait3A_153 : memref<1x32x80xi32, #tpu.memory_space<hbm>> -> memref<32x80xi32, #tpu.memory_space<hbm>>
        tpu.wait_dma2 semaphore(%arg15 : memref<!tpu.dma_semaphore, #tpu.memory_space<semaphore_mem>>) src(%dma_wait3A_154 : memref<32x80xi32, #tpu.memory_space<hbm>>) dst(%arg8 : memref<32x80xi32, #tpu.memory_space<vmem>>)
      } else {
      }
    }
    %scan3A_10 = arith.constant 4 : i32
    %barrier3A_11 = arith.constant 0 : index
    tpu.barrier barrier_id(%barrier3A_11)
    %mul3A_12 = arith.constant 632 : i32
    %mul3A_13 = arith.muli %arg1, %mul3A_12 : i32
    %mul3A_14 = arith.constant 632 : i32
    %mul3A_15 = arith.muli %arg1, %mul3A_14 : i32
    "tpu.region"() ({
      %run_scoped3A = tpu.sem_alloc : memref<!tpu.dma_semaphore, #tpu.memory_space<semaphore_mem>>
      %dma_start3A = arith.constant 0 : i32
      %dma_start3A_16 = tpu.memref_slice %arg6[%arg0, %mul3A_15, %dma_start3A] : memref<2x10112x152xf32, #tpu.memory_space<hbm>> -> memref<1x632x152xf32, #tpu.memory_space<hbm>>
      %dma_start3A_17 = tpu.memref_squeeze %dma_start3A_16 : memref<1x632x152xf32, #tpu.memory_space<hbm>> -> memref<632x152xf32, #tpu.memory_space<hbm>>
      %dma_start3A_18 = arith.constant 0 : i32
      %dma_start3A_19 = tpu.memref_slice %arg13[%mul3A_13, %dma_start3A_18] : memref<10112x152xf32, #tpu.memory_space<vmem_shared>> -> memref<632x152xf32, #tpu.memory_space<vmem_shared>>
      tpu.enqueue_dma source(%dma_start3A_19 : memref<632x152xf32, #tpu.memory_space<vmem_shared>>) target(%dma_start3A_17 : memref<632x152xf32, #tpu.memory_space<hbm>>) target_semaphore(%run_scoped3A : memref<!tpu.dma_semaphore, #tpu.memory_space<semaphore_mem>>)
      %dma_wait3A = arith.constant 0 : i32
      %dma_wait3A_20 = tpu.memref_slice %arg6[%arg0, %mul3A_15, %dma_wait3A] : memref<2x10112x152xf32, #tpu.memory_space<hbm>> -> memref<1x632x152xf32, #tpu.memory_space<hbm>>
      %dma_wait3A_21 = tpu.memref_squeeze %dma_wait3A_20 : memref<1x632x152xf32, #tpu.memory_space<hbm>> -> memref<632x152xf32, #tpu.memory_space<hbm>>
      %dma_wait3A_22 = arith.constant 0 : i32
      %dma_wait3A_23 = tpu.memref_slice %arg13[%mul3A_13, %dma_wait3A_22] : memref<10112x152xf32, #tpu.memory_space<vmem_shared>> -> memref<632x152xf32, #tpu.memory_space<vmem_shared>>
      tpu.wait_dma2 semaphore(%run_scoped3A : memref<!tpu.dma_semaphore, #tpu.memory_space<semaphore_mem>>) src(%dma_wait3A_23 : memref<632x152xf32, #tpu.memory_space<vmem_shared>>) dst(%dma_wait3A_21 : memref<632x152xf32, #tpu.memory_space<hbm>>)
      tpu.yield
    }) : () -> ()
    return
  }
}

#map = affine_map<(d0, d1) -> (0, 0)>
#map1 = affine_map<(d0, d1) -> (0, 0, 0, 0)>
#map2 = affine_map<(d0, d1) -> (0, 0, 0)>
module attributes {stable_mosaic.version = 14 : i64} {
  func.func @_body(%arg0: i32, %arg1: i32, %arg2: memref<20000x64xf32, #tpu.memory_space<hbm>>, %arg3: memref<2x16x160x128xi32, #tpu.memory_space<hbm>>, %arg4: memref<16x160x128xi32, #tpu.memory_space<hbm>>, %arg5: memref<128x64xf32, #tpu.memory_space<hbm>>, %arg6: memref<2x10112x64xf32, #tpu.memory_space<hbm>>, %arg7: memref<80x128xi32, #tpu.memory_space<vmem>>, %arg8: memref<80x128xi32, #tpu.memory_space<vmem>>, %arg9: memref<80x128xi32, #tpu.memory_space<vmem>>, %arg10: memref<80x128xi32, #tpu.memory_space<vmem>>, %arg11: memref<128x64xf32, #tpu.memory_space<vmem>>, %arg12: memref<128x64xf32, #tpu.memory_space<vmem>>, %arg13: memref<10112x64xf32, #tpu.memory_space<vmem_shared>>, %arg14: memref<!tpu.dma_semaphore, #tpu.memory_space<semaphore_mem>>, %arg15: memref<!tpu.dma_semaphore, #tpu.memory_space<semaphore_mem>>) attributes {dimension_semantics = [#tpu.dimension_semantics<core_parallel>, #tpu.dimension_semantics<subcore_parallel>], iteration_bounds = array<i64: 2, 16>, scalar_prefetch = 0 : i64, scratch_operands = 9 : i64, tpu.core_type = #tpu.core_type<sc_vector_subcore>, window_params = [{transform_indices = #map}, {transform_indices = #map1}, {transform_indices = #map2}, {transform_indices = #map}, {transform_indices = #map2}]} {
    "tpu.region"() ({
      %run_scoped3A_131 = tpu.sem_alloc : memref<!tpu.dma_semaphore, #tpu.memory_space<semaphore_mem>>
      tpu.enqueue_dma source(%arg5 : memref<128x64xf32, #tpu.memory_space<hbm>>) target(%arg11 : memref<128x64xf32, #tpu.memory_space<vmem>>) target_semaphore(%run_scoped3A_131 : memref<!tpu.dma_semaphore, #tpu.memory_space<semaphore_mem>>)
      tpu.wait_dma2 semaphore(%run_scoped3A_131 : memref<!tpu.dma_semaphore, #tpu.memory_space<semaphore_mem>>) src(%arg5 : memref<128x64xf32, #tpu.memory_space<hbm>>) dst(%arg11 : memref<128x64xf32, #tpu.memory_space<vmem>>)
      tpu.yield
    }) : () -> ()
    %scan3A = arith.constant 0 : i32
    %scan3A_0 = arith.constant 4 : i32
    %scan3A_1 = arith.addi %scan3A, %scan3A_0 : i32
    %scan3A_2 = arith.constant 1 : i32
    scf.for %scan3A_131 = %scan3A to %scan3A_1 step %scan3A_2  : i32 {
      %mul3A_132 = arith.constant 1 : i32
      %mul3A_133 = arith.muli %scan3A_131, %mul3A_132 : i32
      %add3A_134 = arith.constant 0 : i32
      %add3A_135 = arith.addi %add3A_134, %mul3A_133 : i32
      %mul3A_136 = arith.constant 632 : i32
      %mul3A_137 = arith.muli %arg1, %mul3A_136 : i32
      %mul3A_138 = arith.constant 128 : i32
      %mul3A_139 = arith.muli %add3A_135, %mul3A_138 : i32
      %add3A_140 = arith.addi %mul3A_137, %mul3A_139 : i32
      "tpu.region"() ({
        %run_scoped3A_141 = tpu.sem_alloc : memref<!tpu.dma_semaphore, #tpu.memory_space<semaphore_mem>>
        %dma_start3A_142 = arith.constant 0 : i32
        %dma_start3A_143 = tpu.memref_slice %arg13[%add3A_140, %dma_start3A_142] : memref<10112x64xf32, #tpu.memory_space<vmem_shared>> -> memref<128x64xf32, #tpu.memory_space<vmem_shared>>
        %dma_start3A_144 = arith.constant 0 : i32
        %dma_start3A_145 = tpu.memref_slice %arg13[%add3A_140, %dma_start3A_144] : memref<10112x64xf32, #tpu.memory_space<vmem_shared>> -> memref<128x64xf32, #tpu.memory_space<vmem_shared>>
        tpu.enqueue_dma source(%arg11 : memref<128x64xf32, #tpu.memory_space<vmem>>) target(%dma_start3A_145 : memref<128x64xf32, #tpu.memory_space<vmem_shared>>) target_semaphore(%run_scoped3A_141 : memref<!tpu.dma_semaphore, #tpu.memory_space<semaphore_mem>>)
        %dma_wait3A_146 = arith.constant 0 : i32
        %dma_wait3A_147 = tpu.memref_slice %arg13[%add3A_140, %dma_wait3A_146] : memref<10112x64xf32, #tpu.memory_space<vmem_shared>> -> memref<128x64xf32, #tpu.memory_space<vmem_shared>>
        %dma_wait3A_148 = arith.constant 0 : i32
        %dma_wait3A_149 = tpu.memref_slice %arg13[%add3A_140, %dma_wait3A_148] : memref<10112x64xf32, #tpu.memory_space<vmem_shared>> -> memref<128x64xf32, #tpu.memory_space<vmem_shared>>
        tpu.wait_dma2 semaphore(%run_scoped3A_141 : memref<!tpu.dma_semaphore, #tpu.memory_space<semaphore_mem>>) src(%arg11 : memref<128x64xf32, #tpu.memory_space<vmem>>) dst(%dma_wait3A_149 : memref<128x64xf32, #tpu.memory_space<vmem_shared>>)
        tpu.yield
      }) : () -> ()
    }
    %scan3A_3 = arith.constant 4 : i32
    %mul3A = arith.constant 632 : i32
    %mul3A_4 = arith.muli %arg1, %mul3A : i32
    %add3A = arith.constant 512 : i32
    %add3A_5 = arith.addi %mul3A_4, %add3A : i32
    "tpu.region"() ({
      %run_scoped3A_131 = tpu.sem_alloc : memref<!tpu.dma_semaphore, #tpu.memory_space<semaphore_mem>>
      %dma_start3A_132 = arith.constant 0 : i32
      %dma_start3A_133 = arith.constant 0 : i32
      %dma_start3A_134 = tpu.memref_slice %arg11[%dma_start3A_132, %dma_start3A_133] : memref<128x64xf32, #tpu.memory_space<vmem>> -> memref<120x64xf32, #tpu.memory_space<vmem>>
      %dma_start3A_135 = arith.constant 0 : i32
      %dma_start3A_136 = tpu.memref_slice %arg13[%add3A_5, %dma_start3A_135] : memref<10112x64xf32, #tpu.memory_space<vmem_shared>> -> memref<120x64xf32, #tpu.memory_space<vmem_shared>>
      %dma_start3A_137 = arith.constant 0 : i32
      %dma_start3A_138 = tpu.memref_slice %arg13[%add3A_5, %dma_start3A_137] : memref<10112x64xf32, #tpu.memory_space<vmem_shared>> -> memref<120x64xf32, #tpu.memory_space<vmem_shared>>
      %dma_start3A_139 = arith.constant 0 : i32
      %dma_start3A_140 = arith.constant 0 : i32
      %dma_start3A_141 = tpu.memref_slice %arg11[%dma_start3A_139, %dma_start3A_140] : memref<128x64xf32, #tpu.memory_space<vmem>> -> memref<120x64xf32, #tpu.memory_space<vmem>>
      tpu.enqueue_dma source(%dma_start3A_141 : memref<120x64xf32, #tpu.memory_space<vmem>>) target(%dma_start3A_138 : memref<120x64xf32, #tpu.memory_space<vmem_shared>>) target_semaphore(%run_scoped3A_131 : memref<!tpu.dma_semaphore, #tpu.memory_space<semaphore_mem>>)
      %dma_wait3A_142 = arith.constant 0 : i32
      %dma_wait3A_143 = arith.constant 0 : i32
      %dma_wait3A_144 = tpu.memref_slice %arg11[%dma_wait3A_142, %dma_wait3A_143] : memref<128x64xf32, #tpu.memory_space<vmem>> -> memref<120x64xf32, #tpu.memory_space<vmem>>
      %dma_wait3A_145 = arith.constant 0 : i32
      %dma_wait3A_146 = tpu.memref_slice %arg13[%add3A_5, %dma_wait3A_145] : memref<10112x64xf32, #tpu.memory_space<vmem_shared>> -> memref<120x64xf32, #tpu.memory_space<vmem_shared>>
      %dma_wait3A_147 = arith.constant 0 : i32
      %dma_wait3A_148 = tpu.memref_slice %arg13[%add3A_5, %dma_wait3A_147] : memref<10112x64xf32, #tpu.memory_space<vmem_shared>> -> memref<120x64xf32, #tpu.memory_space<vmem_shared>>
      %dma_wait3A_149 = arith.constant 0 : i32
      %dma_wait3A_150 = arith.constant 0 : i32
      %dma_wait3A_151 = tpu.memref_slice %arg11[%dma_wait3A_149, %dma_wait3A_150] : memref<128x64xf32, #tpu.memory_space<vmem>> -> memref<120x64xf32, #tpu.memory_space<vmem>>
      tpu.wait_dma2 semaphore(%run_scoped3A_131 : memref<!tpu.dma_semaphore, #tpu.memory_space<semaphore_mem>>) src(%dma_wait3A_151 : memref<120x64xf32, #tpu.memory_space<vmem>>) dst(%dma_wait3A_148 : memref<120x64xf32, #tpu.memory_space<vmem_shared>>)
      tpu.yield
    }) : () -> ()
    %barrier3A = arith.constant 0 : index
    tpu.barrier barrier_id(%barrier3A)
    "tpu.region"() ({
      %run_scoped3A_131 = tpu.sem_alloc : memref<!tpu.dma_semaphore, #tpu.memory_space<semaphore_mem>>
      %dma_start3A_132 = arith.constant 0 : i32
      %dma_start3A_133 = arith.constant 0 : i32
      %dma_start3A_134 = tpu.memref_slice %arg3[%arg0, %arg1, %dma_start3A_132, %dma_start3A_133] : memref<2x16x160x128xi32, #tpu.memory_space<hbm>> -> memref<1x1x80x128xi32, #tpu.memory_space<hbm>>
      %dma_start3A_135 = tpu.memref_squeeze %dma_start3A_134 : memref<1x1x80x128xi32, #tpu.memory_space<hbm>> -> memref<80x128xi32, #tpu.memory_space<hbm>>
      %dma_start3A_136 = arith.constant 0 : i32
      %dma_start3A_137 = arith.constant 0 : i32
      %dma_start3A_138 = tpu.memref_slice %arg3[%arg0, %arg1, %dma_start3A_136, %dma_start3A_137] : memref<2x16x160x128xi32, #tpu.memory_space<hbm>> -> memref<1x1x80x128xi32, #tpu.memory_space<hbm>>
      %dma_start3A_139 = tpu.memref_squeeze %dma_start3A_138 : memref<1x1x80x128xi32, #tpu.memory_space<hbm>> -> memref<80x128xi32, #tpu.memory_space<hbm>>
      tpu.enqueue_dma source(%dma_start3A_139 : memref<80x128xi32, #tpu.memory_space<hbm>>) target(%arg7 : memref<80x128xi32, #tpu.memory_space<vmem>>) target_semaphore(%run_scoped3A_131 : memref<!tpu.dma_semaphore, #tpu.memory_space<semaphore_mem>>)
      %dma_wait3A_140 = arith.constant 0 : i32
      %dma_wait3A_141 = arith.constant 0 : i32
      %dma_wait3A_142 = tpu.memref_slice %arg3[%arg0, %arg1, %dma_wait3A_140, %dma_wait3A_141] : memref<2x16x160x128xi32, #tpu.memory_space<hbm>> -> memref<1x1x80x128xi32, #tpu.memory_space<hbm>>
      %dma_wait3A_143 = tpu.memref_squeeze %dma_wait3A_142 : memref<1x1x80x128xi32, #tpu.memory_space<hbm>> -> memref<80x128xi32, #tpu.memory_space<hbm>>
      %dma_wait3A_144 = arith.constant 0 : i32
      %dma_wait3A_145 = arith.constant 0 : i32
      %dma_wait3A_146 = tpu.memref_slice %arg3[%arg0, %arg1, %dma_wait3A_144, %dma_wait3A_145] : memref<2x16x160x128xi32, #tpu.memory_space<hbm>> -> memref<1x1x80x128xi32, #tpu.memory_space<hbm>>
      %dma_wait3A_147 = tpu.memref_squeeze %dma_wait3A_146 : memref<1x1x80x128xi32, #tpu.memory_space<hbm>> -> memref<80x128xi32, #tpu.memory_space<hbm>>
      tpu.wait_dma2 semaphore(%run_scoped3A_131 : memref<!tpu.dma_semaphore, #tpu.memory_space<semaphore_mem>>) src(%dma_wait3A_147 : memref<80x128xi32, #tpu.memory_space<hbm>>) dst(%arg7 : memref<80x128xi32, #tpu.memory_space<vmem>>)
      tpu.yield
    }) : () -> ()
    "tpu.region"() ({
      %run_scoped3A_131 = tpu.sem_alloc : memref<!tpu.dma_semaphore, #tpu.memory_space<semaphore_mem>>
      %dma_start3A_132 = arith.constant 0 : i32
      %dma_start3A_133 = arith.constant 0 : i32
      %dma_start3A_134 = tpu.memref_slice %arg4[%arg1, %dma_start3A_132, %dma_start3A_133] : memref<16x160x128xi32, #tpu.memory_space<hbm>> -> memref<1x80x128xi32, #tpu.memory_space<hbm>>
      %dma_start3A_135 = tpu.memref_squeeze %dma_start3A_134 : memref<1x80x128xi32, #tpu.memory_space<hbm>> -> memref<80x128xi32, #tpu.memory_space<hbm>>
      %dma_start3A_136 = arith.constant 0 : i32
      %dma_start3A_137 = arith.constant 0 : i32
      %dma_start3A_138 = tpu.memref_slice %arg4[%arg1, %dma_start3A_136, %dma_start3A_137] : memref<16x160x128xi32, #tpu.memory_space<hbm>> -> memref<1x80x128xi32, #tpu.memory_space<hbm>>
      %dma_start3A_139 = tpu.memref_squeeze %dma_start3A_138 : memref<1x80x128xi32, #tpu.memory_space<hbm>> -> memref<80x128xi32, #tpu.memory_space<hbm>>
      tpu.enqueue_dma source(%dma_start3A_139 : memref<80x128xi32, #tpu.memory_space<hbm>>) target(%arg8 : memref<80x128xi32, #tpu.memory_space<vmem>>) target_semaphore(%run_scoped3A_131 : memref<!tpu.dma_semaphore, #tpu.memory_space<semaphore_mem>>)
      %dma_wait3A_140 = arith.constant 0 : i32
      %dma_wait3A_141 = arith.constant 0 : i32
      %dma_wait3A_142 = tpu.memref_slice %arg4[%arg1, %dma_wait3A_140, %dma_wait3A_141] : memref<16x160x128xi32, #tpu.memory_space<hbm>> -> memref<1x80x128xi32, #tpu.memory_space<hbm>>
      %dma_wait3A_143 = tpu.memref_squeeze %dma_wait3A_142 : memref<1x80x128xi32, #tpu.memory_space<hbm>> -> memref<80x128xi32, #tpu.memory_space<hbm>>
      %dma_wait3A_144 = arith.constant 0 : i32
      %dma_wait3A_145 = arith.constant 0 : i32
      %dma_wait3A_146 = tpu.memref_slice %arg4[%arg1, %dma_wait3A_144, %dma_wait3A_145] : memref<16x160x128xi32, #tpu.memory_space<hbm>> -> memref<1x80x128xi32, #tpu.memory_space<hbm>>
      %dma_wait3A_147 = tpu.memref_squeeze %dma_wait3A_146 : memref<1x80x128xi32, #tpu.memory_space<hbm>> -> memref<80x128xi32, #tpu.memory_space<hbm>>
      tpu.wait_dma2 semaphore(%run_scoped3A_131 : memref<!tpu.dma_semaphore, #tpu.memory_space<semaphore_mem>>) src(%dma_wait3A_147 : memref<80x128xi32, #tpu.memory_space<hbm>>) dst(%arg8 : memref<80x128xi32, #tpu.memory_space<vmem>>)
      tpu.yield
    }) : () -> ()
    %scan3A_6 = arith.constant 0 : i32
    %mul3A_7 = arith.constant 1 : i32
    %mul3A_8 = arith.muli %scan3A_6, %mul3A_7 : i32
    %add3A_9 = arith.constant 0 : i32
    %add3A_10 = arith.addi %add3A_9, %mul3A_8 : i32
    %mul3A_11 = arith.constant 2 : i32
    %mul3A_12 = arith.muli %mul3A_11, %add3A_10 : i32
    %add3A_13 = arith.constant 1 : i32
    %add3A_14 = arith.addi %mul3A_12, %add3A_13 : i32
    %mul3A_15 = arith.constant 80 : i32
    %mul3A_16 = arith.muli %add3A_14, %mul3A_15 : i32
    %dma_start3A = arith.constant 0 : i32
    %dma_start3A_17 = tpu.memref_slice %arg3[%arg0, %arg1, %mul3A_16, %dma_start3A] : memref<2x16x160x128xi32, #tpu.memory_space<hbm>> -> memref<1x1x80x128xi32, #tpu.memory_space<hbm>>
    %dma_start3A_18 = tpu.memref_squeeze %dma_start3A_17 : memref<1x1x80x128xi32, #tpu.memory_space<hbm>> -> memref<80x128xi32, #tpu.memory_space<hbm>>
    %dma_start3A_19 = arith.constant 0 : i32
    %dma_start3A_20 = tpu.memref_slice %arg3[%arg0, %arg1, %mul3A_16, %dma_start3A_19] : memref<2x16x160x128xi32, #tpu.memory_space<hbm>> -> memref<1x1x80x128xi32, #tpu.memory_space<hbm>>
    %dma_start3A_21 = tpu.memref_squeeze %dma_start3A_20 : memref<1x1x80x128xi32, #tpu.memory_space<hbm>> -> memref<80x128xi32, #tpu.memory_space<hbm>>
    tpu.enqueue_dma source(%dma_start3A_21 : memref<80x128xi32, #tpu.memory_space<hbm>>) target(%arg9 : memref<80x128xi32, #tpu.memory_space<vmem>>) target_semaphore(%arg15 : memref<!tpu.dma_semaphore, #tpu.memory_space<semaphore_mem>>)
    %mul3A_22 = arith.constant 80 : i32
    %mul3A_23 = arith.muli %add3A_14, %mul3A_22 : i32
    %dma_start3A_24 = arith.constant 0 : i32
    %dma_start3A_25 = tpu.memref_slice %arg4[%arg1, %mul3A_23, %dma_start3A_24] : memref<16x160x128xi32, #tpu.memory_space<hbm>> -> memref<1x80x128xi32, #tpu.memory_space<hbm>>
    %dma_start3A_26 = tpu.memref_squeeze %dma_start3A_25 : memref<1x80x128xi32, #tpu.memory_space<hbm>> -> memref<80x128xi32, #tpu.memory_space<hbm>>
    %dma_start3A_27 = arith.constant 0 : i32
    %dma_start3A_28 = tpu.memref_slice %arg4[%arg1, %mul3A_23, %dma_start3A_27] : memref<16x160x128xi32, #tpu.memory_space<hbm>> -> memref<1x80x128xi32, #tpu.memory_space<hbm>>
    %dma_start3A_29 = tpu.memref_squeeze %dma_start3A_28 : memref<1x80x128xi32, #tpu.memory_space<hbm>> -> memref<80x128xi32, #tpu.memory_space<hbm>>
    tpu.enqueue_dma source(%dma_start3A_29 : memref<80x128xi32, #tpu.memory_space<hbm>>) target(%arg10 : memref<80x128xi32, #tpu.memory_space<vmem>>) target_semaphore(%arg15 : memref<!tpu.dma_semaphore, #tpu.memory_space<semaphore_mem>>)
    %dma_start3A_30 = arith.constant 0 : i32
    %dma_start3A_31 = arith.constant 0 : i32
    %dma_start3A_32 = tpu.memref_slice %arg7[%dma_start3A_30, %dma_start3A_31] : memref<80x128xi32, #tpu.memory_space<vmem>> -> memref<1x128xi32, #tpu.memory_space<vmem>>
    %dma_start3A_33 = tpu.memref_squeeze %dma_start3A_32 : memref<1x128xi32, #tpu.memory_space<vmem>> -> memref<128xi32, #tpu.memory_space<vmem>>
    %dma_start3A_34 = arith.constant 0 : i32
    %dma_start3A_35 = arith.constant 0 : i32
    %dma_start3A_36 = tpu.memref_slice %arg2[%dma_start3A_34, %dma_start3A_35] : memref<20000x64xf32, #tpu.memory_space<hbm>> -> memref<20000x64xf32, #tpu.memory_space<hbm>>
    tpu.enqueue_indirect_dma source(%dma_start3A_36 : memref<20000x64xf32, #tpu.memory_space<hbm>>) target(%arg11 : memref<128x64xf32, #tpu.memory_space<vmem>>) offsets(%dma_start3A_33 : memref<128xi32, #tpu.memory_space<vmem>>) semaphore(%arg14 : memref<!tpu.dma_semaphore, #tpu.memory_space<semaphore_mem>>)
    %scan3A_37 = arith.constant 0 : i32
    %scan3A_38 = arith.constant 39 : i32
    %scan3A_39 = arith.addi %scan3A_37, %scan3A_38 : i32
    %scan3A_40 = arith.constant 1 : i32
    scf.for %scan3A_131 = %scan3A_37 to %scan3A_39 step %scan3A_40  : i32 {
      %mul3A_132 = arith.constant 1 : i32
      %mul3A_133 = arith.muli %scan3A_131, %mul3A_132 : i32
      %add3A_134 = arith.constant 0 : i32
      %add3A_135 = arith.addi %add3A_134, %mul3A_133 : i32
      %mul3A_136 = arith.constant 2 : i32
      %mul3A_137 = arith.muli %mul3A_136, %add3A_135 : i32
      %dma_wait3A_138 = arith.constant 0 : i32
      %dma_wait3A_139 = tpu.memref_slice %arg7[%mul3A_137, %dma_wait3A_138] : memref<80x128xi32, #tpu.memory_space<vmem>> -> memref<1x128xi32, #tpu.memory_space<vmem>>
      %dma_wait3A_140 = tpu.memref_squeeze %dma_wait3A_139 : memref<1x128xi32, #tpu.memory_space<vmem>> -> memref<128xi32, #tpu.memory_space<vmem>>
      %dma_wait3A_141 = arith.constant 0 : i32
      %dma_wait3A_142 = arith.constant 0 : i32
      %dma_wait3A_143 = tpu.memref_slice %arg2[%dma_wait3A_141, %dma_wait3A_142] : memref<20000x64xf32, #tpu.memory_space<hbm>> -> memref<20000x64xf32, #tpu.memory_space<hbm>>
      tpu.wait_indirect_dma semaphore(%arg14 : memref<!tpu.dma_semaphore, #tpu.memory_space<semaphore_mem>>) src(%dma_wait3A_143 : memref<20000x64xf32, #tpu.memory_space<hbm>>) dst(%arg11 : memref<128x64xf32, #tpu.memory_space<vmem>>)
      %add3A_144 = arith.constant 1 : i32
      %add3A_145 = arith.addi %mul3A_137, %add3A_144 : i32
      %dma_start3A_146 = arith.constant 0 : i32
      %dma_start3A_147 = tpu.memref_slice %arg7[%add3A_145, %dma_start3A_146] : memref<80x128xi32, #tpu.memory_space<vmem>> -> memref<1x128xi32, #tpu.memory_space<vmem>>
      %dma_start3A_148 = tpu.memref_squeeze %dma_start3A_147 : memref<1x128xi32, #tpu.memory_space<vmem>> -> memref<128xi32, #tpu.memory_space<vmem>>
      %dma_start3A_149 = arith.constant 0 : i32
      %dma_start3A_150 = arith.constant 0 : i32
      %dma_start3A_151 = tpu.memref_slice %arg2[%dma_start3A_149, %dma_start3A_150] : memref<20000x64xf32, #tpu.memory_space<hbm>> -> memref<20000x64xf32, #tpu.memory_space<hbm>>
      tpu.enqueue_indirect_dma source(%dma_start3A_151 : memref<20000x64xf32, #tpu.memory_space<hbm>>) target(%arg12 : memref<128x64xf32, #tpu.memory_space<vmem>>) offsets(%dma_start3A_148 : memref<128xi32, #tpu.memory_space<vmem>>) semaphore(%arg14 : memref<!tpu.dma_semaphore, #tpu.memory_space<semaphore_mem>>)
      "tpu.region"() ({
        %run_scoped3A_170 = tpu.sem_alloc : memref<!tpu.dma_semaphore, #tpu.memory_space<semaphore_mem>>
        %dma_start3A_171 = arith.constant 0 : i32
        %dma_start3A_172 = tpu.memref_slice %arg8[%mul3A_137, %dma_start3A_171] : memref<80x128xi32, #tpu.memory_space<vmem>> -> memref<1x128xi32, #tpu.memory_space<vmem>>
        %dma_start3A_173 = tpu.memref_squeeze %dma_start3A_172 : memref<1x128xi32, #tpu.memory_space<vmem>> -> memref<128xi32, #tpu.memory_space<vmem>>
        %dma_start3A_174 = arith.constant 0 : i32
        %dma_start3A_175 = arith.constant 0 : i32
        %dma_start3A_176 = tpu.memref_slice %arg13[%dma_start3A_174, %dma_start3A_175] : memref<10112x64xf32, #tpu.memory_space<vmem_shared>> -> memref<10112x64xf32, #tpu.memory_space<vmem_shared>>
        tpu.enqueue_indirect_dma source(%arg11 : memref<128x64xf32, #tpu.memory_space<vmem>>) target(%dma_start3A_176 : memref<10112x64xf32, #tpu.memory_space<vmem_shared>>) offsets(%dma_start3A_173 : memref<128xi32, #tpu.memory_space<vmem>>) semaphore(%run_scoped3A_170 : memref<!tpu.dma_semaphore, #tpu.memory_space<semaphore_mem>>) {add = true}
        %dma_wait3A_177 = arith.constant 0 : i32
        %dma_wait3A_178 = tpu.memref_slice %arg8[%mul3A_137, %dma_wait3A_177] : memref<80x128xi32, #tpu.memory_space<vmem>> -> memref<1x128xi32, #tpu.memory_space<vmem>>
        %dma_wait3A_179 = tpu.memref_squeeze %dma_wait3A_178 : memref<1x128xi32, #tpu.memory_space<vmem>> -> memref<128xi32, #tpu.memory_space<vmem>>
        %dma_wait3A_180 = arith.constant 0 : i32
        %dma_wait3A_181 = arith.constant 0 : i32
        %dma_wait3A_182 = tpu.memref_slice %arg13[%dma_wait3A_180, %dma_wait3A_181] : memref<10112x64xf32, #tpu.memory_space<vmem_shared>> -> memref<10112x64xf32, #tpu.memory_space<vmem_shared>>
        tpu.wait_indirect_dma semaphore(%run_scoped3A_170 : memref<!tpu.dma_semaphore, #tpu.memory_space<semaphore_mem>>) src(%arg11 : memref<128x64xf32, #tpu.memory_space<vmem>>) dst(%dma_wait3A_182 : memref<10112x64xf32, #tpu.memory_space<vmem_shared>>)
        tpu.yield
      }) : () -> ()
      %add3A_152 = arith.constant 1 : i32
      %add3A_153 = arith.addi %mul3A_137, %add3A_152 : i32
      %dma_wait3A_154 = arith.constant 0 : i32
      %dma_wait3A_155 = tpu.memref_slice %arg7[%add3A_153, %dma_wait3A_154] : memref<80x128xi32, #tpu.memory_space<vmem>> -> memref<1x128xi32, #tpu.memory_space<vmem>>
      %dma_wait3A_156 = tpu.memref_squeeze %dma_wait3A_155 : memref<1x128xi32, #tpu.memory_space<vmem>> -> memref<128xi32, #tpu.memory_space<vmem>>
      %dma_wait3A_157 = arith.constant 0 : i32
      %dma_wait3A_158 = arith.constant 0 : i32
      %dma_wait3A_159 = tpu.memref_slice %arg2[%dma_wait3A_157, %dma_wait3A_158] : memref<20000x64xf32, #tpu.memory_space<hbm>> -> memref<20000x64xf32, #tpu.memory_space<hbm>>
      tpu.wait_indirect_dma semaphore(%arg14 : memref<!tpu.dma_semaphore, #tpu.memory_space<semaphore_mem>>) src(%dma_wait3A_159 : memref<20000x64xf32, #tpu.memory_space<hbm>>) dst(%arg12 : memref<128x64xf32, #tpu.memory_space<vmem>>)
      %add3A_160 = arith.constant 2 : i32
      %add3A_161 = arith.addi %mul3A_137, %add3A_160 : i32
      %dma_start3A_162 = arith.constant 0 : i32
      %dma_start3A_163 = tpu.memref_slice %arg7[%add3A_161, %dma_start3A_162] : memref<80x128xi32, #tpu.memory_space<vmem>> -> memref<1x128xi32, #tpu.memory_space<vmem>>
      %dma_start3A_164 = tpu.memref_squeeze %dma_start3A_163 : memref<1x128xi32, #tpu.memory_space<vmem>> -> memref<128xi32, #tpu.memory_space<vmem>>
      %dma_start3A_165 = arith.constant 0 : i32
      %dma_start3A_166 = arith.constant 0 : i32
      %dma_start3A_167 = tpu.memref_slice %arg2[%dma_start3A_165, %dma_start3A_166] : memref<20000x64xf32, #tpu.memory_space<hbm>> -> memref<20000x64xf32, #tpu.memory_space<hbm>>
      tpu.enqueue_indirect_dma source(%dma_start3A_167 : memref<20000x64xf32, #tpu.memory_space<hbm>>) target(%arg11 : memref<128x64xf32, #tpu.memory_space<vmem>>) offsets(%dma_start3A_164 : memref<128xi32, #tpu.memory_space<vmem>>) semaphore(%arg14 : memref<!tpu.dma_semaphore, #tpu.memory_space<semaphore_mem>>)
      %add3A_168 = arith.constant 1 : i32
      %add3A_169 = arith.addi %mul3A_137, %add3A_168 : i32
      "tpu.region"() ({
        %run_scoped3A_170 = tpu.sem_alloc : memref<!tpu.dma_semaphore, #tpu.memory_space<semaphore_mem>>
        %dma_start3A_171 = arith.constant 0 : i32
        %dma_start3A_172 = tpu.memref_slice %arg8[%add3A_169, %dma_start3A_171] : memref<80x128xi32, #tpu.memory_space<vmem>> -> memref<1x128xi32, #tpu.memory_space<vmem>>
        %dma_start3A_173 = tpu.memref_squeeze %dma_start3A_172 : memref<1x128xi32, #tpu.memory_space<vmem>> -> memref<128xi32, #tpu.memory_space<vmem>>
        %dma_start3A_174 = arith.constant 0 : i32
        %dma_start3A_175 = arith.constant 0 : i32
        %dma_start3A_176 = tpu.memref_slice %arg13[%dma_start3A_174, %dma_start3A_175] : memref<10112x64xf32, #tpu.memory_space<vmem_shared>> -> memref<10112x64xf32, #tpu.memory_space<vmem_shared>>
        tpu.enqueue_indirect_dma source(%arg12 : memref<128x64xf32, #tpu.memory_space<vmem>>) target(%dma_start3A_176 : memref<10112x64xf32, #tpu.memory_space<vmem_shared>>) offsets(%dma_start3A_173 : memref<128xi32, #tpu.memory_space<vmem>>) semaphore(%run_scoped3A_170 : memref<!tpu.dma_semaphore, #tpu.memory_space<semaphore_mem>>) {add = true}
        %dma_wait3A_177 = arith.constant 0 : i32
        %dma_wait3A_178 = tpu.memref_slice %arg8[%add3A_169, %dma_wait3A_177] : memref<80x128xi32, #tpu.memory_space<vmem>> -> memref<1x128xi32, #tpu.memory_space<vmem>>
        %dma_wait3A_179 = tpu.memref_squeeze %dma_wait3A_178 : memref<1x128xi32, #tpu.memory_space<vmem>> -> memref<128xi32, #tpu.memory_space<vmem>>
        %dma_wait3A_180 = arith.constant 0 : i32
        %dma_wait3A_181 = arith.constant 0 : i32
        %dma_wait3A_182 = tpu.memref_slice %arg13[%dma_wait3A_180, %dma_wait3A_181] : memref<10112x64xf32, #tpu.memory_space<vmem_shared>> -> memref<10112x64xf32, #tpu.memory_space<vmem_shared>>
        tpu.wait_indirect_dma semaphore(%run_scoped3A_170 : memref<!tpu.dma_semaphore, #tpu.memory_space<semaphore_mem>>) src(%arg12 : memref<128x64xf32, #tpu.memory_space<vmem>>) dst(%dma_wait3A_182 : memref<10112x64xf32, #tpu.memory_space<vmem_shared>>)
        tpu.yield
      }) : () -> ()
    }
    %scan3A_41 = arith.constant 39 : i32
    %dma_wait3A = arith.constant 78 : i32
    %dma_wait3A_42 = arith.constant 0 : i32
    %dma_wait3A_43 = tpu.memref_slice %arg7[%dma_wait3A, %dma_wait3A_42] : memref<80x128xi32, #tpu.memory_space<vmem>> -> memref<1x128xi32, #tpu.memory_space<vmem>>
    %dma_wait3A_44 = tpu.memref_squeeze %dma_wait3A_43 : memref<1x128xi32, #tpu.memory_space<vmem>> -> memref<128xi32, #tpu.memory_space<vmem>>
    %dma_wait3A_45 = arith.constant 0 : i32
    %dma_wait3A_46 = arith.constant 0 : i32
    %dma_wait3A_47 = tpu.memref_slice %arg2[%dma_wait3A_45, %dma_wait3A_46] : memref<20000x64xf32, #tpu.memory_space<hbm>> -> memref<20000x64xf32, #tpu.memory_space<hbm>>
    tpu.wait_indirect_dma semaphore(%arg14 : memref<!tpu.dma_semaphore, #tpu.memory_space<semaphore_mem>>) src(%dma_wait3A_47 : memref<20000x64xf32, #tpu.memory_space<hbm>>) dst(%arg11 : memref<128x64xf32, #tpu.memory_space<vmem>>)
    %dma_start3A_48 = arith.constant 79 : i32
    %dma_start3A_49 = arith.constant 0 : i32
    %dma_start3A_50 = tpu.memref_slice %arg7[%dma_start3A_48, %dma_start3A_49] : memref<80x128xi32, #tpu.memory_space<vmem>> -> memref<1x128xi32, #tpu.memory_space<vmem>>
    %dma_start3A_51 = tpu.memref_squeeze %dma_start3A_50 : memref<1x128xi32, #tpu.memory_space<vmem>> -> memref<128xi32, #tpu.memory_space<vmem>>
    %dma_start3A_52 = arith.constant 0 : i32
    %dma_start3A_53 = arith.constant 0 : i32
    %dma_start3A_54 = tpu.memref_slice %arg2[%dma_start3A_52, %dma_start3A_53] : memref<20000x64xf32, #tpu.memory_space<hbm>> -> memref<20000x64xf32, #tpu.memory_space<hbm>>
    tpu.enqueue_indirect_dma source(%dma_start3A_54 : memref<20000x64xf32, #tpu.memory_space<hbm>>) target(%arg12 : memref<128x64xf32, #tpu.memory_space<vmem>>) offsets(%dma_start3A_51 : memref<128xi32, #tpu.memory_space<vmem>>) semaphore(%arg14 : memref<!tpu.dma_semaphore, #tpu.memory_space<semaphore_mem>>)
    %run_scoped3A = arith.constant 78 : i32
    "tpu.region"() ({
      %run_scoped3A_131 = tpu.sem_alloc : memref<!tpu.dma_semaphore, #tpu.memory_space<semaphore_mem>>
      %dma_start3A_132 = arith.constant 0 : i32
      %dma_start3A_133 = tpu.memref_slice %arg8[%run_scoped3A, %dma_start3A_132] : memref<80x128xi32, #tpu.memory_space<vmem>> -> memref<1x128xi32, #tpu.memory_space<vmem>>
      %dma_start3A_134 = tpu.memref_squeeze %dma_start3A_133 : memref<1x128xi32, #tpu.memory_space<vmem>> -> memref<128xi32, #tpu.memory_space<vmem>>
      %dma_start3A_135 = arith.constant 0 : i32
      %dma_start3A_136 = arith.constant 0 : i32
      %dma_start3A_137 = tpu.memref_slice %arg13[%dma_start3A_135, %dma_start3A_136] : memref<10112x64xf32, #tpu.memory_space<vmem_shared>> -> memref<10112x64xf32, #tpu.memory_space<vmem_shared>>
      tpu.enqueue_indirect_dma source(%arg11 : memref<128x64xf32, #tpu.memory_space<vmem>>) target(%dma_start3A_137 : memref<10112x64xf32, #tpu.memory_space<vmem_shared>>) offsets(%dma_start3A_134 : memref<128xi32, #tpu.memory_space<vmem>>) semaphore(%run_scoped3A_131 : memref<!tpu.dma_semaphore, #tpu.memory_space<semaphore_mem>>) {add = true}
      %dma_wait3A_138 = arith.constant 0 : i32
      %dma_wait3A_139 = tpu.memref_slice %arg8[%run_scoped3A, %dma_wait3A_138] : memref<80x128xi32, #tpu.memory_space<vmem>> -> memref<1x128xi32, #tpu.memory_space<vmem>>
      %dma_wait3A_140 = tpu.memref_squeeze %dma_wait3A_139 : memref<1x128xi32, #tpu.memory_space<vmem>> -> memref<128xi32, #tpu.memory_space<vmem>>
      %dma_wait3A_141 = arith.constant 0 : i32
      %dma_wait3A_142 = arith.constant 0 : i32
      %dma_wait3A_143 = tpu.memref_slice %arg13[%dma_wait3A_141, %dma_wait3A_142] : memref<10112x64xf32, #tpu.memory_space<vmem_shared>> -> memref<10112x64xf32, #tpu.memory_space<vmem_shared>>
      tpu.wait_indirect_dma semaphore(%run_scoped3A_131 : memref<!tpu.dma_semaphore, #tpu.memory_space<semaphore_mem>>) src(%arg11 : memref<128x64xf32, #tpu.memory_space<vmem>>) dst(%dma_wait3A_143 : memref<10112x64xf32, #tpu.memory_space<vmem_shared>>)
      tpu.yield
    }) : () -> ()
    %dma_wait3A_55 = arith.constant 79 : i32
    %dma_wait3A_56 = arith.constant 0 : i32
    %dma_wait3A_57 = tpu.memref_slice %arg7[%dma_wait3A_55, %dma_wait3A_56] : memref<80x128xi32, #tpu.memory_space<vmem>> -> memref<1x128xi32, #tpu.memory_space<vmem>>
    %dma_wait3A_58 = tpu.memref_squeeze %dma_wait3A_57 : memref<1x128xi32, #tpu.memory_space<vmem>> -> memref<128xi32, #tpu.memory_space<vmem>>
    %dma_wait3A_59 = arith.constant 0 : i32
    %dma_wait3A_60 = arith.constant 0 : i32
    %dma_wait3A_61 = tpu.memref_slice %arg2[%dma_wait3A_59, %dma_wait3A_60] : memref<20000x64xf32, #tpu.memory_space<hbm>> -> memref<20000x64xf32, #tpu.memory_space<hbm>>
    tpu.wait_indirect_dma semaphore(%arg14 : memref<!tpu.dma_semaphore, #tpu.memory_space<semaphore_mem>>) src(%dma_wait3A_61 : memref<20000x64xf32, #tpu.memory_space<hbm>>) dst(%arg12 : memref<128x64xf32, #tpu.memory_space<vmem>>)
    %run_scoped3A_62 = arith.constant 79 : i32
    "tpu.region"() ({
      %run_scoped3A_131 = tpu.sem_alloc : memref<!tpu.dma_semaphore, #tpu.memory_space<semaphore_mem>>
      %dma_start3A_132 = arith.constant 0 : i32
      %dma_start3A_133 = tpu.memref_slice %arg8[%run_scoped3A_62, %dma_start3A_132] : memref<80x128xi32, #tpu.memory_space<vmem>> -> memref<1x128xi32, #tpu.memory_space<vmem>>
      %dma_start3A_134 = tpu.memref_squeeze %dma_start3A_133 : memref<1x128xi32, #tpu.memory_space<vmem>> -> memref<128xi32, #tpu.memory_space<vmem>>
      %dma_start3A_135 = arith.constant 0 : i32
      %dma_start3A_136 = arith.constant 0 : i32
      %dma_start3A_137 = tpu.memref_slice %arg13[%dma_start3A_135, %dma_start3A_136] : memref<10112x64xf32, #tpu.memory_space<vmem_shared>> -> memref<10112x64xf32, #tpu.memory_space<vmem_shared>>
      tpu.enqueue_indirect_dma source(%arg12 : memref<128x64xf32, #tpu.memory_space<vmem>>) target(%dma_start3A_137 : memref<10112x64xf32, #tpu.memory_space<vmem_shared>>) offsets(%dma_start3A_134 : memref<128xi32, #tpu.memory_space<vmem>>) semaphore(%run_scoped3A_131 : memref<!tpu.dma_semaphore, #tpu.memory_space<semaphore_mem>>) {add = true}
      %dma_wait3A_138 = arith.constant 0 : i32
      %dma_wait3A_139 = tpu.memref_slice %arg8[%run_scoped3A_62, %dma_wait3A_138] : memref<80x128xi32, #tpu.memory_space<vmem>> -> memref<1x128xi32, #tpu.memory_space<vmem>>
      %dma_wait3A_140 = tpu.memref_squeeze %dma_wait3A_139 : memref<1x128xi32, #tpu.memory_space<vmem>> -> memref<128xi32, #tpu.memory_space<vmem>>
      %dma_wait3A_141 = arith.constant 0 : i32
      %dma_wait3A_142 = arith.constant 0 : i32
      %dma_wait3A_143 = tpu.memref_slice %arg13[%dma_wait3A_141, %dma_wait3A_142] : memref<10112x64xf32, #tpu.memory_space<vmem_shared>> -> memref<10112x64xf32, #tpu.memory_space<vmem_shared>>
      tpu.wait_indirect_dma semaphore(%run_scoped3A_131 : memref<!tpu.dma_semaphore, #tpu.memory_space<semaphore_mem>>) src(%arg12 : memref<128x64xf32, #tpu.memory_space<vmem>>) dst(%dma_wait3A_143 : memref<10112x64xf32, #tpu.memory_space<vmem_shared>>)
      tpu.yield
    }) : () -> ()
    %mul3A_63 = arith.constant 2 : i32
    %mul3A_64 = arith.muli %mul3A_63, %add3A_10 : i32
    %add3A_65 = arith.constant 1 : i32
    %add3A_66 = arith.addi %mul3A_64, %add3A_65 : i32
    %mul3A_67 = arith.constant 80 : i32
    %mul3A_68 = arith.muli %add3A_66, %mul3A_67 : i32
    %dma_wait3A_69 = arith.constant 0 : i32
    %dma_wait3A_70 = tpu.memref_slice %arg3[%arg0, %arg1, %mul3A_68, %dma_wait3A_69] : memref<2x16x160x128xi32, #tpu.memory_space<hbm>> -> memref<1x1x80x128xi32, #tpu.memory_space<hbm>>
    %dma_wait3A_71 = tpu.memref_squeeze %dma_wait3A_70 : memref<1x1x80x128xi32, #tpu.memory_space<hbm>> -> memref<80x128xi32, #tpu.memory_space<hbm>>
    %dma_wait3A_72 = arith.constant 0 : i32
    %dma_wait3A_73 = tpu.memref_slice %arg3[%arg0, %arg1, %mul3A_68, %dma_wait3A_72] : memref<2x16x160x128xi32, #tpu.memory_space<hbm>> -> memref<1x1x80x128xi32, #tpu.memory_space<hbm>>
    %dma_wait3A_74 = tpu.memref_squeeze %dma_wait3A_73 : memref<1x1x80x128xi32, #tpu.memory_space<hbm>> -> memref<80x128xi32, #tpu.memory_space<hbm>>
    tpu.wait_dma2 semaphore(%arg15 : memref<!tpu.dma_semaphore, #tpu.memory_space<semaphore_mem>>) src(%dma_wait3A_74 : memref<80x128xi32, #tpu.memory_space<hbm>>) dst(%arg9 : memref<80x128xi32, #tpu.memory_space<vmem>>)
    %mul3A_75 = arith.constant 80 : i32
    %mul3A_76 = arith.muli %add3A_66, %mul3A_75 : i32
    %dma_wait3A_77 = arith.constant 0 : i32
    %dma_wait3A_78 = tpu.memref_slice %arg4[%arg1, %mul3A_76, %dma_wait3A_77] : memref<16x160x128xi32, #tpu.memory_space<hbm>> -> memref<1x80x128xi32, #tpu.memory_space<hbm>>
    %dma_wait3A_79 = tpu.memref_squeeze %dma_wait3A_78 : memref<1x80x128xi32, #tpu.memory_space<hbm>> -> memref<80x128xi32, #tpu.memory_space<hbm>>
    %dma_wait3A_80 = arith.constant 0 : i32
    %dma_wait3A_81 = tpu.memref_slice %arg4[%arg1, %mul3A_76, %dma_wait3A_80] : memref<16x160x128xi32, #tpu.memory_space<hbm>> -> memref<1x80x128xi32, #tpu.memory_space<hbm>>
    %dma_wait3A_82 = tpu.memref_squeeze %dma_wait3A_81 : memref<1x80x128xi32, #tpu.memory_space<hbm>> -> memref<80x128xi32, #tpu.memory_space<hbm>>
    tpu.wait_dma2 semaphore(%arg15 : memref<!tpu.dma_semaphore, #tpu.memory_space<semaphore_mem>>) src(%dma_wait3A_82 : memref<80x128xi32, #tpu.memory_space<hbm>>) dst(%arg10 : memref<80x128xi32, #tpu.memory_space<vmem>>)
    %lt3A = arith.constant 0 : i32
    %lt3A_83 = arith.cmpi slt, %add3A_10, %lt3A : i32
    %convert_element_type3A = arith.extui %lt3A_83 : i1 to i32
    %cond3A = arith.constant 0 : i32
    %cond3A_84 = arith.cmpi ne, %convert_element_type3A, %cond3A : i32
    scf.if %cond3A_84 {
      %mul3A_131 = arith.constant 2 : i32
      %mul3A_132 = arith.muli %mul3A_131, %add3A_10 : i32
      %add3A_133 = arith.constant 2 : i32
      %add3A_134 = arith.addi %mul3A_132, %add3A_133 : i32
      %mul3A_135 = arith.constant 80 : i32
      %mul3A_136 = arith.muli %add3A_134, %mul3A_135 : i32
      %dma_start3A_137 = arith.constant 0 : i32
      %dma_start3A_138 = tpu.memref_slice %arg3[%arg0, %arg1, %mul3A_136, %dma_start3A_137] : memref<2x16x160x128xi32, #tpu.memory_space<hbm>> -> memref<1x1x80x128xi32, #tpu.memory_space<hbm>>
      %dma_start3A_139 = tpu.memref_squeeze %dma_start3A_138 : memref<1x1x80x128xi32, #tpu.memory_space<hbm>> -> memref<80x128xi32, #tpu.memory_space<hbm>>
      %dma_start3A_140 = arith.constant 0 : i32
      %dma_start3A_141 = tpu.memref_slice %arg3[%arg0, %arg1, %mul3A_136, %dma_start3A_140] : memref<2x16x160x128xi32, #tpu.memory_space<hbm>> -> memref<1x1x80x128xi32, #tpu.memory_space<hbm>>
      %dma_start3A_142 = tpu.memref_squeeze %dma_start3A_141 : memref<1x1x80x128xi32, #tpu.memory_space<hbm>> -> memref<80x128xi32, #tpu.memory_space<hbm>>
      tpu.enqueue_dma source(%dma_start3A_142 : memref<80x128xi32, #tpu.memory_space<hbm>>) target(%arg7 : memref<80x128xi32, #tpu.memory_space<vmem>>) target_semaphore(%arg15 : memref<!tpu.dma_semaphore, #tpu.memory_space<semaphore_mem>>)
      %mul3A_143 = arith.constant 80 : i32
      %mul3A_144 = arith.muli %add3A_134, %mul3A_143 : i32
      %dma_start3A_145 = arith.constant 0 : i32
      %dma_start3A_146 = tpu.memref_slice %arg4[%arg1, %mul3A_144, %dma_start3A_145] : memref<16x160x128xi32, #tpu.memory_space<hbm>> -> memref<1x80x128xi32, #tpu.memory_space<hbm>>
      %dma_start3A_147 = tpu.memref_squeeze %dma_start3A_146 : memref<1x80x128xi32, #tpu.memory_space<hbm>> -> memref<80x128xi32, #tpu.memory_space<hbm>>
      %dma_start3A_148 = arith.constant 0 : i32
      %dma_start3A_149 = tpu.memref_slice %arg4[%arg1, %mul3A_144, %dma_start3A_148] : memref<16x160x128xi32, #tpu.memory_space<hbm>> -> memref<1x80x128xi32, #tpu.memory_space<hbm>>
      %dma_start3A_150 = tpu.memref_squeeze %dma_start3A_149 : memref<1x80x128xi32, #tpu.memory_space<hbm>> -> memref<80x128xi32, #tpu.memory_space<hbm>>
      tpu.enqueue_dma source(%dma_start3A_150 : memref<80x128xi32, #tpu.memory_space<hbm>>) target(%arg8 : memref<80x128xi32, #tpu.memory_space<vmem>>) target_semaphore(%arg15 : memref<!tpu.dma_semaphore, #tpu.memory_space<semaphore_mem>>)
    } else {
    }
    %dma_start3A_85 = arith.constant 0 : i32
    %dma_start3A_86 = arith.constant 0 : i32
    %dma_start3A_87 = tpu.memref_slice %arg9[%dma_start3A_85, %dma_start3A_86] : memref<80x128xi32, #tpu.memory_space<vmem>> -> memref<1x128xi32, #tpu.memory_space<vmem>>
    %dma_start3A_88 = tpu.memref_squeeze %dma_start3A_87 : memref<1x128xi32, #tpu.memory_space<vmem>> -> memref<128xi32, #tpu.memory_space<vmem>>
    %dma_start3A_89 = arith.constant 0 : i32
    %dma_start3A_90 = arith.constant 0 : i32
    %dma_start3A_91 = tpu.memref_slice %arg2[%dma_start3A_89, %dma_start3A_90] : memref<20000x64xf32, #tpu.memory_space<hbm>> -> memref<20000x64xf32, #tpu.memory_space<hbm>>
    tpu.enqueue_indirect_dma source(%dma_start3A_91 : memref<20000x64xf32, #tpu.memory_space<hbm>>) target(%arg11 : memref<128x64xf32, #tpu.memory_space<vmem>>) offsets(%dma_start3A_88 : memref<128xi32, #tpu.memory_space<vmem>>) semaphore(%arg14 : memref<!tpu.dma_semaphore, #tpu.memory_space<semaphore_mem>>)
    %scan3A_92 = arith.constant 0 : i32
    %scan3A_93 = arith.constant 39 : i32
    %scan3A_94 = arith.addi %scan3A_92, %scan3A_93 : i32
    %scan3A_95 = arith.constant 1 : i32
    scf.for %scan3A_131 = %scan3A_92 to %scan3A_94 step %scan3A_95  : i32 {
      %mul3A_132 = arith.constant 1 : i32
      %mul3A_133 = arith.muli %scan3A_131, %mul3A_132 : i32
      %add3A_134 = arith.constant 0 : i32
      %add3A_135 = arith.addi %add3A_134, %mul3A_133 : i32
      %mul3A_136 = arith.constant 2 : i32
      %mul3A_137 = arith.muli %mul3A_136, %add3A_135 : i32
      %dma_wait3A_138 = arith.constant 0 : i32
      %dma_wait3A_139 = tpu.memref_slice %arg9[%mul3A_137, %dma_wait3A_138] : memref<80x128xi32, #tpu.memory_space<vmem>> -> memref<1x128xi32, #tpu.memory_space<vmem>>
      %dma_wait3A_140 = tpu.memref_squeeze %dma_wait3A_139 : memref<1x128xi32, #tpu.memory_space<vmem>> -> memref<128xi32, #tpu.memory_space<vmem>>
      %dma_wait3A_141 = arith.constant 0 : i32
      %dma_wait3A_142 = arith.constant 0 : i32
      %dma_wait3A_143 = tpu.memref_slice %arg2[%dma_wait3A_141, %dma_wait3A_142] : memref<20000x64xf32, #tpu.memory_space<hbm>> -> memref<20000x64xf32, #tpu.memory_space<hbm>>
      tpu.wait_indirect_dma semaphore(%arg14 : memref<!tpu.dma_semaphore, #tpu.memory_space<semaphore_mem>>) src(%dma_wait3A_143 : memref<20000x64xf32, #tpu.memory_space<hbm>>) dst(%arg11 : memref<128x64xf32, #tpu.memory_space<vmem>>)
      %add3A_144 = arith.constant 1 : i32
      %add3A_145 = arith.addi %mul3A_137, %add3A_144 : i32
      %dma_start3A_146 = arith.constant 0 : i32
      %dma_start3A_147 = tpu.memref_slice %arg9[%add3A_145, %dma_start3A_146] : memref<80x128xi32, #tpu.memory_space<vmem>> -> memref<1x128xi32, #tpu.memory_space<vmem>>
      %dma_start3A_148 = tpu.memref_squeeze %dma_start3A_147 : memref<1x128xi32, #tpu.memory_space<vmem>> -> memref<128xi32, #tpu.memory_space<vmem>>
      %dma_start3A_149 = arith.constant 0 : i32
      %dma_start3A_150 = arith.constant 0 : i32
      %dma_start3A_151 = tpu.memref_slice %arg2[%dma_start3A_149, %dma_start3A_150] : memref<20000x64xf32, #tpu.memory_space<hbm>> -> memref<20000x64xf32, #tpu.memory_space<hbm>>
      tpu.enqueue_indirect_dma source(%dma_start3A_151 : memref<20000x64xf32, #tpu.memory_space<hbm>>) target(%arg12 : memref<128x64xf32, #tpu.memory_space<vmem>>) offsets(%dma_start3A_148 : memref<128xi32, #tpu.memory_space<vmem>>) semaphore(%arg14 : memref<!tpu.dma_semaphore, #tpu.memory_space<semaphore_mem>>)
      "tpu.region"() ({
        %run_scoped3A_170 = tpu.sem_alloc : memref<!tpu.dma_semaphore, #tpu.memory_space<semaphore_mem>>
        %dma_start3A_171 = arith.constant 0 : i32
        %dma_start3A_172 = tpu.memref_slice %arg10[%mul3A_137, %dma_start3A_171] : memref<80x128xi32, #tpu.memory_space<vmem>> -> memref<1x128xi32, #tpu.memory_space<vmem>>
        %dma_start3A_173 = tpu.memref_squeeze %dma_start3A_172 : memref<1x128xi32, #tpu.memory_space<vmem>> -> memref<128xi32, #tpu.memory_space<vmem>>
        %dma_start3A_174 = arith.constant 0 : i32
        %dma_start3A_175 = arith.constant 0 : i32
        %dma_start3A_176 = tpu.memref_slice %arg13[%dma_start3A_174, %dma_start3A_175] : memref<10112x64xf32, #tpu.memory_space<vmem_shared>> -> memref<10112x64xf32, #tpu.memory_space<vmem_shared>>
        tpu.enqueue_indirect_dma source(%arg11 : memref<128x64xf32, #tpu.memory_space<vmem>>) target(%dma_start3A_176 : memref<10112x64xf32, #tpu.memory_space<vmem_shared>>) offsets(%dma_start3A_173 : memref<128xi32, #tpu.memory_space<vmem>>) semaphore(%run_scoped3A_170 : memref<!tpu.dma_semaphore, #tpu.memory_space<semaphore_mem>>) {add = true}
        %dma_wait3A_177 = arith.constant 0 : i32
        %dma_wait3A_178 = tpu.memref_slice %arg10[%mul3A_137, %dma_wait3A_177] : memref<80x128xi32, #tpu.memory_space<vmem>> -> memref<1x128xi32, #tpu.memory_space<vmem>>
        %dma_wait3A_179 = tpu.memref_squeeze %dma_wait3A_178 : memref<1x128xi32, #tpu.memory_space<vmem>> -> memref<128xi32, #tpu.memory_space<vmem>>
        %dma_wait3A_180 = arith.constant 0 : i32
        %dma_wait3A_181 = arith.constant 0 : i32
        %dma_wait3A_182 = tpu.memref_slice %arg13[%dma_wait3A_180, %dma_wait3A_181] : memref<10112x64xf32, #tpu.memory_space<vmem_shared>> -> memref<10112x64xf32, #tpu.memory_space<vmem_shared>>
        tpu.wait_indirect_dma semaphore(%run_scoped3A_170 : memref<!tpu.dma_semaphore, #tpu.memory_space<semaphore_mem>>) src(%arg11 : memref<128x64xf32, #tpu.memory_space<vmem>>) dst(%dma_wait3A_182 : memref<10112x64xf32, #tpu.memory_space<vmem_shared>>)
        tpu.yield
      }) : () -> ()
      %add3A_152 = arith.constant 1 : i32
      %add3A_153 = arith.addi %mul3A_137, %add3A_152 : i32
      %dma_wait3A_154 = arith.constant 0 : i32
      %dma_wait3A_155 = tpu.memref_slice %arg9[%add3A_153, %dma_wait3A_154] : memref<80x128xi32, #tpu.memory_space<vmem>> -> memref<1x128xi32, #tpu.memory_space<vmem>>
      %dma_wait3A_156 = tpu.memref_squeeze %dma_wait3A_155 : memref<1x128xi32, #tpu.memory_space<vmem>> -> memref<128xi32, #tpu.memory_space<vmem>>
      %dma_wait3A_157 = arith.constant 0 : i32
      %dma_wait3A_158 = arith.constant 0 : i32
      %dma_wait3A_159 = tpu.memref_slice %arg2[%dma_wait3A_157, %dma_wait3A_158] : memref<20000x64xf32, #tpu.memory_space<hbm>> -> memref<20000x64xf32, #tpu.memory_space<hbm>>
      tpu.wait_indirect_dma semaphore(%arg14 : memref<!tpu.dma_semaphore, #tpu.memory_space<semaphore_mem>>) src(%dma_wait3A_159 : memref<20000x64xf32, #tpu.memory_space<hbm>>) dst(%arg12 : memref<128x64xf32, #tpu.memory_space<vmem>>)
      %add3A_160 = arith.constant 2 : i32
      %add3A_161 = arith.addi %mul3A_137, %add3A_160 : i32
      %dma_start3A_162 = arith.constant 0 : i32
      %dma_start3A_163 = tpu.memref_slice %arg9[%add3A_161, %dma_start3A_162] : memref<80x128xi32, #tpu.memory_space<vmem>> -> memref<1x128xi32, #tpu.memory_space<vmem>>
      %dma_start3A_164 = tpu.memref_squeeze %dma_start3A_163 : memref<1x128xi32, #tpu.memory_space<vmem>> -> memref<128xi32, #tpu.memory_space<vmem>>
      %dma_start3A_165 = arith.constant 0 : i32
      %dma_start3A_166 = arith.constant 0 : i32
      %dma_start3A_167 = tpu.memref_slice %arg2[%dma_start3A_165, %dma_start3A_166] : memref<20000x64xf32, #tpu.memory_space<hbm>> -> memref<20000x64xf32, #tpu.memory_space<hbm>>
      tpu.enqueue_indirect_dma source(%dma_start3A_167 : memref<20000x64xf32, #tpu.memory_space<hbm>>) target(%arg11 : memref<128x64xf32, #tpu.memory_space<vmem>>) offsets(%dma_start3A_164 : memref<128xi32, #tpu.memory_space<vmem>>) semaphore(%arg14 : memref<!tpu.dma_semaphore, #tpu.memory_space<semaphore_mem>>)
      %add3A_168 = arith.constant 1 : i32
      %add3A_169 = arith.addi %mul3A_137, %add3A_168 : i32
      "tpu.region"() ({
        %run_scoped3A_170 = tpu.sem_alloc : memref<!tpu.dma_semaphore, #tpu.memory_space<semaphore_mem>>
        %dma_start3A_171 = arith.constant 0 : i32
        %dma_start3A_172 = tpu.memref_slice %arg10[%add3A_169, %dma_start3A_171] : memref<80x128xi32, #tpu.memory_space<vmem>> -> memref<1x128xi32, #tpu.memory_space<vmem>>
        %dma_start3A_173 = tpu.memref_squeeze %dma_start3A_172 : memref<1x128xi32, #tpu.memory_space<vmem>> -> memref<128xi32, #tpu.memory_space<vmem>>
        %dma_start3A_174 = arith.constant 0 : i32
        %dma_start3A_175 = arith.constant 0 : i32
        %dma_start3A_176 = tpu.memref_slice %arg13[%dma_start3A_174, %dma_start3A_175] : memref<10112x64xf32, #tpu.memory_space<vmem_shared>> -> memref<10112x64xf32, #tpu.memory_space<vmem_shared>>
        tpu.enqueue_indirect_dma source(%arg12 : memref<128x64xf32, #tpu.memory_space<vmem>>) target(%dma_start3A_176 : memref<10112x64xf32, #tpu.memory_space<vmem_shared>>) offsets(%dma_start3A_173 : memref<128xi32, #tpu.memory_space<vmem>>) semaphore(%run_scoped3A_170 : memref<!tpu.dma_semaphore, #tpu.memory_space<semaphore_mem>>) {add = true}
        %dma_wait3A_177 = arith.constant 0 : i32
        %dma_wait3A_178 = tpu.memref_slice %arg10[%add3A_169, %dma_wait3A_177] : memref<80x128xi32, #tpu.memory_space<vmem>> -> memref<1x128xi32, #tpu.memory_space<vmem>>
        %dma_wait3A_179 = tpu.memref_squeeze %dma_wait3A_178 : memref<1x128xi32, #tpu.memory_space<vmem>> -> memref<128xi32, #tpu.memory_space<vmem>>
        %dma_wait3A_180 = arith.constant 0 : i32
        %dma_wait3A_181 = arith.constant 0 : i32
        %dma_wait3A_182 = tpu.memref_slice %arg13[%dma_wait3A_180, %dma_wait3A_181] : memref<10112x64xf32, #tpu.memory_space<vmem_shared>> -> memref<10112x64xf32, #tpu.memory_space<vmem_shared>>
        tpu.wait_indirect_dma semaphore(%run_scoped3A_170 : memref<!tpu.dma_semaphore, #tpu.memory_space<semaphore_mem>>) src(%arg12 : memref<128x64xf32, #tpu.memory_space<vmem>>) dst(%dma_wait3A_182 : memref<10112x64xf32, #tpu.memory_space<vmem_shared>>)
        tpu.yield
      }) : () -> ()
    }
    %scan3A_96 = arith.constant 39 : i32
    %dma_wait3A_97 = arith.constant 78 : i32
    %dma_wait3A_98 = arith.constant 0 : i32
    %dma_wait3A_99 = tpu.memref_slice %arg9[%dma_wait3A_97, %dma_wait3A_98] : memref<80x128xi32, #tpu.memory_space<vmem>> -> memref<1x128xi32, #tpu.memory_space<vmem>>
    %dma_wait3A_100 = tpu.memref_squeeze %dma_wait3A_99 : memref<1x128xi32, #tpu.memory_space<vmem>> -> memref<128xi32, #tpu.memory_space<vmem>>
    %dma_wait3A_101 = arith.constant 0 : i32
    %dma_wait3A_102 = arith.constant 0 : i32
    %dma_wait3A_103 = tpu.memref_slice %arg2[%dma_wait3A_101, %dma_wait3A_102] : memref<20000x64xf32, #tpu.memory_space<hbm>> -> memref<20000x64xf32, #tpu.memory_space<hbm>>
    tpu.wait_indirect_dma semaphore(%arg14 : memref<!tpu.dma_semaphore, #tpu.memory_space<semaphore_mem>>) src(%dma_wait3A_103 : memref<20000x64xf32, #tpu.memory_space<hbm>>) dst(%arg11 : memref<128x64xf32, #tpu.memory_space<vmem>>)
    %dma_start3A_104 = arith.constant 79 : i32
    %dma_start3A_105 = arith.constant 0 : i32
    %dma_start3A_106 = tpu.memref_slice %arg9[%dma_start3A_104, %dma_start3A_105] : memref<80x128xi32, #tpu.memory_space<vmem>> -> memref<1x128xi32, #tpu.memory_space<vmem>>
    %dma_start3A_107 = tpu.memref_squeeze %dma_start3A_106 : memref<1x128xi32, #tpu.memory_space<vmem>> -> memref<128xi32, #tpu.memory_space<vmem>>
    %dma_start3A_108 = arith.constant 0 : i32
    %dma_start3A_109 = arith.constant 0 : i32
    %dma_start3A_110 = tpu.memref_slice %arg2[%dma_start3A_108, %dma_start3A_109] : memref<20000x64xf32, #tpu.memory_space<hbm>> -> memref<20000x64xf32, #tpu.memory_space<hbm>>
    tpu.enqueue_indirect_dma source(%dma_start3A_110 : memref<20000x64xf32, #tpu.memory_space<hbm>>) target(%arg12 : memref<128x64xf32, #tpu.memory_space<vmem>>) offsets(%dma_start3A_107 : memref<128xi32, #tpu.memory_space<vmem>>) semaphore(%arg14 : memref<!tpu.dma_semaphore, #tpu.memory_space<semaphore_mem>>)
    %run_scoped3A_111 = arith.constant 78 : i32
    "tpu.region"() ({
      %run_scoped3A_131 = tpu.sem_alloc : memref<!tpu.dma_semaphore, #tpu.memory_space<semaphore_mem>>
      %dma_start3A_132 = arith.constant 0 : i32
      %dma_start3A_133 = tpu.memref_slice %arg10[%run_scoped3A_111, %dma_start3A_132] : memref<80x128xi32, #tpu.memory_space<vmem>> -> memref<1x128xi32, #tpu.memory_space<vmem>>
      %dma_start3A_134 = tpu.memref_squeeze %dma_start3A_133 : memref<1x128xi32, #tpu.memory_space<vmem>> -> memref<128xi32, #tpu.memory_space<vmem>>
      %dma_start3A_135 = arith.constant 0 : i32
      %dma_start3A_136 = arith.constant 0 : i32
      %dma_start3A_137 = tpu.memref_slice %arg13[%dma_start3A_135, %dma_start3A_136] : memref<10112x64xf32, #tpu.memory_space<vmem_shared>> -> memref<10112x64xf32, #tpu.memory_space<vmem_shared>>
      tpu.enqueue_indirect_dma source(%arg11 : memref<128x64xf32, #tpu.memory_space<vmem>>) target(%dma_start3A_137 : memref<10112x64xf32, #tpu.memory_space<vmem_shared>>) offsets(%dma_start3A_134 : memref<128xi32, #tpu.memory_space<vmem>>) semaphore(%run_scoped3A_131 : memref<!tpu.dma_semaphore, #tpu.memory_space<semaphore_mem>>) {add = true}
      %dma_wait3A_138 = arith.constant 0 : i32
      %dma_wait3A_139 = tpu.memref_slice %arg10[%run_scoped3A_111, %dma_wait3A_138] : memref<80x128xi32, #tpu.memory_space<vmem>> -> memref<1x128xi32, #tpu.memory_space<vmem>>
      %dma_wait3A_140 = tpu.memref_squeeze %dma_wait3A_139 : memref<1x128xi32, #tpu.memory_space<vmem>> -> memref<128xi32, #tpu.memory_space<vmem>>
      %dma_wait3A_141 = arith.constant 0 : i32
      %dma_wait3A_142 = arith.constant 0 : i32
      %dma_wait3A_143 = tpu.memref_slice %arg13[%dma_wait3A_141, %dma_wait3A_142] : memref<10112x64xf32, #tpu.memory_space<vmem_shared>> -> memref<10112x64xf32, #tpu.memory_space<vmem_shared>>
      tpu.wait_indirect_dma semaphore(%run_scoped3A_131 : memref<!tpu.dma_semaphore, #tpu.memory_space<semaphore_mem>>) src(%arg11 : memref<128x64xf32, #tpu.memory_space<vmem>>) dst(%dma_wait3A_143 : memref<10112x64xf32, #tpu.memory_space<vmem_shared>>)
      tpu.yield
    }) : () -> ()
    %dma_wait3A_112 = arith.constant 79 : i32
    %dma_wait3A_113 = arith.constant 0 : i32
    %dma_wait3A_114 = tpu.memref_slice %arg9[%dma_wait3A_112, %dma_wait3A_113] : memref<80x128xi32, #tpu.memory_space<vmem>> -> memref<1x128xi32, #tpu.memory_space<vmem>>
    %dma_wait3A_115 = tpu.memref_squeeze %dma_wait3A_114 : memref<1x128xi32, #tpu.memory_space<vmem>> -> memref<128xi32, #tpu.memory_space<vmem>>
    %dma_wait3A_116 = arith.constant 0 : i32
    %dma_wait3A_117 = arith.constant 0 : i32
    %dma_wait3A_118 = tpu.memref_slice %arg2[%dma_wait3A_116, %dma_wait3A_117] : memref<20000x64xf32, #tpu.memory_space<hbm>> -> memref<20000x64xf32, #tpu.memory_space<hbm>>
    tpu.wait_indirect_dma semaphore(%arg14 : memref<!tpu.dma_semaphore, #tpu.memory_space<semaphore_mem>>) src(%dma_wait3A_118 : memref<20000x64xf32, #tpu.memory_space<hbm>>) dst(%arg12 : memref<128x64xf32, #tpu.memory_space<vmem>>)
    %run_scoped3A_119 = arith.constant 79 : i32
    "tpu.region"() ({
      %run_scoped3A_131 = tpu.sem_alloc : memref<!tpu.dma_semaphore, #tpu.memory_space<semaphore_mem>>
      %dma_start3A_132 = arith.constant 0 : i32
      %dma_start3A_133 = tpu.memref_slice %arg10[%run_scoped3A_119, %dma_start3A_132] : memref<80x128xi32, #tpu.memory_space<vmem>> -> memref<1x128xi32, #tpu.memory_space<vmem>>
      %dma_start3A_134 = tpu.memref_squeeze %dma_start3A_133 : memref<1x128xi32, #tpu.memory_space<vmem>> -> memref<128xi32, #tpu.memory_space<vmem>>
      %dma_start3A_135 = arith.constant 0 : i32
      %dma_start3A_136 = arith.constant 0 : i32
      %dma_start3A_137 = tpu.memref_slice %arg13[%dma_start3A_135, %dma_start3A_136] : memref<10112x64xf32, #tpu.memory_space<vmem_shared>> -> memref<10112x64xf32, #tpu.memory_space<vmem_shared>>
      tpu.enqueue_indirect_dma source(%arg12 : memref<128x64xf32, #tpu.memory_space<vmem>>) target(%dma_start3A_137 : memref<10112x64xf32, #tpu.memory_space<vmem_shared>>) offsets(%dma_start3A_134 : memref<128xi32, #tpu.memory_space<vmem>>) semaphore(%run_scoped3A_131 : memref<!tpu.dma_semaphore, #tpu.memory_space<semaphore_mem>>) {add = true}
      %dma_wait3A_138 = arith.constant 0 : i32
      %dma_wait3A_139 = tpu.memref_slice %arg10[%run_scoped3A_119, %dma_wait3A_138] : memref<80x128xi32, #tpu.memory_space<vmem>> -> memref<1x128xi32, #tpu.memory_space<vmem>>
      %dma_wait3A_140 = tpu.memref_squeeze %dma_wait3A_139 : memref<1x128xi32, #tpu.memory_space<vmem>> -> memref<128xi32, #tpu.memory_space<vmem>>
      %dma_wait3A_141 = arith.constant 0 : i32
      %dma_wait3A_142 = arith.constant 0 : i32
      %dma_wait3A_143 = tpu.memref_slice %arg13[%dma_wait3A_141, %dma_wait3A_142] : memref<10112x64xf32, #tpu.memory_space<vmem_shared>> -> memref<10112x64xf32, #tpu.memory_space<vmem_shared>>
      tpu.wait_indirect_dma semaphore(%run_scoped3A_131 : memref<!tpu.dma_semaphore, #tpu.memory_space<semaphore_mem>>) src(%arg12 : memref<128x64xf32, #tpu.memory_space<vmem>>) dst(%dma_wait3A_143 : memref<10112x64xf32, #tpu.memory_space<vmem_shared>>)
      tpu.yield
    }) : () -> ()
    %lt3A_120 = arith.constant 0 : i32
    %lt3A_121 = arith.cmpi slt, %add3A_10, %lt3A_120 : i32
    %convert_element_type3A_122 = arith.extui %lt3A_121 : i1 to i32
    %cond3A_123 = arith.constant 0 : i32
    %cond3A_124 = arith.cmpi ne, %convert_element_type3A_122, %cond3A_123 : i32
    scf.if %cond3A_124 {
      %mul3A_131 = arith.constant 2 : i32
      %mul3A_132 = arith.muli %mul3A_131, %add3A_10 : i32
      %add3A_133 = arith.constant 2 : i32
      %add3A_134 = arith.addi %mul3A_132, %add3A_133 : i32
      %mul3A_135 = arith.constant 80 : i32
      %mul3A_136 = arith.muli %add3A_134, %mul3A_135 : i32
      %dma_wait3A_137 = arith.constant 0 : i32
      %dma_wait3A_138 = tpu.memref_slice %arg3[%arg0, %arg1, %mul3A_136, %dma_wait3A_137] : memref<2x16x160x128xi32, #tpu.memory_space<hbm>> -> memref<1x1x80x128xi32, #tpu.memory_space<hbm>>
      %dma_wait3A_139 = tpu.memref_squeeze %dma_wait3A_138 : memref<1x1x80x128xi32, #tpu.memory_space<hbm>> -> memref<80x128xi32, #tpu.memory_space<hbm>>
      %dma_wait3A_140 = arith.constant 0 : i32
      %dma_wait3A_141 = tpu.memref_slice %arg3[%arg0, %arg1, %mul3A_136, %dma_wait3A_140] : memref<2x16x160x128xi32, #tpu.memory_space<hbm>> -> memref<1x1x80x128xi32, #tpu.memory_space<hbm>>
      %dma_wait3A_142 = tpu.memref_squeeze %dma_wait3A_141 : memref<1x1x80x128xi32, #tpu.memory_space<hbm>> -> memref<80x128xi32, #tpu.memory_space<hbm>>
      tpu.wait_dma2 semaphore(%arg15 : memref<!tpu.dma_semaphore, #tpu.memory_space<semaphore_mem>>) src(%dma_wait3A_142 : memref<80x128xi32, #tpu.memory_space<hbm>>) dst(%arg7 : memref<80x128xi32, #tpu.memory_space<vmem>>)
      %mul3A_143 = arith.constant 80 : i32
      %mul3A_144 = arith.muli %add3A_134, %mul3A_143 : i32
      %dma_wait3A_145 = arith.constant 0 : i32
      %dma_wait3A_146 = tpu.memref_slice %arg4[%arg1, %mul3A_144, %dma_wait3A_145] : memref<16x160x128xi32, #tpu.memory_space<hbm>> -> memref<1x80x128xi32, #tpu.memory_space<hbm>>
      %dma_wait3A_147 = tpu.memref_squeeze %dma_wait3A_146 : memref<1x80x128xi32, #tpu.memory_space<hbm>> -> memref<80x128xi32, #tpu.memory_space<hbm>>
      %dma_wait3A_148 = arith.constant 0 : i32
      %dma_wait3A_149 = tpu.memref_slice %arg4[%arg1, %mul3A_144, %dma_wait3A_148] : memref<16x160x128xi32, #tpu.memory_space<hbm>> -> memref<1x80x128xi32, #tpu.memory_space<hbm>>
      %dma_wait3A_150 = tpu.memref_squeeze %dma_wait3A_149 : memref<1x80x128xi32, #tpu.memory_space<hbm>> -> memref<80x128xi32, #tpu.memory_space<hbm>>
      tpu.wait_dma2 semaphore(%arg15 : memref<!tpu.dma_semaphore, #tpu.memory_space<semaphore_mem>>) src(%dma_wait3A_150 : memref<80x128xi32, #tpu.memory_space<hbm>>) dst(%arg8 : memref<80x128xi32, #tpu.memory_space<vmem>>)
    } else {
    }
    %scan3A_125 = arith.constant 1 : i32
    %barrier3A_126 = arith.constant 0 : index
    tpu.barrier barrier_id(%barrier3A_126)
    %mul3A_127 = arith.constant 632 : i32
    %mul3A_128 = arith.muli %arg1, %mul3A_127 : i32
    %mul3A_129 = arith.constant 632 : i32
    %mul3A_130 = arith.muli %arg1, %mul3A_129 : i32
    "tpu.region"() ({
      %run_scoped3A_131 = tpu.sem_alloc : memref<!tpu.dma_semaphore, #tpu.memory_space<semaphore_mem>>
      %dma_start3A_132 = arith.constant 0 : i32
      %dma_start3A_133 = tpu.memref_slice %arg6[%arg0, %mul3A_130, %dma_start3A_132] : memref<2x10112x64xf32, #tpu.memory_space<hbm>> -> memref<1x632x64xf32, #tpu.memory_space<hbm>>
      %dma_start3A_134 = tpu.memref_squeeze %dma_start3A_133 : memref<1x632x64xf32, #tpu.memory_space<hbm>> -> memref<632x64xf32, #tpu.memory_space<hbm>>
      %dma_start3A_135 = arith.constant 0 : i32
      %dma_start3A_136 = tpu.memref_slice %arg13[%mul3A_128, %dma_start3A_135] : memref<10112x64xf32, #tpu.memory_space<vmem_shared>> -> memref<632x64xf32, #tpu.memory_space<vmem_shared>>
      tpu.enqueue_dma source(%dma_start3A_136 : memref<632x64xf32, #tpu.memory_space<vmem_shared>>) target(%dma_start3A_134 : memref<632x64xf32, #tpu.memory_space<hbm>>) target_semaphore(%run_scoped3A_131 : memref<!tpu.dma_semaphore, #tpu.memory_space<semaphore_mem>>)
      %dma_wait3A_137 = arith.constant 0 : i32
      %dma_wait3A_138 = tpu.memref_slice %arg6[%arg0, %mul3A_130, %dma_wait3A_137] : memref<2x10112x64xf32, #tpu.memory_space<hbm>> -> memref<1x632x64xf32, #tpu.memory_space<hbm>>
      %dma_wait3A_139 = tpu.memref_squeeze %dma_wait3A_138 : memref<1x632x64xf32, #tpu.memory_space<hbm>> -> memref<632x64xf32, #tpu.memory_space<hbm>>
      %dma_wait3A_140 = arith.constant 0 : i32
      %dma_wait3A_141 = tpu.memref_slice %arg13[%mul3A_128, %dma_wait3A_140] : memref<10112x64xf32, #tpu.memory_space<vmem_shared>> -> memref<632x64xf32, #tpu.memory_space<vmem_shared>>
      tpu.wait_dma2 semaphore(%run_scoped3A_131 : memref<!tpu.dma_semaphore, #tpu.memory_space<semaphore_mem>>) src(%dma_wait3A_141 : memref<632x64xf32, #tpu.memory_space<vmem_shared>>) dst(%dma_wait3A_139 : memref<632x64xf32, #tpu.memory_space<hbm>>)
      tpu.yield
    }) : () -> ()
    return
  }
}

module attributes {stable_mosaic.version = 14 : i64} {
  func.func @_edge_body(%arg0: i32, %arg1: memref<2x128x128xi32, #tpu.memory_space<vmem>>, %arg2: memref<128x128xi32, #tpu.memory_space<vmem>>, %arg3: memref<128x128xi32, #tpu.memory_space<vmem>>, %arg4: memref<2x128x128xi32, #tpu.memory_space<vmem>>) attributes {dimension_semantics = [#tpu.dimension_semantics<arbitrary>], iteration_bounds = array<i64: 20>, scalar_prefetch = 0 : i64, scratch_operands = 0 : i64, tpu.core_type = #tpu.core_type<tc>, window_params = [{transform_indices = @transform_0, window_bounds = array<i64: 2, 128, 128>}, {transform_indices = @transform_1, window_bounds = array<i64: 128, 128>}, {transform_indices = @transform_2, window_bounds = array<i64: 128, 128>}, {transform_indices = @transform_3, window_bounds = array<i64: 2, 128, 128>}]} {
    %get3A = arith.constant 0 : index
    %get3A_0 = arith.constant 0 : index
    %get3A_1 = arith.constant 0 : index
    %get3A_2 = vector.load %arg1[%get3A, %get3A_0, %get3A_1] : memref<2x128x128xi32, #tpu.memory_space<vmem>>, vector<1x128x128xi32>
    %get3A_3 = vector.shape_cast %get3A_2 : vector<1x128x128xi32> to vector<128x128xi32>
    %get3A_4 = arith.constant 1 : index
    %get3A_5 = arith.constant 0 : index
    %get3A_6 = arith.constant 0 : index
    %get3A_7 = vector.load %arg1[%get3A_4, %get3A_5, %get3A_6] : memref<2x128x128xi32, #tpu.memory_space<vmem>>, vector<1x128x128xi32>
    %get3A_8 = vector.shape_cast %get3A_7 : vector<1x128x128xi32> to vector<128x128xi32>
    %eq3A = arith.cmpi eq, %get3A_3, %get3A_8 : vector<128x128xi32>
    %iota3A = tpu.iota {dimensions = array<i32: 0>} : vector<128x128xi32>
    %mul3A = arith.constant 128 : i32
    %mul3A_9 = vector.broadcast %mul3A : i32 to vector<128x128xi32>
    %mul3A_10 = arith.muli %iota3A, %mul3A_9 : vector<128x128xi32>
    %iota3A_11 = tpu.iota {dimensions = array<i32: 1>} : vector<128x128xi32>
    %add3A = arith.addi %mul3A_10, %iota3A_11 : vector<128x128xi32>
    %mul3A_12 = arith.constant 16384 : i32
    %mul3A_13 = arith.muli %arg0, %mul3A_12 : i32
    %add3A_14 = vector.broadcast %mul3A_13 : i32 to vector<128x128xi32>
    %add3A_15 = arith.addi %add3A, %add3A_14 : vector<128x128xi32>
    %jit3A = arith.constant 112 : i32
    %eq3A_16 = arith.constant 0 : i32
    %eq3A_17 = arith.cmpi eq, %jit3A, %eq3A_16 : i32
    %jit3A_18 = arith.constant 1 : i32
    %select_n3A = arith.select %eq3A_17, %jit3A_18, %jit3A : i32
    %rem3A = vector.broadcast %select_n3A : i32 to vector<128x128xi32>
    %rem3A_19 = arith.remsi %add3A_15, %rem3A : vector<128x128xi32>
    %ne3A = arith.constant 0 : i32
    %ne3A_20 = vector.broadcast %ne3A : i32 to vector<128x128xi32>
    %ne3A_21 = arith.cmpi ne, %rem3A_19, %ne3A_20 : vector<128x128xi32>
    %lt3A = arith.constant 0 : i32
    %lt3A_22 = vector.broadcast %lt3A : i32 to vector<128x128xi32>
    %lt3A_23 = arith.cmpi slt, %rem3A_19, %lt3A_22 : vector<128x128xi32>
    %lt3A_24 = arith.constant 0 : i32
    %lt3A_25 = arith.cmpi slt, %select_n3A, %lt3A_24 : i32
    %ne3A_26 = vector.broadcast %lt3A_25 : i1 to vector<128x128xi1>
    %ne3A_27 = vector.broadcast %ne3A_26 : vector<128x128xi1> to vector<128x128xi1>
    %ne3A_28 = arith.xori %lt3A_23, %ne3A_27 : vector<128x128xi1>
    %and3A = arith.andi %ne3A_28, %ne3A_21 : vector<128x128xi1>
    %add3A_29 = vector.broadcast %select_n3A : i32 to vector<128x128xi32>
    %add3A_30 = arith.addi %rem3A_19, %add3A_29 : vector<128x128xi32>
    %select_n3A_31 = arith.select %and3A, %add3A_30, %rem3A_19 : vector<128x128xi1>, vector<128x128xi32>
    %add3A_32 = arith.constant 10000 : i32
    %add3A_33 = vector.broadcast %add3A_32 : i32 to vector<128x128xi32>
    %add3A_34 = arith.addi %add3A_33, %select_n3A_31 : vector<128x128xi32>
    %select_n3A_35 = arith.select %eq3A, %add3A_34, %get3A_3 : vector<128x128xi1>, vector<128x128xi32>
    %swap3A = arith.constant 0 : index
    %swap3A_36 = arith.constant 0 : index
    %swap3A_37 = vector.load %arg2[%swap3A, %swap3A_36] : memref<128x128xi32, #tpu.memory_space<vmem>>, vector<128x128xi32>
    tpu.vector_store %arg2[%swap3A, %swap3A_36], %select_n3A_35 {strides = array<i32>} : memref<128x128xi32, #tpu.memory_space<vmem>>, vector<128x128xi32>,
    %select_n3A_38 = arith.select %eq3A, %add3A_34, %get3A_8 : vector<128x128xi1>, vector<128x128xi32>
    %swap3A_39 = arith.constant 0 : index
    %swap3A_40 = arith.constant 0 : index
    %swap3A_41 = vector.load %arg3[%swap3A_39, %swap3A_40] : memref<128x128xi32, #tpu.memory_space<vmem>>, vector<128x128xi32>
    tpu.vector_store %arg3[%swap3A_39, %swap3A_40], %select_n3A_38 {strides = array<i32>} : memref<128x128xi32, #tpu.memory_space<vmem>>, vector<128x128xi32>,
    %mul3A_42 = arith.constant 9 : i32
    %mul3A_43 = vector.broadcast %mul3A_42 : i32 to vector<128x128xi32>
    %mul3A_44 = arith.muli %add3A_15, %mul3A_43 : vector<128x128xi32>
    %jit3A_45 = arith.constant 10000 : i32
    %eq3A_46 = arith.constant 0 : i32
    %eq3A_47 = arith.cmpi eq, %jit3A_45, %eq3A_46 : i32
    %jit3A_48 = arith.constant 1 : i32
    %select_n3A_49 = arith.select %eq3A_47, %jit3A_48, %jit3A_45 : i32
    %rem3A_50 = vector.broadcast %select_n3A_49 : i32 to vector<128x128xi32>
    %rem3A_51 = arith.remsi %mul3A_44, %rem3A_50 : vector<128x128xi32>
    %ne3A_52 = arith.constant 0 : i32
    %ne3A_53 = vector.broadcast %ne3A_52 : i32 to vector<128x128xi32>
    %ne3A_54 = arith.cmpi ne, %rem3A_51, %ne3A_53 : vector<128x128xi32>
    %lt3A_55 = arith.constant 0 : i32
    %lt3A_56 = vector.broadcast %lt3A_55 : i32 to vector<128x128xi32>
    %lt3A_57 = arith.cmpi slt, %rem3A_51, %lt3A_56 : vector<128x128xi32>
    %lt3A_58 = arith.constant 0 : i32
    %lt3A_59 = arith.cmpi slt, %select_n3A_49, %lt3A_58 : i32
    %ne3A_60 = vector.broadcast %lt3A_59 : i1 to vector<128x128xi1>
    %ne3A_61 = vector.broadcast %ne3A_60 : vector<128x128xi1> to vector<128x128xi1>
    %ne3A_62 = arith.xori %lt3A_57, %ne3A_61 : vector<128x128xi1>
    %and3A_63 = arith.andi %ne3A_62, %ne3A_54 : vector<128x128xi1>
    %add3A_64 = vector.broadcast %select_n3A_49 : i32 to vector<128x128xi32>
    %add3A_65 = arith.addi %rem3A_51, %add3A_64 : vector<128x128xi32>
    %select_n3A_66 = arith.select %and3A_63, %add3A_65, %rem3A_51 : vector<128x128xi1>, vector<128x128xi32>
    %select_n3A_67 = arith.select %eq3A, %select_n3A_66, %get3A_3 : vector<128x128xi1>, vector<128x128xi32>
    %swap3A_68 = arith.constant 0 : index
    %swap3A_69 = arith.constant 0 : index
    %swap3A_70 = arith.constant 0 : index
    %swap3A_71 = vector.load %arg4[%swap3A_68, %swap3A_69, %swap3A_70] : memref<2x128x128xi32, #tpu.memory_space<vmem>>, vector<1x128x128xi32>
    %swap3A_72 = vector.shape_cast %swap3A_71 : vector<1x128x128xi32> to vector<128x128xi32>
    %swap3A_73 = vector.shape_cast %select_n3A_67 : vector<128x128xi32> to vector<1x128x128xi32>
    tpu.vector_store %arg4[%swap3A_68, %swap3A_69, %swap3A_70], %swap3A_73 {strides = array<i32>} : memref<2x128x128xi32, #tpu.memory_space<vmem>>, vector<1x128x128xi32>,
    %add3A_74 = arith.constant 10000 : i32
    %add3A_75 = vector.broadcast %add3A_74 : i32 to vector<128x128xi32>
    %add3A_76 = arith.addi %select_n3A_67, %add3A_75 : vector<128x128xi32>
    %swap3A_77 = arith.constant 1 : index
    %swap3A_78 = arith.constant 0 : index
    %swap3A_79 = arith.constant 0 : index
    %swap3A_80 = vector.load %arg4[%swap3A_77, %swap3A_78, %swap3A_79] : memref<2x128x128xi32, #tpu.memory_space<vmem>>, vector<1x128x128xi32>
    %swap3A_81 = vector.shape_cast %swap3A_80 : vector<1x128x128xi32> to vector<128x128xi32>
    %swap3A_82 = vector.shape_cast %add3A_76 : vector<128x128xi32> to vector<1x128x128xi32>
    tpu.vector_store %arg4[%swap3A_77, %swap3A_78, %swap3A_79], %swap3A_82 {strides = array<i32>} : memref<2x128x128xi32, #tpu.memory_space<vmem>>, vector<1x128x128xi32>,
    return
  }
  func.func @transform_0(%arg0: i32) -> (i32, i32, i32) {
    %c0_i32 = arith.constant 0 : i32
    %c0_i32_0 = arith.constant 0 : i32
    %c0_i32_1 = arith.constant 0 : i32
    return %c0_i32, %arg0, %c0_i32_0 : i32, i32, i32
  }
  func.func @transform_1(%arg0: i32) -> (i32, i32) {
    %c0_i32 = arith.constant 0 : i32
    %c0_i32_0 = arith.constant 0 : i32
    return %arg0, %c0_i32 : i32, i32
  }
  func.func @transform_2(%arg0: i32) -> (i32, i32) {
    %c0_i32 = arith.constant 0 : i32
    %c0_i32_0 = arith.constant 0 : i32
    return %arg0, %c0_i32 : i32, i32
  }
  func.func @transform_3(%arg0: i32) -> (i32, i32, i32) {
    %c0_i32 = arith.constant 0 : i32
    %c0_i32_0 = arith.constant 0 : i32
    %c0_i32_1 = arith.constant 0 : i32
    return %c0_i32, %arg0, %c0_i32_0 : i32, i32, i32
  }
}

module attributes {stable_mosaic.version = 14 : i64} {
  func.func @_h1_body(%arg0: i32, %arg1: memref<2x1000x1xf32, #tpu.memory_space<vmem>>, %arg2: memref<1000x4x128xf32, #tpu.memory_space<vmem>>, %arg3: memref<128x304xf32, #tpu.memory_space<vmem>>, %arg4: memref<1x304xf32, #tpu.memory_space<vmem>>, %arg5: memref<2x1000x152xf32, #tpu.memory_space<vmem>>) attributes {dimension_semantics = [#tpu.dimension_semantics<arbitrary>], iteration_bounds = array<i64: 10>, scalar_prefetch = 0 : i64, scratch_operands = 0 : i64, tpu.core_type = #tpu.core_type<tc>, window_params = [{transform_indices = @transform_0, window_bounds = array<i64: 2, 1000, 1>}, {transform_indices = @transform_1, window_bounds = array<i64: 1000, 4, 128>}, {pipeline_mode = #tpu.pipeline_mode<synchronous>, transform_indices = @transform_2, window_bounds = array<i64: 128, 304>}, {pipeline_mode = #tpu.pipeline_mode<synchronous>, transform_indices = @transform_3, window_bounds = array<i64: 1, 304>}, {transform_indices = @transform_4, window_bounds = array<i64: 2, 1000, 152>}]} {
    %get3A = arith.constant 0 : index
    %get3A_0 = arith.constant 0 : index
    %get3A_1 = arith.constant 0 : index
    %get3A_2 = vector.load %arg1[%get3A, %get3A_0, %get3A_1] : memref<2x1000x1xf32, #tpu.memory_space<vmem>>, vector<1x1000x1xf32>
    %get3A_3 = vector.shape_cast %get3A_2 : vector<1x1000x1xf32> to vector<1000xf32>
    %get3A_4 = arith.constant 1 : index
    %get3A_5 = arith.constant 0 : index
    %get3A_6 = arith.constant 0 : index
    %get3A_7 = vector.load %arg1[%get3A_4, %get3A_5, %get3A_6] : memref<2x1000x1xf32, #tpu.memory_space<vmem>>, vector<1x1000x1xf32>
    %get3A_8 = vector.shape_cast %get3A_7 : vector<1x1000x1xf32> to vector<1000xf32>
    %add3A = arith.addf %get3A_3, %get3A_8 : vector<1000xf32>
    %add3A_9 = arith.constant 1.000000e+00 : f32
    %add3A_10 = vector.broadcast %add3A_9 : f32 to vector<1000xf32>
    %add3A_11 = arith.addf %add3A, %add3A_10 : vector<1000xf32>
    %rsqrt3A = math.rsqrt %add3A_11 : vector<1000xf32>
    %get3A_12 = arith.constant 0 : index
    %get3A_13 = arith.constant 0 : index
    %get3A_14 = arith.constant 0 : index
    %get3A_15 = vector.load %arg2[%get3A_12, %get3A_13, %get3A_14] : memref<1000x4x128xf32, #tpu.memory_space<vmem>>, vector<1000x4x128xf32>
    %reduce_sum3A = arith.constant dense<0.000000e+00> : vector<1000x128xf32>
    %reduce_sum3A_16 = vector.multi_reduction <add>, %get3A_15, %reduce_sum3A [1] : vector<1000x4x128xf32> to vector<1000x128xf32>
    %div3A = arith.constant 4.000000e+00 : f32
    %div3A_17 = vector.broadcast %div3A : f32 to vector<1000x128xf32>
    %div3A_18 = arith.divf %reduce_sum3A_16, %div3A_17 : vector<1000x128xf32>
    %get3A_19 = arith.constant 0 : index
    %get3A_20 = arith.constant 0 : index
    %get3A_21 = vector.load %arg3[%get3A_19, %get3A_20] : memref<128x304xf32, #tpu.memory_space<vmem>>, vector<128x304xf32>
    %dot_general3A = arith.constant dense<0.000000e+00> : vector<1000x304xf32>
    %dot_general3A_22 = tpu.matmul %div3A_18, %get3A_21, %dot_general3A {dimension_numbers = #tpu.dot_dimension_numbers<[1], [0], [0], [1], [0, 0, 1, 1], [], []>, precision = #tpu.contract_precision<fp32>, transpose_lhs_hint = false} : vector<1000x128xf32>, vector<128x304xf32>, vector<1000x304xf32> -> vector<1000x304xf32>
    %get3A_23 = arith.constant 0 : index
    %get3A_24 = arith.constant 0 : index
    %get3A_25 = vector.load %arg4[%get3A_23, %get3A_24] : memref<1x304xf32, #tpu.memory_space<vmem>>, vector<1x304xf32>
    %add3A_26 = vector.broadcast %get3A_25 : vector<1x304xf32> to vector<1000x304xf32>
    %add3A_27 = arith.addf %dot_general3A_22, %add3A_26 : vector<1000x304xf32>
    %broadcast_in_dim3A = vector.shape_cast %rsqrt3A : vector<1000xf32> to vector<1000x1xf32>
    %mul3A = vector.broadcast %broadcast_in_dim3A : vector<1000x1xf32> to vector<1000x304xf32>
    %mul3A_28 = arith.mulf %add3A_27, %mul3A : vector<1000x304xf32>
    %slice3A = vector.extract_strided_slice %mul3A_28 {offsets = [0, 0], sizes = [1000, 152], strides = [1, 1]} : vector<1000x304xf32> to vector<1000x152xf32>
    %swap3A = arith.constant 0 : index
    %swap3A_29 = arith.constant 0 : index
    %swap3A_30 = arith.constant 0 : index
    %swap3A_31 = vector.load %arg5[%swap3A, %swap3A_29, %swap3A_30] : memref<2x1000x152xf32, #tpu.memory_space<vmem>>, vector<1x1000x152xf32>
    %swap3A_32 = vector.shape_cast %swap3A_31 : vector<1x1000x152xf32> to vector<1000x152xf32>
    %swap3A_33 = vector.shape_cast %slice3A : vector<1000x152xf32> to vector<1x1000x152xf32>
    tpu.vector_store %arg5[%swap3A, %swap3A_29, %swap3A_30], %swap3A_33 {strides = array<i32>} : memref<2x1000x152xf32, #tpu.memory_space<vmem>>, vector<1x1000x152xf32>,
    %slice3A_34 = vector.extract_strided_slice %mul3A_28 {offsets = [0, 152], sizes = [1000, 152], strides = [1, 1]} : vector<1000x304xf32> to vector<1000x152xf32>
    %swap3A_35 = arith.constant 1 : index
    %swap3A_36 = arith.constant 0 : index
    %swap3A_37 = arith.constant 0 : index
    %swap3A_38 = vector.load %arg5[%swap3A_35, %swap3A_36, %swap3A_37] : memref<2x1000x152xf32, #tpu.memory_space<vmem>>, vector<1x1000x152xf32>
    %swap3A_39 = vector.shape_cast %swap3A_38 : vector<1x1000x152xf32> to vector<1000x152xf32>
    %swap3A_40 = vector.shape_cast %slice3A_34 : vector<1000x152xf32> to vector<1x1000x152xf32>
    tpu.vector_store %arg5[%swap3A_35, %swap3A_36, %swap3A_37], %swap3A_40 {strides = array<i32>} : memref<2x1000x152xf32, #tpu.memory_space<vmem>>, vector<1x1000x152xf32>,
    return
  }
  func.func @transform_0(%arg0: i32) -> (i32, i32, i32) {
    %c0_i32 = arith.constant 0 : i32
    %c0_i32_0 = arith.constant 0 : i32
    %c0_i32_1 = arith.constant 0 : i32
    return %c0_i32, %arg0, %c0_i32_0 : i32, i32, i32
  }
  func.func @transform_1(%arg0: i32) -> (i32, i32, i32) {
    %c0_i32 = arith.constant 0 : i32
    %c0_i32_0 = arith.constant 0 : i32
    %c0_i32_1 = arith.constant 0 : i32
    return %arg0, %c0_i32, %c0_i32_0 : i32, i32, i32
  }
  func.func @transform_2(%arg0: i32) -> (i32, i32) {
    %c0_i32 = arith.constant 0 : i32
    %c0_i32_0 = arith.constant 0 : i32
    %c0_i32_1 = arith.constant 0 : i32
    return %c0_i32, %c0_i32_0 : i32, i32
  }
  func.func @transform_3(%arg0: i32) -> (i32, i32) {
    %c0_i32 = arith.constant 0 : i32
    %c0_i32_0 = arith.constant 0 : i32
    %c0_i32_1 = arith.constant 0 : i32
    return %c0_i32, %c0_i32_0 : i32, i32
  }
  func.func @transform_4(%arg0: i32) -> (i32, i32, i32) {
    %c0_i32 = arith.constant 0 : i32
    %c0_i32_0 = arith.constant 0 : i32
    %c0_i32_1 = arith.constant 0 : i32
    return %c0_i32, %arg0, %c0_i32_0 : i32, i32, i32
  }
}

module attributes {stable_mosaic.version = 14 : i64} {
  func.func @_mid_body(%arg0: i32, %arg1: memref<2x1000x1xf32, #tpu.memory_space<vmem>>, %arg2: memref<2x1000x152xf32, #tpu.memory_space<vmem>>, %arg3: memref<2x1000x152xf32, #tpu.memory_space<vmem>>, %arg4: memref<304x128xf32, #tpu.memory_space<vmem>>, %arg5: memref<1x128xf32, #tpu.memory_space<vmem>>, %arg6: memref<2x1000x64xf32, #tpu.memory_space<vmem>>) attributes {dimension_semantics = [#tpu.dimension_semantics<arbitrary>], iteration_bounds = array<i64: 10>, scalar_prefetch = 0 : i64, scratch_operands = 0 : i64, tpu.core_type = #tpu.core_type<tc>, window_params = [{transform_indices = @transform_0, window_bounds = array<i64: 2, 1000, 1>}, {transform_indices = @transform_1, window_bounds = array<i64: 2, 1000, 152>}, {transform_indices = @transform_2, window_bounds = array<i64: 2, 1000, 152>}, {pipeline_mode = #tpu.pipeline_mode<synchronous>, transform_indices = @transform_3, window_bounds = array<i64: 304, 128>}, {pipeline_mode = #tpu.pipeline_mode<synchronous>, transform_indices = @transform_4, window_bounds = array<i64: 1, 128>}, {transform_indices = @transform_5, window_bounds = array<i64: 2, 1000, 64>}]} {
    %get3A = arith.constant 0 : index
    %get3A_0 = arith.constant 0 : index
    %get3A_1 = arith.constant 0 : index
    %get3A_2 = vector.load %arg1[%get3A, %get3A_0, %get3A_1] : memref<2x1000x1xf32, #tpu.memory_space<vmem>>, vector<1x1000x1xf32>
    %get3A_3 = vector.shape_cast %get3A_2 : vector<1x1000x1xf32> to vector<1000xf32>
    %get3A_4 = arith.constant 1 : index
    %get3A_5 = arith.constant 0 : index
    %get3A_6 = arith.constant 0 : index
    %get3A_7 = vector.load %arg1[%get3A_4, %get3A_5, %get3A_6] : memref<2x1000x1xf32, #tpu.memory_space<vmem>>, vector<1x1000x1xf32>
    %get3A_8 = vector.shape_cast %get3A_7 : vector<1x1000x1xf32> to vector<1000xf32>
    %add3A = arith.addf %get3A_3, %get3A_8 : vector<1000xf32>
    %add3A_9 = arith.constant 1.000000e+00 : f32
    %add3A_10 = vector.broadcast %add3A_9 : f32 to vector<1000xf32>
    %add3A_11 = arith.addf %add3A, %add3A_10 : vector<1000xf32>
    %rsqrt3A = math.rsqrt %add3A_11 : vector<1000xf32>
    %get3A_12 = arith.constant 0 : index
    %get3A_13 = arith.constant 0 : index
    %get3A_14 = arith.constant 0 : index
    %get3A_15 = vector.load %arg2[%get3A_12, %get3A_13, %get3A_14] : memref<2x1000x152xf32, #tpu.memory_space<vmem>>, vector<2x1000x152xf32>
    %get3A_16 = arith.constant 0 : index
    %get3A_17 = arith.constant 0 : index
    %get3A_18 = arith.constant 0 : index
    %get3A_19 = vector.load %arg3[%get3A_16, %get3A_17, %get3A_18] : memref<2x1000x152xf32, #tpu.memory_space<vmem>>, vector<2x1000x152xf32>
    %add3A_20 = arith.addf %get3A_15, %get3A_19 : vector<2x1000x152xf32>
    %slice3A = vector.extract_strided_slice %add3A_20 {offsets = [0, 0, 0], sizes = [1, 1000, 152], strides = [1, 1, 1]} : vector<2x1000x152xf32> to vector<1x1000x152xf32>
    %squeeze3A = vector.shape_cast %slice3A : vector<1x1000x152xf32> to vector<1000x152xf32>
    %slice3A_21 = vector.extract_strided_slice %add3A_20 {offsets = [1, 0, 0], sizes = [1, 1000, 152], strides = [1, 1, 1]} : vector<2x1000x152xf32> to vector<1x1000x152xf32>
    %squeeze3A_22 = vector.shape_cast %slice3A_21 : vector<1x1000x152xf32> to vector<1000x152xf32>
    %concatenate3A = tpu.concatenate %squeeze3A, %squeeze3A_22 in 1 : vector<1000x152xf32>, vector<1000x152xf32> -> vector<1000x304xf32>
    %broadcast_in_dim3A = vector.shape_cast %rsqrt3A : vector<1000xf32> to vector<1000x1xf32>
    %mul3A = vector.broadcast %broadcast_in_dim3A : vector<1000x1xf32> to vector<1000x304xf32>
    %mul3A_23 = arith.mulf %concatenate3A, %mul3A : vector<1000x304xf32>
    %ge3A = arith.constant 0.000000e+00 : f32
    %ge3A_24 = vector.broadcast %ge3A : f32 to vector<1000x304xf32>
    %ge3A_25 = arith.cmpf oge, %mul3A_23, %ge3A_24 : vector<1000x304xf32>
    %mul3A_26 = arith.constant 0.00999999977 : f32
    %mul3A_27 = vector.broadcast %mul3A_26 : f32 to vector<1000x304xf32>
    %mul3A_28 = arith.mulf %mul3A_27, %mul3A_23 : vector<1000x304xf32>
    %select_n3A = arith.select %ge3A_25, %mul3A_23, %mul3A_28 : vector<1000x304xi1>, vector<1000x304xf32>
    %get3A_29 = arith.constant 0 : index
    %get3A_30 = arith.constant 0 : index
    %get3A_31 = vector.load %arg4[%get3A_29, %get3A_30] : memref<304x128xf32, #tpu.memory_space<vmem>>, vector<304x128xf32>
    %dot_general3A = arith.constant dense<0.000000e+00> : vector<1000x128xf32>
    %dot_general3A_32 = tpu.matmul %select_n3A, %get3A_31, %dot_general3A {dimension_numbers = #tpu.dot_dimension_numbers<[1], [0], [0], [1], [0, 0, 1, 1], [], []>, precision = #tpu.contract_precision<fp32>, transpose_lhs_hint = false} : vector<1000x304xf32>, vector<304x128xf32>, vector<1000x128xf32> -> vector<1000x128xf32>
    %get3A_33 = arith.constant 0 : index
    %get3A_34 = arith.constant 0 : index
    %get3A_35 = vector.load %arg5[%get3A_33, %get3A_34] : memref<1x128xf32, #tpu.memory_space<vmem>>, vector<1x128xf32>
    %add3A_36 = vector.broadcast %get3A_35 : vector<1x128xf32> to vector<1000x128xf32>
    %add3A_37 = arith.addf %dot_general3A_32, %add3A_36 : vector<1000x128xf32>
    %broadcast_in_dim3A_38 = vector.shape_cast %rsqrt3A : vector<1000xf32> to vector<1000x1xf32>
    %mul3A_39 = vector.broadcast %broadcast_in_dim3A_38 : vector<1000x1xf32> to vector<1000x128xf32>
    %mul3A_40 = arith.mulf %add3A_37, %mul3A_39 : vector<1000x128xf32>
    %slice3A_41 = vector.extract_strided_slice %mul3A_40 {offsets = [0, 0], sizes = [1000, 64], strides = [1, 1]} : vector<1000x128xf32> to vector<1000x64xf32>
    %swap3A = arith.constant 0 : index
    %swap3A_42 = arith.constant 0 : index
    %swap3A_43 = arith.constant 0 : index
    %swap3A_44 = vector.load %arg6[%swap3A, %swap3A_42, %swap3A_43] : memref<2x1000x64xf32, #tpu.memory_space<vmem>>, vector<1x1000x64xf32>
    %swap3A_45 = vector.shape_cast %swap3A_44 : vector<1x1000x64xf32> to vector<1000x64xf32>
    %swap3A_46 = vector.shape_cast %slice3A_41 : vector<1000x64xf32> to vector<1x1000x64xf32>
    tpu.vector_store %arg6[%swap3A, %swap3A_42, %swap3A_43], %swap3A_46 {strides = array<i32>} : memref<2x1000x64xf32, #tpu.memory_space<vmem>>, vector<1x1000x64xf32>,
    %slice3A_47 = vector.extract_strided_slice %mul3A_40 {offsets = [0, 64], sizes = [1000, 64], strides = [1, 1]} : vector<1000x128xf32> to vector<1000x64xf32>
    %swap3A_48 = arith.constant 1 : index
    %swap3A_49 = arith.constant 0 : index
    %swap3A_50 = arith.constant 0 : index
    %swap3A_51 = vector.load %arg6[%swap3A_48, %swap3A_49, %swap3A_50] : memref<2x1000x64xf32, #tpu.memory_space<vmem>>, vector<1x1000x64xf32>
    %swap3A_52 = vector.shape_cast %swap3A_51 : vector<1x1000x64xf32> to vector<1000x64xf32>
    %swap3A_53 = vector.shape_cast %slice3A_47 : vector<1000x64xf32> to vector<1x1000x64xf32>
    tpu.vector_store %arg6[%swap3A_48, %swap3A_49, %swap3A_50], %swap3A_53 {strides = array<i32>} : memref<2x1000x64xf32, #tpu.memory_space<vmem>>, vector<1x1000x64xf32>,
    return
  }
  func.func @transform_0(%arg0: i32) -> (i32, i32, i32) {
    %c0_i32 = arith.constant 0 : i32
    %c0_i32_0 = arith.constant 0 : i32
    %c0_i32_1 = arith.constant 0 : i32
    return %c0_i32, %arg0, %c0_i32_0 : i32, i32, i32
  }
  func.func @transform_1(%arg0: i32) -> (i32, i32, i32) {
    %c0_i32 = arith.constant 0 : i32
    %c0_i32_0 = arith.constant 0 : i32
    %c0_i32_1 = arith.constant 0 : i32
    return %c0_i32, %arg0, %c0_i32_0 : i32, i32, i32
  }
  func.func @transform_2(%arg0: i32) -> (i32, i32, i32) {
    %c0_i32 = arith.constant 0 : i32
    %c0_i32_0 = arith.constant 0 : i32
    %c0_i32_1 = arith.constant 0 : i32
    return %c0_i32, %arg0, %c0_i32_0 : i32, i32, i32
  }
  func.func @transform_3(%arg0: i32) -> (i32, i32) {
    %c0_i32 = arith.constant 0 : i32
    %c0_i32_0 = arith.constant 0 : i32
    %c0_i32_1 = arith.constant 0 : i32
    return %c0_i32, %c0_i32_0 : i32, i32
  }
  func.func @transform_4(%arg0: i32) -> (i32, i32) {
    %c0_i32 = arith.constant 0 : i32
    %c0_i32_0 = arith.constant 0 : i32
    %c0_i32_1 = arith.constant 0 : i32
    return %c0_i32, %c0_i32_0 : i32, i32
  }
  func.func @transform_5(%arg0: i32) -> (i32, i32, i32) {
    %c0_i32 = arith.constant 0 : i32
    %c0_i32_0 = arith.constant 0 : i32
    %c0_i32_1 = arith.constant 0 : i32
    return %c0_i32, %arg0, %c0_i32_0 : i32, i32, i32
  }
}

module attributes {stable_mosaic.version = 14 : i64} {
  func.func @_out_body(%arg0: i32, %arg1: memref<2x1000x1xf32, #tpu.memory_space<vmem>>, %arg2: memref<2x1000x64xf32, #tpu.memory_space<vmem>>, %arg3: memref<2x1000x64xf32, #tpu.memory_space<vmem>>, %arg4: memref<1000x128xf32, #tpu.memory_space<vmem>>) attributes {dimension_semantics = [#tpu.dimension_semantics<arbitrary>], iteration_bounds = array<i64: 10>, scalar_prefetch = 0 : i64, scratch_operands = 0 : i64, tpu.core_type = #tpu.core_type<tc>, window_params = [{transform_indices = @transform_0, window_bounds = array<i64: 2, 1000, 1>}, {transform_indices = @transform_1, window_bounds = array<i64: 2, 1000, 64>}, {transform_indices = @transform_2, window_bounds = array<i64: 2, 1000, 64>}, {transform_indices = @transform_3, window_bounds = array<i64: 1000, 128>}]} {
    %get3A = arith.constant 0 : index
    %get3A_0 = arith.constant 0 : index
    %get3A_1 = arith.constant 0 : index
    %get3A_2 = vector.load %arg1[%get3A, %get3A_0, %get3A_1] : memref<2x1000x1xf32, #tpu.memory_space<vmem>>, vector<1x1000x1xf32>
    %get3A_3 = vector.shape_cast %get3A_2 : vector<1x1000x1xf32> to vector<1000xf32>
    %get3A_4 = arith.constant 1 : index
    %get3A_5 = arith.constant 0 : index
    %get3A_6 = arith.constant 0 : index
    %get3A_7 = vector.load %arg1[%get3A_4, %get3A_5, %get3A_6] : memref<2x1000x1xf32, #tpu.memory_space<vmem>>, vector<1x1000x1xf32>
    %get3A_8 = vector.shape_cast %get3A_7 : vector<1x1000x1xf32> to vector<1000xf32>
    %add3A = arith.addf %get3A_3, %get3A_8 : vector<1000xf32>
    %add3A_9 = arith.constant 1.000000e+00 : f32
    %add3A_10 = vector.broadcast %add3A_9 : f32 to vector<1000xf32>
    %add3A_11 = arith.addf %add3A, %add3A_10 : vector<1000xf32>
    %rsqrt3A = math.rsqrt %add3A_11 : vector<1000xf32>
    %get3A_12 = arith.constant 0 : index
    %get3A_13 = arith.constant 0 : index
    %get3A_14 = arith.constant 0 : index
    %get3A_15 = vector.load %arg2[%get3A_12, %get3A_13, %get3A_14] : memref<2x1000x64xf32, #tpu.memory_space<vmem>>, vector<2x1000x64xf32>
    %get3A_16 = arith.constant 0 : index
    %get3A_17 = arith.constant 0 : index
    %get3A_18 = arith.constant 0 : index
    %get3A_19 = vector.load %arg3[%get3A_16, %get3A_17, %get3A_18] : memref<2x1000x64xf32, #tpu.memory_space<vmem>>, vector<2x1000x64xf32>
    %add3A_20 = arith.addf %get3A_15, %get3A_19 : vector<2x1000x64xf32>
    %slice3A = vector.extract_strided_slice %add3A_20 {offsets = [0, 0, 0], sizes = [1, 1000, 64], strides = [1, 1, 1]} : vector<2x1000x64xf32> to vector<1x1000x64xf32>
    %squeeze3A = vector.shape_cast %slice3A : vector<1x1000x64xf32> to vector<1000x64xf32>
    %slice3A_21 = vector.extract_strided_slice %add3A_20 {offsets = [1, 0, 0], sizes = [1, 1000, 64], strides = [1, 1, 1]} : vector<2x1000x64xf32> to vector<1x1000x64xf32>
    %squeeze3A_22 = vector.shape_cast %slice3A_21 : vector<1x1000x64xf32> to vector<1000x64xf32>
    %concatenate3A = tpu.concatenate %squeeze3A, %squeeze3A_22 in 1 : vector<1000x64xf32>, vector<1000x64xf32> -> vector<1000x128xf32>
    %broadcast_in_dim3A = vector.shape_cast %rsqrt3A : vector<1000xf32> to vector<1000x1xf32>
    %mul3A = vector.broadcast %broadcast_in_dim3A : vector<1000x1xf32> to vector<1000x128xf32>
    %mul3A_23 = arith.mulf %concatenate3A, %mul3A : vector<1000x128xf32>
    %swap3A = arith.constant 0 : index
    %swap3A_24 = arith.constant 0 : index
    %swap3A_25 = vector.load %arg4[%swap3A, %swap3A_24] : memref<1000x128xf32, #tpu.memory_space<vmem>>, vector<1000x128xf32>
    tpu.vector_store %arg4[%swap3A, %swap3A_24], %mul3A_23 {strides = array<i32>} : memref<1000x128xf32, #tpu.memory_space<vmem>>, vector<1000x128xf32>,
    return
  }
  func.func @transform_0(%arg0: i32) -> (i32, i32, i32) {
    %c0_i32 = arith.constant 0 : i32
    %c0_i32_0 = arith.constant 0 : i32
    %c0_i32_1 = arith.constant 0 : i32
    return %c0_i32, %arg0, %c0_i32_0 : i32, i32, i32
  }
  func.func @transform_1(%arg0: i32) -> (i32, i32, i32) {
    %c0_i32 = arith.constant 0 : i32
    %c0_i32_0 = arith.constant 0 : i32
    %c0_i32_1 = arith.constant 0 : i32
    return %c0_i32, %arg0, %c0_i32_0 : i32, i32, i32
  }
  func.func @transform_2(%arg0: i32) -> (i32, i32, i32) {
    %c0_i32 = arith.constant 0 : i32
    %c0_i32_0 = arith.constant 0 : i32
    %c0_i32_1 = arith.constant 0 : i32
    return %c0_i32, %arg0, %c0_i32_0 : i32, i32, i32
  }
  func.func @transform_3(%arg0: i32) -> (i32, i32) {
    %c0_i32 = arith.constant 0 : i32
    %c0_i32_0 = arith.constant 0 : i32
    return %arg0, %c0_i32 : i32, i32
  }
}

</mosaic_0001>

<sc_bundles>
// kernel: kernel.12.cloned.1.call-start
scs
__scs_entry_jumppad:
0x0: {  	(pc) =	sbr.rel $0x88, $3  }
0x1: {  	(tag) =	ssettag $0x0;
	lr =	simm.s32 $0x1  }
0x2: {  	[smem:$0x3F9B] =	sst lr;
	_ =	strace $0xD0000000  }
0x3: {  	_ = 	snop  }
0x4: {  	_ = 	snop  }
0x5: {  	_ = 	snop  }
0x6: {  	_ = 	snop  }
0x7: {  	_ = 	snop  }
__scs_overlays_trampoline_lowered:
0x8: {  	[smem:$0x3FAA] =	sst s0  }
0x9: {  	[smem:$0x3FAB] =	sst s1  }
0xa: {  	[smem:$0x3FAC] =	sst s2  }
0xb: {  	[smem:$0x3FAD] =	sst s3  }
0xc: {  	[smem:$0x3FAE] =	sst s4  }
0xd: {  	[smem:$0x3FAF] =	sst s5  }
0xe: {  	[smem:$0x3FB0] =	sst s6  }
0xf: {  	[smem:$0x3FB1] =	sst s7  }
0x10: {  	[smem:$0x3FB2] =	sst s8  }
0x11: {  	[smem:$0x3FB3] =	sst s9;
	s0 =	simm.s32 @!p0 $0x0  }
0x12: {  	s1 =	sld [smem:$0x3F99];
	s0 =	simm.s32 @p0 $0x1  }
0x13: {  	[smem:$0x3FB4] =	sst s0;
	s0 =	simm.s32 @!p1 $0x0  }
0x14: {  	s2 =	sld [smem:$0x3F98];
	s0 =	simm.s32 @p1 $0x1  }
0x15: {  	[smem:$0x3FB5] =	sst s0;
	s0 =	simm.s32 @!p2 $0x0  }
0x16: {  	s3 =	sld [smem:$0x3FDB];
	s0 =	simm.s32 @p2 $0x1  }
0x17: {  	s4 =	simm.s32 $0x1BF5;
	[smem:$0x3FB7] =	sst s0  }
0x18: {  	s0 =	sld [smem:$0x3F9A];
	_ =	swait.ge [sflag:s4], $0x0  }
0x19: {  	s7 =	sld [smem:$0x3F9B]  }
0x1a: {  	s8 =	sadd.s32 $0xFFFFE003, lr  }
0x1b: {  	s9 =	sadd.s32 $0xFFFFFEF7, lr;
	s5 =	simm.s32 $0xFFFFFFFF;
	p2 =	slt.u32 s8, $0xFFFFF086  }
0x1c: {  	p1 =	slt.u32 s9, $0xF7A;
	s5 =	simm.s32 @!p2 $0x0  }
0x1d: {  	s5 =	simm.s32 @p1 $0x1;
	p0 =	seq.s32 s7, s2  }
0x1e: {  	s7 =	smul.u32 @!p0 $0xF7A, s2;
	p2 =	seq.s32 @!p0 s5, $0x0  }
0x1f: {  	s9 =	smul.u32 $0xF7A, s1;
	s8 =	simm.s32 @!p0 $0x1BF5;
	p2 =	por !p2, p0  }
0x20: {  	[sflag:s8] =	ssyncset.s32 @!p0 $0xFFFFF086;
	s6 =	sadd.s32 @!p0 s3, s7;
	s7 =	simm.s32 @!p0 $0x108  }
0x21: {  	s3 =	sadd.s32 s3, s9;
	s6 =	sadd.s32 @!p0 $0x88, s6;
	s7 =	simm.s32 @p2 $0x1082  }
0x22: {  	[simem:s7], [sflag:s8] =	dma.local @!p0 [hbm:s6], $0xF7A  }
0x23: {  	s9 =	sor.u32 $0xD0000000, s2;
	s6 =	simm.s32 $0x108;
	_ =	swait.ge @!p0 [sflag:s8], $0x0  }
0x24: {  	s3 =	sadd.s32 $0x88, s3;
	s6 =	simm.s32 @!p1 $0x1082;
	[sflag:s4] =	ssyncset.s32 $0xFFFFF086  }
0x25: {  	[simem:s6], [sflag:s4] =	dma.local [hbm:s3], $0xF7A  }
0x26: {  	[smem:$0x3F9B] =	sst s1;
	(tag) =	ssettag s2;
	_ =	strace s9  }
0x27: {  	s1 =	sld [smem:$0x3FAB]  }
0x28: {  	s2 =	sld [smem:$0x3FAC]  }
0x29: {  	s4 =	sld [smem:$0x3FAE]  }
0x2a: {  	p0 =	seq.s32 s5, $0x0;
	s5 =	sld [smem:$0x3FAF]  }
0x2b: {  	s6 =	sld [smem:$0x3FB0]  }
0x2c: {  	s7 =	sld [smem:$0x3FB1]  }
0x2d: {  	s3 =	simm.s32 $0x108;
	s8 =	sld [smem:$0x3FB2]  }
0x2e: {  	s3 =	simm.s32 @!p0 $0x1082;
	s9 =	sld [smem:$0x3FB3]  }
0x2f: {  	lr =	sadd.s32 s0, s3;
	s0 =	sld [smem:$0x3FAA]  }
0x30: {  	s3 =	sld [smem:$0x3FAD]  }
0x31: {  	[smem:$0x3FB6] =	sst s10  }
0x32: {  	s10 =	sld [smem:$0x3FB4];
	_ =	sdelay $0x3  }
0x33: {  	p0 =	seq.s32 s10, $0x1;
	s10 =	sld [smem:$0x3FB6];
	_ =	sdelay $0x3  }
0x34: {  	[smem:$0x3FB6] =	sst s10  }
0x35: {  	s10 =	sld [smem:$0x3FB5];
	_ =	sdelay $0x3  }
0x36: {  	p1 =	seq.s32 s10, $0x1;
	s10 =	sld [smem:$0x3FB6];
	_ =	sdelay $0x3  }
0x37: {  	[smem:$0x3FB6] =	sst s10  }
0x38: {  	s10 =	sld [smem:$0x3FB7]  }
0x39: {  	_ = 	snop;
	(pc) =	sbr.ind lr, $3  }
0x3a: {  	_ = 	snop  }
0x3b: {  	_ = 	snop  }
0x3c: {  	p2 =	seq.s32 s10, $0x1;
	s10 =	sld [smem:$0x3FB6]  }
0x3d: {  	_ =	shalt  }
0x3e: {  	_ =	shalt  }
0x3f: {  	_ =	shalt  }
0x40: {  	_ =	shalt  }
0x41: {  	_ =	shalt  }
0x42: {  	_ =	shalt  }
0x43: {  	_ =	shalt  }
0x44: {  	_ =	shalt  }
0x45: {  	_ =	shalt  }
0x46: {  	_ =	shalt  }
0x47: {  	_ =	shalt  }
0x48: {  	_ =	shalt  }
0x49: {  	_ =	shalt  }
0x4a: {  	_ =	shalt  }
0x4b: {  	_ =	shalt  }
0x4c: {  	_ =	shalt  }
0x4d: {  	_ =	shalt  }
0x4e: {  	_ =	shalt  }
0x4f: {  	_ =	shalt  }
0x50: {  	_ =	shalt  }
0x51: {  	_ =	shalt  }
0x52: {  	_ =	shalt  }
0x53: {  	_ =	shalt  }
0x54: {  	_ =	shalt  }
0x55: {  	_ =	shalt  }
0x56: {  	_ =	shalt  }
0x57: {  	_ =	shalt  }
0x58: {  	_ =	shalt  }
0x59: {  	_ =	shalt  }
0x5a: {  	_ =	shalt  }
0x5b: {  	_ =	shalt  }
0x5c: {  	_ =	shalt  }
0x5d: {  	_ =	shalt  }
0x5e: {  	_ =	shalt  }
0x5f: {  	_ =	shalt  }
0x60: {  	_ =	shalt  }
0x61: {  	_ =	shalt  }
0x62: {  	_ =	shalt  }
0x63: {  	_ =	shalt  }
0x64: {  	_ =	shalt  }
0x65: {  	_ =	shalt  }
0x66: {  	_ =	shalt  }
0x67: {  	_ =	shalt  }
0x68: {  	_ =	shalt  }
0x69: {  	_ =	shalt  }
0x6a: {  	_ =	shalt  }
0x6b: {  	_ =	shalt  }
0x6c: {  	_ =	shalt  }
0x6d: {  	_ =	shalt  }
0x6e: {  	_ =	shalt  }
0x6f: {  	_ =	shalt  }
0x70: {  	_ =	shalt  }
0x71: {  	_ =	shalt  }
0x72: {  	_ =	shalt  }
0x73: {  	_ =	shalt  }
0x74: {  	_ =	shalt  }
0x75: {  	_ =	shalt  }
0x76: {  	_ =	shalt  }
0x77: {  	_ =	shalt  }
0x78: {  	_ =	shalt  }
0x79: {  	_ =	shalt  }
0x7a: {  	_ =	shalt  }
0x7b: {  	_ =	shalt  }
0x7c: {  	_ =	shalt  }
0x7d: {  	_ =	shalt  }
0x7e: {  	_ =	shalt  }
0x7f: {  	_ =	shalt  }
0x80: {  	_ =	shalt  }
0x81: {  	_ =	shalt  }
0x82: {  	_ =	shalt  }
0x83: {  	_ =	shalt  }
0x84: {  	_ =	shalt  }
0x85: {  	_ =	shalt  }
0x86: {  	_ =	shalt  }
0x87: {  	_ =	shalt  }
.Lfunc_end0:
.L_simem_size_0:
called_computation.1_lowered:
.L_overlay_start_0:
0x88: {  	s2 =	sld [smem:$0x3FD9]  }
0x89: {  	s3 =	sld [smem:$0x3FFE];
	_ =	sdelay $0x1  }
0x8a: {  	s1 =	srdreg.scid  }
0x8b: {  	s0 =	sand.u32 $0x1, s1  }
0x8c: {  	s17 =	sshll.u32 s0, $0xA;
	s2 =	sadd.s32 s3, s2  }
0x8d: {  	s2 =	sadd.s32 s2, s17  }
0x8e: {  	[smem:$0x3FC2] =	sst s2  }
0x8f: {  	_ = 	snop  }
0x90: {  	s2 =	sld [smem:$0x3FD0];
	(tm) =	ssettm $0x1  }
0x91: {  	s18 =	sld [smem:$0x3FFB];
	_ =	sdelay $0x3  }
0x92: {  	_ =	strace s18  }
0x93: {  	s3 =	sld [smem:$0x3FFC];
	_ =	sdelay $0x3  }
0x94: {  	_ =	strace s3  }
0x95: {  	s3 =	sld [smem:$0x3FFD];
	_ =	sdelay $0x3  }
0x96: {  	_ =	strace s3  }
0x97: {  	_ =	strace $0x8FFFFFFF  }
0x98: {  	s19 =	sld [smem:$0x3FDB];
	_ =	sdelay $0x1  }
0x99: {  	s4 =	simm.s32 $_scs_section_size  }
0x9a: {  	s5 =	simm.s32 $_size__tile_overlayer_lowered;
	s6 =	simm.s32 $_tile_overlayer_lowered  }
0x9b: {  	s22 =	simm.s32 $0x1BFF;
	s21 =	sshll.u32 s6, $0x1;
	s3 =	sadd.s32 s4, s19  }
0x9c: {  	s7 =	simm.s32 $0x0;
	s20 =	sshll.u32 s5, $0x1;
	s5 =	sadd.s32 s21, s3  }
0x9d: {  	[timem:s7], [sflag:s22] =	dma.local [hbm:s5], s20  }
0x9e: {  	_ =	swait.ge [sflag:s22], s20  }
0x9f: {  	s4 =	ssub.s32 $0x0, s20;
	[sflag:s22] =	ssyncset.done $0x0  }
0xa0: {  	[sflag:s22] =	ssyncadd.s32 s4;
	_ =	sdelay $0x1  }
0xa1: {  	s23 =	simm.s32 $0x1B8B  }
0xa2: {  	_ =	swait.ge [sflag:s23], $0x1  }
0xa3: {  	[sflag:s23] =	ssyncset.done $0x0  }
0xa4: {  	s25 =	simm.s32 $0x1B8E;
	s24 =	sld [smem:$0x3FFE];
	[sflag:s23] =	ssyncadd.s32 $0xFFFFFFFF  }
0xa5: {  	s26 =	simm.s32 $execute0_lowered;
	[smem:$0x3FD2] =	sst s25  }
0xa6: {  	s5 =	sshll.u32 s26, $0x1;
	_ =	strace $0x80000049;
	[dreg:$0x1] =	wrdreg $0xFFFFFFFF  }
0xa7: {  	s28 =	simm.s32 $_size_execute0_lowered;
	s3 =	sadd.s32 s3, s5;
	[dreg:$0x0] =	wrdreg $0x0  }
0xa8: {  	s5 =	sshll.u32 s28, $0x1;
	[dreg:$0x2] =	wrdreg s3  }
0xa9: {  	[dreg:$0x3] =	wrdreg s5  }
0xaa: {  	[dreg:$0x4] =	wrdreg $0xC0  }
0xab: {  	_ =	task [dreg:s7], $0x5FFFF  }
0xac: {  	[dreg:$0x1] =	wrdreg $0xFFFFFFFF  }
0xad: {  	[dreg:$0x0] =	wrdreg $0x60  }
0xae: {  	[dreg:$0x2] =	wrdreg s24  }
0xaf: {  	[dreg:$0x3] =	wrdreg s2  }
0xb0: {  	[dreg:$0x4] =	wrdreg $0x87000  }
0xb1: {  	[dreg:$0x5] =	wrdreg $0x9  }
0xb2: {  	_ =	task.clear_ibuf [dreg:s7], $0x6FFFF;
	_ =	strace $0x90000049  }
0xb3: {  	s29 =	simm.s32 $0x9;
	_ =	strace $0x8000004B  }
0xb4: {  	_ =	swait.ge [sflag:s29], $0x1  }
0xb5: {  	[sflag:s29] =	ssyncadd.s32 $0xFFFFFFFF  }
0xb6: {  	_ =	strace $0x9000004B  }
0xb7: {  	_ =	sfence  }
0xb8: {  	s30 =	sld [smem:$0x0];
	_ =	sdelay $0x2  }
0xb9: {  	s31 =	sshll.u32 s1, $0xD;
	s1 =	sshrl.u32 s1, $0x2  }
0xba: {  	s3 =	sand.u32 $0x4000, s31;
	s1 =	sadd.s32 s1, s30  }
0xbb: {  	s0 =	sor.u32 s3, s0;
	s1 =	sshll.u32 s1, $0x11  }
0xbc: {  	s0 =	sor.u32 s1, s0  }
0xbd: {  	s0 =	sadd.s32 $0x8F2B, s0  }
0xbe: {  	[sflag:s0] =	ssyncadd.remote.s32 $0x1  }
0xbf: {  	_ =	sfence.sel $0xFFFF  }
0xc0: {  	[dreg:$0x0] =	wrdreg $0xFFFFFFFF;
	(pc) =	sbr.abs _section_cstart, $3  }
0xc1: {  	[dreg:$0x1] =	wrdreg $0xFFFFFFFF  }
0xc2: {  	_ =	task.clear_ibuf [dreg:s7], $0x2FFFF;
	_ =	strace $0x9FFFFFFF  }
0xc3: {  	(tm) =	ssettm $0x7FFFFFFF  }
tec
execute0_lowered:
.L_overlay_start_1:
0x0: {  	(tag) =	ssettag $0x1  }
0x1: {  	s0 =	rddreg [dreg:$0x0]  }
0x2: {  	s2 =	rddreg [dreg:$0x2]  }
0x3: {  	s1 =	srdreg.scid;
	s4 =	simm.s32 $0x0;
	s7 =	stileid.u32  }
0x4: {  	s22 =	simm.s32 $0x2800;
	s28 =	simm.s32 $0x1E00;
	s29 =	simm.s32 $0x50  }
0x5: {  	s30 =	simm.s32 $0x1;
	s31 =	simm.s32 $0x5780;
	s11 =	smul.u32 $0x17740, s7  }
0x6: {  	s13 =	simm.s32 $0x27B0;
	s14 =	simm.s32 $0x0;
	s9 =	smul.u32 $0x5DD00, s7  }
0x7: {  	s1 =	sand.u32 $0x1, s1;
	s5 =	sadd.s32 $0x10C600, s0;
	s7 =	smul.u32 $0x5000, s7  }
0x8: {  	[smem:$0x7FF] =	sst s4;
	s6 =	sadd.s32 $0x2200, s0;
	s3 =	smul.u32 $0x177400, s1  }
0x9: {  	s8 =	sadd.s32 $0x16200, s0;
	s10 =	smul.u32 $0x50000, s1;
	s1 =	ssub.s32 $0x2, s1  }
0xa: {  	_ =	strace $0x8000004A;
	s16 =	sshrl.u32 s1, $0x1;
	s12 =	sshrl.u32 s9, $0x2  }
0xb: {  	s18 =	sshrl.u32 s7, $0x3;
	s19 =	sadd.s32 s11, s2;
	s3 =	sadd.s32 s11, s3  }
0xc: {  	s9 =	sadd.s32 s7, s10;
	s1 =	ssub.s32 s1, s16;
	s10 =	sadd.s32 s12, s2  }
0xd: {  	s11 =	simm.s32 $0x1DB0;
	s3 =	sshrl.u32 s3, $0x3;
	s12 =	sadd.s32 $0x14C80, s10  }
0xe: {  	s17 =	sshrl.u32 s9, $0x3;
	s1 =	smax.u32 s1, $0x1;
	[dreg:$0x4] =	wrdreg s12  }
0xf: {  	s23 =	sadd.s32 $0x2F80, s10;
	s24 =	sadd.s32 $0x5F00, s10;
	[dreg:$0x8] =	wrdreg s1  }
0x10: {  	s25 =	sadd.s32 $0x8E80, s10;
	s26 =	sadd.s32 $0xBE00, s10;
	[dreg:$0x9] =	wrdreg s23  }
0x11: {  	s20 =	sadd.s32 $0xED80, s10;
	s21 =	sadd.s32 $0x11D00, s10;
	[dreg:$0xa] =	wrdreg s24  }
0x12: {  	s0 =	sadd.s32 s3, s0;
	s3 =	sadd.s32 s6, s17;
	[dreg:$0xb] =	wrdreg s25  }
.Ltmp0:
0x13: {  	[dreg:$0xc] =	wrdreg s26;
	s23 =	simm.s32 $0x3;
	(pc) =	sbr.rel .LBB2_1-.Ltmp0, $4  }
0x14: {  	s25 =	sshrl.u32 s19, $0x3;
	s26 =	simm.s32 $0x1400;
	s1 =	simm.s32 $0x1360  }
0x15: {  	s24 =	simm.s32 $0x2;
	[dreg:$0x5] =	wrdreg s3;
	s3 =	sadd.s32 s8, s18  }
0x16: {  	s12 =	simm.s32 $0x2760;
	s0 =	sadd.s32 $0x169400, s0;
	[dreg:$0x6] =	wrdreg s3  }
0x17: {  	[dreg:$0x7] =	wrdreg s0;
	s0 =	simm.s32 $0x9B0;
	s3 =	simm.s32 $0x13B0  }
.LBB2_8:
0x18: {  	s15 =	stileid.u32  }
0x19: {  	[bflag:$0x0] =	sbarrier.arrive $0xFFFF;
	s15 =	sshll.u32 s15, $0x6  }
0x1a: {  	s16 =	rddreg [dreg:$0x7];
	s15 =	sor.u32 $0x1C03, s15  }
0x1b: {  	[hbm:s16], [sflag:s15] =	dma.local [spmem:s25], $0x2EE8  }
0x1c: {  	_ =	swait.ge [sflag:s23], $0x2EE8  }
0x1d: {  	s14 =	sadd.s32 $0x1, s14;
	s19 =	rddreg [dreg:$0x8]  }
0x1e: {  	p0 =	sne.s32 s14, s19  }
.Ltmp1:
0x1f: {  	_ = 	snop;
	(pc) =	sbr.rel @!p0 .LBB2_9-.Ltmp1, $3  }
0x20: {  	_ =	sdelay $0x1  }
0x21: {  	[sflag:s23] =	ssyncset.done $0x0  }
0x22: {  	[sflag:s23] =	ssyncadd.s32 $0xFFFFD118  }
.LBB2_1:
0x23: {  	s15 =	rddreg [dreg:$0x1]  }
0x24: {  	[tilespmem:s22], [sflag:$0x3] =	stream.linear.gather [hbm4b:s15+s4], $0x2F80, $0x38;
	[tilespmem:$0x1FE40] =	vst v63  }
0x25: {  	_ =	swait.ge [sflag:s23], $0x2F80  }
0x26: {  	[sflag:s23] =	ssyncset.done $0x0  }
0x27: {  	[sflag:s23] =	ssyncadd.s32 $0xFFFFD080  }
0x28: {  	[spmem:s10] =	stream.linear.scatter [tilespmem:s22], [sflag:$0x3], $0x2F80, $0x38;
	[tilespmem:$0x1FE40] =	vst v63  }
0x29: {  	_ =	swait.ge [sflag:s23], $0x2F80  }
0x2a: {  	[sflag:s23] =	ssyncset.done $0x0  }
0x2b: {  	s17 =	rddreg [dreg:$0x9];
	[sflag:s23] =	ssyncadd.s32 $0xFFFFD080  }
0x2c: {  	[spmem:s17] =	stream.linear.scatter [tilespmem:s22], [sflag:$0x3], $0x2F80, $0x38;
	[tilespmem:$0x1FE40] =	vst v63  }
0x2d: {  	_ =	swait.ge [sflag:s23], $0x2F80  }
0x2e: {  	[sflag:s23] =	ssyncset.done $0x0  }
0x2f: {  	s18 =	rddreg [dreg:$0xa];
	[sflag:s23] =	ssyncadd.s32 $0xFFFFD080  }
0x30: {  	[spmem:s18] =	stream.linear.scatter [tilespmem:s22], [sflag:$0x3], $0x2F80, $0x38;
	[tilespmem:$0x1FE40] =	vst v63  }
0x31: {  	_ =	swait.ge [sflag:s23], $0x2F80  }
0x32: {  	[sflag:s23] =	ssyncset.done $0x0  }
0x33: {  	s19 =	rddreg [dreg:$0xb];
	[sflag:s23] =	ssyncadd.s32 $0xFFFFD080  }
0x34: {  	[spmem:s19] =	stream.linear.scatter [tilespmem:s22], [sflag:$0x3], $0x2F80, $0x38;
	[tilespmem:$0x1FE40] =	vst v63  }
0x35: {  	_ =	swait.ge [sflag:s23], $0x2F80  }
0x36: {  	[sflag:s23] =	ssyncset.done $0x0  }
0x37: {  	s16 =	rddreg [dreg:$0xc];
	[sflag:s23] =	ssyncadd.s32 $0xFFFFD080  }
0x38: {  	[spmem:s16] =	stream.linear.scatter [tilespmem:s22], [sflag:$0x3], $0x2F80, $0x38;
	[tilespmem:$0x1FE40] =	vst v63  }
0x39: {  	_ =	swait.ge [sflag:s23], $0x2F80  }
0x3a: {  	[sflag:s23] =	ssyncset.done $0x0  }
0x3b: {  	[sflag:s23] =	ssyncadd.s32 $0xFFFFD080  }
0x3c: {  	[spmem:s20] =	stream.linear.scatter [tilespmem:s22], [sflag:$0x3], $0x2F80, $0x38;
	[tilespmem:$0x1FE40] =	vst v63  }
0x3d: {  	_ =	swait.ge [sflag:s23], $0x2F80  }
0x3e: {  	[sflag:s23] =	ssyncset.done $0x0  }
0x3f: {  	[sflag:s23] =	ssyncadd.s32 $0xFFFFD080  }
0x40: {  	[spmem:s21] =	stream.linear.scatter [tilespmem:s22], [sflag:$0x3], $0x2F80, $0x38;
	[tilespmem:$0x1FE40] =	vst v63  }
0x41: {  	_ =	swait.ge [sflag:s23], $0x2F80  }
0x42: {  	[sflag:s23] =	ssyncset.done $0x0  }
0x43: {  	s17 =	rddreg [dreg:$0x4];
	[sflag:s23] =	ssyncadd.s32 $0xFFFFD080  }
0x44: {  	[spmem:s17] =	stream.linear.scatter [tilespmem:s22], [sflag:$0x3], $0x2AC0, $0x38;
	[tilespmem:$0x1FE40] =	vst v63  }
0x45: {  	_ =	swait.ge [sflag:s23], $0x2AC0  }
0x46: {  	[sflag:s23] =	ssyncset.done $0x0  }
0x47: {  	[sflag:s23] =	ssyncadd.s32 $0xFFFFD540  }
0x48: {  	[bflag:$0x0] =	sbarrier.arrive $0xFFFF  }
0x49: {  	s18 =	rddreg [dreg:$0x5]  }
0x4a: {  	[tilespmem:s4], [sflag:$0x3] =	stream.linear.gather [hbm4b:s18+s4], $0xA00, $0x38;
	[tilespmem:$0x1FE40] =	vst v63  }
0x4b: {  	_ =	swait.ge [sflag:s23], $0xA00  }
0x4c: {  	[sflag:s23] =	ssyncset.done $0x0  }
0x4d: {  	s16 =	simm.s32 $0xA00;
	s19 =	rddreg [dreg:$0x6];
	[sflag:s23] =	ssyncadd.s32 $0xFFFFF600  }
0x4e: {  	[tilespmem:s16], [sflag:$0x3] =	stream.linear.gather [hbm4b:s19+s4], $0xA00, $0x38;
	[tilespmem:$0x1FE40] =	vst v63  }
0x4f: {  	_ =	swait.ge [sflag:s23], $0xA00  }
0x50: {  	[sflag:s23] =	ssyncset.done $0x0  }
0x51: {  	s15 =	simm.s32 $0x0;
	[sflag:s23] =	ssyncadd.s32 $0xFFFFF600  }
.LBB2_2:
0x52: {  	s16 =	smul.u32 $0x1400, s15;
	_ =	sdelay $0x1  }
0x53: {  	s17 =	sadd.s32 $0xA00, s16  }
0x54: {  	s18 =	sadd.s32 s9, s17  }
0x55: {  	s17 =	sadd.s32 s7, s17;
	s18 =	sshrl.u32 s18, $0x3  }
0x56: {  	s19 =	simm.s32 $0x0;
	s17 =	sshrl.u32 s17, $0x3;
	s18 =	sadd.s32 s6, s18  }
0x57: {  	[tilespmem:s26], [sflag:$0x2] =	stream.linear.gather [hbm4b:s18+s19], $0xA00, $0x38;
	[tilespmem:$0x1FE40] =	vst v63  }
0x58: {  	s17 =	sadd.s32 s8, s17  }
0x59: {  	[tilespmem:s28], [sflag:$0x2] =	stream.linear.gather [hbm4b:s17+s19], $0xA00, $0x38;
	[tilespmem:$0x1FE40] =	vst v63  }
0x5a: {  	_ = 	snop  }
0x5b: {  	[tilespmem:s22], [sflag:$0x1] =	stream.indirect.gather [hbm4b:s5+s29], $0x98, s19, s29, $0xb8;
	[tilespmem:$0x1FE40] =	vst v63  }
0x5c: {  	_ =	swait.ge [sflag:s30], $0x2F80  }
0x5d: {  	[sflag:s30] =	ssyncset.done $0x0  }
0x5e: {  	s18 =	simm.s32 $0x50;
	[sflag:s30] =	ssyncadd.s32 $0xFFFFD080  }
0x5f: {  	[tilespmem:s31], [sflag:$0x1] =	stream.indirect.gather [hbm4b:s5+s29], $0x98, s18, s29, $0xb8;
	[tilespmem:$0x1FE40] =	vst v63  }
0x60: {  	s19 =	simm.s32 $0xA00  }
0x61: {  	[spmem:s2] =	stream.indirect.scatter.add.f32 [tilespmem:s22], [sflag:$0x3], $0x98, s19, s29, $0xb8;
	[tilespmem:$0x1FE40] =	vst v63  }
0x62: {  	_ =	swait.ge [sflag:s23], $0x2F80  }
0x63: {  	[sflag:s23] =	ssyncset.done $0x0  }
0x64: {  	[sflag:s23] =	ssyncadd.s32 $0xFFFFD080  }
0x65: {  	_ =	swait.ge [sflag:s30], $0x2F80  }
0x66: {  	[sflag:s30] =	ssyncset.done $0x0  }
0x67: {  	s18 =	simm.s32 $0xA0;
	[sflag:s30] =	ssyncadd.s32 $0xFFFFD080  }
0x68: {  	[tilespmem:s22], [sflag:$0x1] =	stream.indirect.gather [hbm4b:s5+s29], $0x98, s18, s29, $0xb8;
	[tilespmem:$0x1FE40] =	vst v63  }
0x69: {  	s19 =	simm.s32 $0xA50  }
0x6a: {  	[spmem:s2] =	stream.indirect.scatter.add.f32 [tilespmem:s31], [sflag:$0x3], $0x98, s19, s29, $0xb8;
	[tilespmem:$0x1FE40] =	vst v63  }
0x6b: {  	_ =	swait.ge [sflag:s23], $0x2F80  }
0x6c: {  	s17 =	simm.s32 $0x280;
	[sflag:s23] =	ssyncset.done $0x0  }
.LBB2_3:
0x6d: {  	p0 =	sne.s32 s17, $0x2300  }
0x6e: {  	[sflag:s23] =	ssyncadd.s32 $0xFFFFD080;
	s18 =	smov.u32 s17;
	s17 =	sadd.s32 $0x280, s17  }
0x6f: {  	_ = 	snop  }
0x70: {  	_ =	swait.ge [sflag:s30], $0x2F80  }
0x71: {  	s18 =	sshra.s32 s18, $0x2;
	[sflag:s30] =	ssyncset.done $0x0  }
0x72: {  	s19 =	sadd.s32 $0x50, s18;
	[sflag:s30] =	ssyncadd.s32 $0xFFFFD080  }
0x73: {  	[tilespmem:s31], [sflag:$0x1] =	stream.indirect.gather [hbm4b:s5+s29], $0x98, s19, s29, $0xb8;
	[tilespmem:$0x1FE40] =	vst v63  }
0x74: {  	s19 =	sadd.s32 $0xA00, s18  }
0x75: {  	[spmem:s2] =	stream.indirect.scatter.add.f32 [tilespmem:s22], [sflag:$0x3], $0x98, s19, s29, $0xb8;
	[tilespmem:$0x1FE40] =	vst v63  }
0x76: {  	_ =	swait.ge [sflag:s23], $0x2F80  }
0x77: {  	[sflag:s23] =	ssyncset.done $0x0  }
0x78: {  	[sflag:s23] =	ssyncadd.s32 $0xFFFFD080  }
0x79: {  	_ =	swait.ge [sflag:s30], $0x2F80  }
0x7a: {  	[sflag:s30] =	ssyncset.done $0x0  }
0x7b: {  	s19 =	sadd.s32 $0xA0, s18;
	[sflag:s30] =	ssyncadd.s32 $0xFFFFD080  }
0x7c: {  	[tilespmem:s22], [sflag:$0x1] =	stream.indirect.gather [hbm4b:s5+s29], $0x98, s19, s29, $0xb8;
	[tilespmem:$0x1FE40] =	vst v63  }
.Ltmp2:
0x7d: {  	_ = 	snop;
	(pc) =	sbr.rel @p0 .LBB2_3-.Ltmp2, $4  }
0x7e: {  	s18 =	sadd.s32 $0xA50, s18  }
0x7f: {  	[spmem:s2] =	stream.indirect.scatter.add.f32 [tilespmem:s31], [sflag:$0x3], $0x98, s18, s29, $0xb8;
	[tilespmem:$0x1FE40] =	vst v63  }
0x80: {  	_ =	swait.ge [sflag:s23], $0x2F80  }
0x81: {  	[sflag:s23] =	ssyncset.done $0x0  }
0x82: {  	[sflag:s23] =	ssyncadd.s32 $0xFFFFD080  }
0x83: {  	_ =	swait.ge [sflag:s30], $0x2F80  }
0x84: {  	[sflag:s30] =	ssyncset.done $0x0  }
0x85: {  	[sflag:s30] =	ssyncadd.s32 $0xFFFFD080  }
0x86: {  	[tilespmem:s31], [sflag:$0x1] =	stream.indirect.gather [hbm4b:s5+s29], $0x98, s0, s29, $0xb8;
	[tilespmem:$0x1FE40] =	vst v63  }
0x87: {  	_ = 	snop  }
0x88: {  	[spmem:s2] =	stream.indirect.scatter.add.f32 [tilespmem:s22], [sflag:$0x3], $0x98, s1, s29, $0xb8;
	[tilespmem:$0x1FE40] =	vst v63  }
0x89: {  	_ =	swait.ge [sflag:s23], $0x2F80  }
0x8a: {  	[sflag:s23] =	ssyncset.done $0x0  }
0x8b: {  	[sflag:s23] =	ssyncadd.s32 $0xFFFFD080  }
0x8c: {  	_ =	swait.ge [sflag:s30], $0x2F80  }
0x8d: {  	[sflag:s30] =	ssyncset.done $0x0  }
0x8e: {  	[sflag:s30] =	ssyncadd.s32 $0xFFFFD080  }
0x8f: {  	[spmem:s2] =	stream.indirect.scatter.add.f32 [tilespmem:s31], [sflag:$0x3], $0x98, s3, s29, $0xb8;
	[tilespmem:$0x1FE40] =	vst v63  }
0x90: {  	_ =	swait.ge [sflag:s23], $0x2F80  }
0x91: {  	[sflag:s23] =	ssyncset.done $0x0  }
0x92: {  	[sflag:s23] =	ssyncadd.s32 $0xFFFFD080  }
0x93: {  	_ =	swait.ge [sflag:s24], $0xA00  }
0x94: {  	p0 =	seq.s32 s15, $0x3;
	[sflag:s24] =	ssyncset.done $0x0  }
0x95: {  	s16 =	sadd.s32 @!p0 $0x1400, s16;
	[sflag:s24] =	ssyncadd.s32 $0xFFFFF600  }
0x96: {  	s18 =	simm.s32 @!p0 $0x0;
	s17 =	sadd.s32 @!p0 s9, s16;
	_ =	swait.ge [sflag:s24], $0xA00  }
0x97: {  	s16 =	sadd.s32 @!p0 s7, s16;
	s17 =	sshrl.u32 @!p0 s17, $0x3;
	[sflag:s24] =	ssyncset.done $0x0  }
0x98: {  	s16 =	sshrl.u32 @!p0 s16, $0x3;
	s17 =	sadd.s32 @!p0 s6, s17;
	[sflag:s24] =	ssyncadd.s32 $0xFFFFF600  }
0x99: {  	[tilespmem:s18], [sflag:$0x2] =	stream.linear.gather @!p0 [hbm4b:s17+s18], $0xA00, $0x38;
	[tilespmem:$0x1FE40] =	vst v63  }
0x9a: {  	s16 =	sadd.s32 @!p0 s8, s16;
	s17 =	simm.s32 @!p0 $0xA00  }
0x9b: {  	[tilespmem:s17], [sflag:$0x2] =	stream.linear.gather @!p0 [hbm4b:s16+s18], $0xA00, $0x38;
	[tilespmem:$0x1FE40] =	vst v63  }
0x9c: {  	_ = 	snop  }
0x9d: {  	[tilespmem:s22], [sflag:$0x1] =	stream.indirect.gather [hbm4b:s5+s29], $0x98, s26, s29, $0xb8;
	[tilespmem:$0x1FE40] =	vst v63  }
0x9e: {  	_ =	swait.ge [sflag:s30], $0x2F80  }
0x9f: {  	[sflag:s30] =	ssyncset.done $0x0  }
0xa0: {  	s19 =	simm.s32 $0x1450;
	[sflag:s30] =	ssyncadd.s32 $0xFFFFD080  }
0xa1: {  	[tilespmem:s31], [sflag:$0x1] =	stream.indirect.gather [hbm4b:s5+s29], $0x98, s19, s29, $0xb8;
	[tilespmem:$0x1FE40] =	vst v63  }
0xa2: {  	s17 =	simm.s32 $0x1E00  }
0xa3: {  	[spmem:s2] =	stream.indirect.scatter.add.f32 [tilespmem:s22], [sflag:$0x3], $0x98, s17, s29, $0xb8;
	[tilespmem:$0x1FE40] =	vst v63  }
0xa4: {  	_ =	swait.ge [sflag:s23], $0x2F80  }
0xa5: {  	[sflag:s23] =	ssyncset.done $0x0  }
0xa6: {  	[sflag:s23] =	ssyncadd.s32 $0xFFFFD080  }
0xa7: {  	_ =	swait.ge [sflag:s30], $0x2F80  }
0xa8: {  	[sflag:s30] =	ssyncset.done $0x0  }
0xa9: {  	s18 =	simm.s32 $0x14A0;
	[sflag:s30] =	ssyncadd.s32 $0xFFFFD080  }
0xaa: {  	[tilespmem:s22], [sflag:$0x1] =	stream.indirect.gather [hbm4b:s5+s29], $0x98, s18, s29, $0xb8;
	[tilespmem:$0x1FE40] =	vst v63  }
0xab: {  	s19 =	simm.s32 $0x1E50  }
0xac: {  	[spmem:s2] =	stream.indirect.scatter.add.f32 [tilespmem:s31], [sflag:$0x3], $0x98, s19, s29, $0xb8;
	[tilespmem:$0x1FE40] =	vst v63  }
0xad: {  	_ =	swait.ge [sflag:s23], $0x2F80  }
0xae: {  	s16 =	simm.s32 $0x280;
	[sflag:s23] =	ssyncset.done $0x0  }
.LBB2_5:
0xaf: {  	p1 =	sne.s32 s16, $0x2300  }
0xb0: {  	[sflag:s23] =	ssyncadd.s32 $0xFFFFD080;
	s17 =	smov.u32 s16;
	s16 =	sadd.s32 $0x280, s16  }
0xb1: {  	_ = 	snop  }
0xb2: {  	_ =	swait.ge [sflag:s30], $0x2F80  }
0xb3: {  	s17 =	sshra.s32 s17, $0x2;
	[sflag:s30] =	ssyncset.done $0x0  }
0xb4: {  	s18 =	sadd.s32 $0x1450, s17;
	[sflag:s30] =	ssyncadd.s32 $0xFFFFD080  }
0xb5: {  	[tilespmem:s31], [sflag:$0x1] =	stream.indirect.gather [hbm4b:s5+s29], $0x98, s18, s29, $0xb8;
	[tilespmem:$0x1FE40] =	vst v63  }
0xb6: {  	s18 =	sadd.s32 $0x1E00, s17  }
0xb7: {  	[spmem:s2] =	stream.indirect.scatter.add.f32 [tilespmem:s22], [sflag:$0x3], $0x98, s18, s29, $0xb8;
	[tilespmem:$0x1FE40] =	vst v63  }
0xb8: {  	_ =	swait.ge [sflag:s23], $0x2F80  }
0xb9: {  	[sflag:s23] =	ssyncset.done $0x0  }
0xba: {  	[sflag:s23] =	ssyncadd.s32 $0xFFFFD080  }
0xbb: {  	_ =	swait.ge [sflag:s30], $0x2F80  }
0xbc: {  	[sflag:s30] =	ssyncset.done $0x0  }
0xbd: {  	s18 =	sadd.s32 $0x14A0, s17;
	[sflag:s30] =	ssyncadd.s32 $0xFFFFD080  }
0xbe: {  	[tilespmem:s22], [sflag:$0x1] =	stream.indirect.gather [hbm4b:s5+s29], $0x98, s18, s29, $0xb8;
	[tilespmem:$0x1FE40] =	vst v63  }
.Ltmp3:
0xbf: {  	_ = 	snop;
	(pc) =	sbr.rel @p1 .LBB2_5-.Ltmp3, $4  }
0xc0: {  	s17 =	sadd.s32 $0x1E50, s17  }
0xc1: {  	[spmem:s2] =	stream.indirect.scatter.add.f32 [tilespmem:s31], [sflag:$0x3], $0x98, s17, s29, $0xb8;
	[tilespmem:$0x1FE40] =	vst v63  }
0xc2: {  	_ =	swait.ge [sflag:s23], $0x2F80  }
0xc3: {  	[sflag:s23] =	ssyncset.done $0x0  }
0xc4: {  	[sflag:s23] =	ssyncadd.s32 $0xFFFFD080  }
0xc5: {  	_ =	swait.ge [sflag:s30], $0x2F80  }
0xc6: {  	[sflag:s30] =	ssyncset.done $0x0  }
0xc7: {  	[sflag:s30] =	ssyncadd.s32 $0xFFFFD080  }
0xc8: {  	[tilespmem:s31], [sflag:$0x1] =	stream.indirect.gather [hbm4b:s5+s29], $0x98, s11, s29, $0xb8;
	[tilespmem:$0x1FE40] =	vst v63  }
0xc9: {  	_ = 	snop  }
0xca: {  	[spmem:s2] =	stream.indirect.scatter.add.f32 [tilespmem:s22], [sflag:$0x3], $0x98, s12, s29, $0xb8;
	[tilespmem:$0x1FE40] =	vst v63  }
0xcb: {  	_ =	swait.ge [sflag:s23], $0x2F80  }
0xcc: {  	[sflag:s23] =	ssyncset.done $0x0  }
0xcd: {  	[sflag:s23] =	ssyncadd.s32 $0xFFFFD080  }
0xce: {  	_ =	swait.ge [sflag:s30], $0x2F80  }
0xcf: {  	[sflag:s30] =	ssyncset.done $0x0  }
.Ltmp4:
0xd0: {  	[sflag:s30] =	ssyncadd.s32 $0xFFFFD080;
	(pc) =	sbr.rel @p0 .LBB2_8-.Ltmp4, $4  }
0xd1: {  	[spmem:s2] =	stream.indirect.scatter.add.f32 [tilespmem:s31], [sflag:$0x3], $0x98, s13, s29, $0xb8;
	[tilespmem:$0x1FE40] =	vst v63  }
0xd2: {  	_ =	swait.ge [sflag:s23], $0x2F80  }
0xd3: {  	[sflag:s23] =	ssyncset.done $0x0  }
0xd4: {  	[sflag:s23] =	ssyncadd.s32 $0xFFFFD080  }
0xd5: {  	_ =	swait.ge [sflag:s24], $0xA00  }
.Ltmp5:
0xd6: {  	[sflag:s24] =	ssyncset.done $0x0;
	(pc) =	sbr.rel .LBB2_2-.Ltmp5, $4  }
0xd7: {  	[sflag:s24] =	ssyncadd.s32 $0xFFFFF600  }
0xd8: {  	_ =	swait.ge [sflag:s24], $0xA00  }
0xd9: {  	[sflag:s24] =	ssyncset.done $0x0  }
0xda: {  	s15 =	sadd.s32 $0x1, s15;
	[sflag:s24] =	ssyncadd.s32 $0xFFFFF600  }
.LBB2_9:
0xdb: {  	_ =	sfence.sel $0x180000  }
0xdc: {  	[bflag:$0x0] =	sbarrier.arrive $0xFFFF  }
0xdd: {  	_ =	strace $0x9000004A  }
0xde: {  	s0 =	stileid.u32;
	[bflag:$0x2] =	sbarrier.arrive $0xFFFF  }
0xdf: {  	p0 =	sne.s32 s0, $0x0;
	s0 =	rddreg [dreg:$0x3]  }
0xe0: {  	s0 =	sadd.s32 @!p0 $0x100000, s0  }
0xe1: {  	[sflag:s0] =	ssyncadd.tile.s32 @!p0 $0x1;
	_ =	shalt  }
.Lfunc_end2:
_tile_overlayer_lowered:
.L_overlay_start_2:
0xe2: {  	(tag) =	ssettag $0x2  }
0xe3: {  	s0 =	rddreg [dreg:$0x0];
	s2 =	stileid.u32  }
0xe4: {  	s1 =	rddreg [dreg:$0x1];
	p0 =	sne.s32 s2, $0x0  }
0xe5: {  	s3 =	rddreg [dreg:$0x2];
	[bflag:$0x3] =	sbarrier.arrive $0xFFFF;
	s2 =	simm.s32 @!p0 $0x1C03  }
0xe6: {  	[timem:s3], [sflag:s2] =	dma.local @!p0 [hbm:s0], s1  }
0xe7: {  	s0 =	simm.s32 @!p0 $0x3  }
0xe8: {  	_ =	swait.ge @!p0 [sflag:s0], s1  }
0xe9: {  	s1 =	ssub.s32 @!p0 $0x0, s1;
	[sflag:s0] =	ssyncset.done @!p0 $0x0  }
0xea: {  	[sflag:s0] =	ssyncadd.s32 @!p0 s1  }
0xeb: {  	[bflag:$0x3] =	sbarrier.arrive $0xFFFF  }
0xec: {  	_ =	shalt  }

// kernel: kernel.15.cloned.1.call-start
scs
__scs_entry_jumppad:
0x0: {  	(pc) =	sbr.rel $0x88, $3  }
0x1: {  	(tag) =	ssettag $0x0;
	lr =	simm.s32 $0x1  }
0x2: {  	[smem:$0x3F9B] =	sst lr;
	_ =	strace $0xD0000000  }
0x3: {  	_ = 	snop  }
0x4: {  	_ = 	snop  }
0x5: {  	_ = 	snop  }
0x6: {  	_ = 	snop  }
0x7: {  	_ = 	snop  }
__scs_overlays_trampoline_lowered:
0x8: {  	[smem:$0x3FAA] =	sst s0  }
0x9: {  	[smem:$0x3FAB] =	sst s1  }
0xa: {  	[smem:$0x3FAC] =	sst s2  }
0xb: {  	[smem:$0x3FAD] =	sst s3  }
0xc: {  	[smem:$0x3FAE] =	sst s4  }
0xd: {  	[smem:$0x3FAF] =	sst s5  }
0xe: {  	[smem:$0x3FB0] =	sst s6  }
0xf: {  	[smem:$0x3FB1] =	sst s7  }
0x10: {  	[smem:$0x3FB2] =	sst s8  }
0x11: {  	[smem:$0x3FB3] =	sst s9;
	s0 =	simm.s32 @!p0 $0x0  }
0x12: {  	s1 =	sld [smem:$0x3F99];
	s0 =	simm.s32 @p0 $0x1  }
0x13: {  	[smem:$0x3FB4] =	sst s0;
	s0 =	simm.s32 @!p1 $0x0  }
0x14: {  	s2 =	sld [smem:$0x3F98];
	s0 =	simm.s32 @p1 $0x1  }
0x15: {  	[smem:$0x3FB5] =	sst s0;
	s0 =	simm.s32 @!p2 $0x0  }
0x16: {  	s3 =	sld [smem:$0x3FDB];
	s0 =	simm.s32 @p2 $0x1  }
0x17: {  	s4 =	simm.s32 $0x1BF5;
	[smem:$0x3FB7] =	sst s0  }
0x18: {  	s0 =	sld [smem:$0x3F9A];
	_ =	swait.ge [sflag:s4], $0x0  }
0x19: {  	s7 =	sld [smem:$0x3F9B]  }
0x1a: {  	s8 =	sadd.s32 $0xFFFFE003, lr  }
0x1b: {  	s9 =	sadd.s32 $0xFFFFFEF7, lr;
	s5 =	simm.s32 $0xFFFFFFFF;
	p2 =	slt.u32 s8, $0xFFFFF086  }
0x1c: {  	p1 =	slt.u32 s9, $0xF7A;
	s5 =	simm.s32 @!p2 $0x0  }
0x1d: {  	s5 =	simm.s32 @p1 $0x1;
	p0 =	seq.s32 s7, s2  }
0x1e: {  	s7 =	smul.u32 @!p0 $0xF7A, s2;
	p2 =	seq.s32 @!p0 s5, $0x0  }
0x1f: {  	s9 =	smul.u32 $0xF7A, s1;
	s8 =	simm.s32 @!p0 $0x1BF5;
	p2 =	por !p2, p0  }
0x20: {  	[sflag:s8] =	ssyncset.s32 @!p0 $0xFFFFF086;
	s6 =	sadd.s32 @!p0 s3, s7;
	s7 =	simm.s32 @!p0 $0x108  }
0x21: {  	s3 =	sadd.s32 s3, s9;
	s6 =	sadd.s32 @!p0 $0x88, s6;
	s7 =	simm.s32 @p2 $0x1082  }
0x22: {  	[simem:s7], [sflag:s8] =	dma.local @!p0 [hbm:s6], $0xF7A  }
0x23: {  	s9 =	sor.u32 $0xD0000000, s2;
	s6 =	simm.s32 $0x108;
	_ =	swait.ge @!p0 [sflag:s8], $0x0  }
0x24: {  	s3 =	sadd.s32 $0x88, s3;
	s6 =	simm.s32 @!p1 $0x1082;
	[sflag:s4] =	ssyncset.s32 $0xFFFFF086  }
0x25: {  	[simem:s6], [sflag:s4] =	dma.local [hbm:s3], $0xF7A  }
0x26: {  	[smem:$0x3F9B] =	sst s1;
	(tag) =	ssettag s2;
	_ =	strace s9  }
0x27: {  	s1 =	sld [smem:$0x3FAB]  }
0x28: {  	s2 =	sld [smem:$0x3FAC]  }
0x29: {  	s4 =	sld [smem:$0x3FAE]  }
0x2a: {  	p0 =	seq.s32 s5, $0x0;
	s5 =	sld [smem:$0x3FAF]  }
0x2b: {  	s6 =	sld [smem:$0x3FB0]  }
0x2c: {  	s7 =	sld [smem:$0x3FB1]  }
0x2d: {  	s3 =	simm.s32 $0x108;
	s8 =	sld [smem:$0x3FB2]  }
0x2e: {  	s3 =	simm.s32 @!p0 $0x1082;
	s9 =	sld [smem:$0x3FB3]  }
0x2f: {  	lr =	sadd.s32 s0, s3;
	s0 =	sld [smem:$0x3FAA]  }
0x30: {  	s3 =	sld [smem:$0x3FAD]  }
0x31: {  	[smem:$0x3FB6] =	sst s10  }
0x32: {  	s10 =	sld [smem:$0x3FB4];
	_ =	sdelay $0x3  }
0x33: {  	p0 =	seq.s32 s10, $0x1;
	s10 =	sld [smem:$0x3FB6];
	_ =	sdelay $0x3  }
0x34: {  	[smem:$0x3FB6] =	sst s10  }
0x35: {  	s10 =	sld [smem:$0x3FB5];
	_ =	sdelay $0x3  }
0x36: {  	p1 =	seq.s32 s10, $0x1;
	s10 =	sld [smem:$0x3FB6];
	_ =	sdelay $0x3  }
0x37: {  	[smem:$0x3FB6] =	sst s10  }
0x38: {  	s10 =	sld [smem:$0x3FB7]  }
0x39: {  	_ = 	snop;
	(pc) =	sbr.ind lr, $3  }
0x3a: {  	_ = 	snop  }
0x3b: {  	_ = 	snop  }
0x3c: {  	p2 =	seq.s32 s10, $0x1;
	s10 =	sld [smem:$0x3FB6]  }
0x3d: {  	_ =	shalt  }
0x3e: {  	_ =	shalt  }
0x3f: {  	_ =	shalt  }
0x40: {  	_ =	shalt  }
0x41: {  	_ =	shalt  }
0x42: {  	_ =	shalt  }
0x43: {  	_ =	shalt  }
0x44: {  	_ =	shalt  }
0x45: {  	_ =	shalt  }
0x46: {  	_ =	shalt  }
0x47: {  	_ =	shalt  }
0x48: {  	_ =	shalt  }
0x49: {  	_ =	shalt  }
0x4a: {  	_ =	shalt  }
0x4b: {  	_ =	shalt  }
0x4c: {  	_ =	shalt  }
0x4d: {  	_ =	shalt  }
0x4e: {  	_ =	shalt  }
0x4f: {  	_ =	shalt  }
0x50: {  	_ =	shalt  }
0x51: {  	_ =	shalt  }
0x52: {  	_ =	shalt  }
0x53: {  	_ =	shalt  }
0x54: {  	_ =	shalt  }
0x55: {  	_ =	shalt  }
0x56: {  	_ =	shalt  }
0x57: {  	_ =	shalt  }
0x58: {  	_ =	shalt  }
0x59: {  	_ =	shalt  }
0x5a: {  	_ =	shalt  }
0x5b: {  	_ =	shalt  }
0x5c: {  	_ =	shalt  }
0x5d: {  	_ =	shalt  }
0x5e: {  	_ =	shalt  }
0x5f: {  	_ =	shalt  }
0x60: {  	_ =	shalt  }
0x61: {  	_ =	shalt  }
0x62: {  	_ =	shalt  }
0x63: {  	_ =	shalt  }
0x64: {  	_ =	shalt  }
0x65: {  	_ =	shalt  }
0x66: {  	_ =	shalt  }
0x67: {  	_ =	shalt  }
0x68: {  	_ =	shalt  }
0x69: {  	_ =	shalt  }
0x6a: {  	_ =	shalt  }
0x6b: {  	_ =	shalt  }
0x6c: {  	_ =	shalt  }
0x6d: {  	_ =	shalt  }
0x6e: {  	_ =	shalt  }
0x6f: {  	_ =	shalt  }
0x70: {  	_ =	shalt  }
0x71: {  	_ =	shalt  }
0x72: {  	_ =	shalt  }
0x73: {  	_ =	shalt  }
0x74: {  	_ =	shalt  }
0x75: {  	_ =	shalt  }
0x76: {  	_ =	shalt  }
0x77: {  	_ =	shalt  }
0x78: {  	_ =	shalt  }
0x79: {  	_ =	shalt  }
0x7a: {  	_ =	shalt  }
0x7b: {  	_ =	shalt  }
0x7c: {  	_ =	shalt  }
0x7d: {  	_ =	shalt  }
0x7e: {  	_ =	shalt  }
0x7f: {  	_ =	shalt  }
0x80: {  	_ =	shalt  }
0x81: {  	_ =	shalt  }
0x82: {  	_ =	shalt  }
0x83: {  	_ =	shalt  }
0x84: {  	_ =	shalt  }
0x85: {  	_ =	shalt  }
0x86: {  	_ =	shalt  }
0x87: {  	_ =	shalt  }
.Lfunc_end0:
.L_simem_size_0:
called_computation.2_lowered:
.L_overlay_start_0:
0x88: {  	s2 =	sld [smem:$0x3FD9]  }
0x89: {  	s3 =	sld [smem:$0x3FFE];
	_ =	sdelay $0x1  }
0x8a: {  	s1 =	srdreg.scid  }
0x8b: {  	s0 =	sand.u32 $0x1, s1  }
0x8c: {  	s17 =	sshll.u32 s0, $0xA;
	s2 =	sadd.s32 s3, s2  }
0x8d: {  	s2 =	sadd.s32 s2, s17  }
0x8e: {  	[smem:$0x3FC2] =	sst s2  }
0x8f: {  	_ = 	snop  }
0x90: {  	s2 =	sld [smem:$0x3FD0];
	(tm) =	ssettm $0x1  }
0x91: {  	s18 =	sld [smem:$0x3FFB];
	_ =	sdelay $0x3  }
0x92: {  	_ =	strace s18  }
0x93: {  	s3 =	sld [smem:$0x3FFC];
	_ =	sdelay $0x3  }
0x94: {  	_ =	strace s3  }
0x95: {  	s3 =	sld [smem:$0x3FFD];
	_ =	sdelay $0x3  }
0x96: {  	_ =	strace s3  }
0x97: {  	_ =	strace $0x8FFFFFFF  }
0x98: {  	s19 =	sld [smem:$0x3FDB];
	_ =	sdelay $0x1  }
0x99: {  	s4 =	simm.s32 $_scs_section_size  }
0x9a: {  	s5 =	simm.s32 $_size__tile_overlayer_lowered;
	s6 =	simm.s32 $_tile_overlayer_lowered  }
0x9b: {  	s22 =	simm.s32 $0x1BFF;
	s21 =	sshll.u32 s6, $0x1;
	s3 =	sadd.s32 s4, s19  }
0x9c: {  	s7 =	simm.s32 $0x0;
	s20 =	sshll.u32 s5, $0x1;
	s5 =	sadd.s32 s21, s3  }
0x9d: {  	[timem:s7], [sflag:s22] =	dma.local [hbm:s5], s20  }
0x9e: {  	_ =	swait.ge [sflag:s22], s20  }
0x9f: {  	s4 =	ssub.s32 $0x0, s20;
	[sflag:s22] =	ssyncset.done $0x0  }
0xa0: {  	[sflag:s22] =	ssyncadd.s32 s4;
	_ =	sdelay $0x1  }
0xa1: {  	s23 =	simm.s32 $0x1B8B  }
0xa2: {  	_ =	swait.ge [sflag:s23], $0x1  }
0xa3: {  	[sflag:s23] =	ssyncset.done $0x0  }
0xa4: {  	s25 =	simm.s32 $0x1B8E;
	s24 =	sld [smem:$0x3FFE];
	[sflag:s23] =	ssyncadd.s32 $0xFFFFFFFF  }
0xa5: {  	s26 =	simm.s32 $execute0_lowered;
	[smem:$0x3FD2] =	sst s25  }
0xa6: {  	s5 =	sshll.u32 s26, $0x1;
	_ =	strace $0x8000004C;
	[dreg:$0x1] =	wrdreg $0xFFFFFFFF  }
0xa7: {  	s28 =	simm.s32 $_size_execute0_lowered;
	s3 =	sadd.s32 s3, s5;
	[dreg:$0x0] =	wrdreg $0x0  }
0xa8: {  	s5 =	sshll.u32 s28, $0x1;
	[dreg:$0x2] =	wrdreg s3  }
0xa9: {  	[dreg:$0x3] =	wrdreg s5  }
0xaa: {  	[dreg:$0x4] =	wrdreg $0xC0  }
0xab: {  	_ =	task [dreg:s7], $0x5FFFF  }
0xac: {  	[dreg:$0x1] =	wrdreg $0xFFFFFFFF  }
0xad: {  	[dreg:$0x0] =	wrdreg $0x60  }
0xae: {  	[dreg:$0x2] =	wrdreg s2  }
0xaf: {  	[dreg:$0x3] =	wrdreg s24  }
0xb0: {  	[dreg:$0x4] =	wrdreg $0xE0000  }
0xb1: {  	[dreg:$0x5] =	wrdreg $0x9  }
0xb2: {  	_ =	task.clear_ibuf [dreg:s7], $0x6FFFF;
	_ =	strace $0x9000004C  }
0xb3: {  	s29 =	simm.s32 $0x9;
	_ =	strace $0x8000004E  }
0xb4: {  	_ =	swait.ge [sflag:s29], $0x1  }
0xb5: {  	[sflag:s29] =	ssyncadd.s32 $0xFFFFFFFF  }
0xb6: {  	_ =	strace $0x9000004E  }
0xb7: {  	_ =	sfence  }
0xb8: {  	s30 =	sld [smem:$0x0];
	_ =	sdelay $0x2  }
0xb9: {  	s31 =	sshll.u32 s1, $0xD;
	s1 =	sshrl.u32 s1, $0x2  }
0xba: {  	s3 =	sand.u32 $0x4000, s31;
	s1 =	sadd.s32 s1, s30  }
0xbb: {  	s0 =	sor.u32 s3, s0;
	s1 =	sshll.u32 s1, $0x11  }
0xbc: {  	s0 =	sor.u32 s1, s0  }
0xbd: {  	s0 =	sadd.s32 $0x8F2B, s0  }
0xbe: {  	[sflag:s0] =	ssyncadd.remote.s32 $0x1  }
0xbf: {  	_ =	sfence.sel $0xFFFF  }
0xc0: {  	[dreg:$0x0] =	wrdreg $0xFFFFFFFF;
	(pc) =	sbr.abs _section_cstart, $3  }
0xc1: {  	[dreg:$0x1] =	wrdreg $0xFFFFFFFF  }
0xc2: {  	_ =	task.clear_ibuf [dreg:s7], $0x2FFFF;
	_ =	strace $0x9FFFFFFF  }
0xc3: {  	(tm) =	ssettm $0x7FFFFFFF  }
tec
execute0_lowered:
.L_overlay_start_1:
0x0: {  	(tag) =	ssettag $0x1  }
0x1: {  	s0 =	rddreg [dreg:$0x0]  }
0x2: {  	s1 =	rddreg [dreg:$0x1]  }
0x3: {  	s2 =	srdreg.scid;
	s3 =	rddreg [dreg:$0x2]  }
0x4: {  	s8 =	stileid.u32;
	s4 =	simm.s32 $0x0;
	s17 =	simm.s32 $0xA000  }
0x5: {  	s18 =	simm.s32 $0x3;
	s20 =	simm.s32 $0x5000;
	s6 =	smul.u32 $0x5000, s8  }
0x6: {  	s22 =	simm.s32 $0x80;
	s23 =	simm.s32 $0x1;
	s13 =	smul.u32 $0x9E00, s8  }
0x7: {  	s29 =	simm.s32 $0x4F80;
	s2 =	sand.u32 $0x1, s2;
	s8 =	smul.u32 $0x27800, s8  }
0x8: {  	s30 =	simm.s32 $0x2;
	s31 =	simm.s32 $0x7780;
	s5 =	smul.u32 $0x50000, s2  }
0x9: {  	s19 =	simm.s32 $0x0;
	[smem:$0x7FF] =	sst s4;
	s7 =	smul.u32 $0x9E000, s2  }
0xa: {  	_ =	strace $0x8000004D;
	s2 =	ssub.s32 $0x2, s2;
	s25 =	sshrl.u32 s8, $0x2  }
0xb: {  	s9 =	sshrl.u32 s2, $0x1;
	s28 =	sadd.s32 s13, s3;
	s5 =	sadd.s32 s6, s5  }
0xc: {  	s6 =	sshrl.u32 s6, $0x3;
	s24 =	sadd.s32 s13, s7;
	s2 =	ssub.s32 s2, s9  }
0xd: {  	s5 =	sshrl.u32 s5, $0x3;
	s11 =	sadd.s32 s6, s1;
	s26 =	sshrl.u32 s24, $0x3  }
0xe: {  	s6 =	sadd.s32 s25, s3;
	s13 =	smax.u32 s2, $0x1;
	s24 =	simm.s32 $0xC000  }
0xf: {  	s25 =	sshrl.u32 s28, $0x3;
	s2 =	simm.s32 $0x9F80;
	s10 =	sadd.s32 s5, s1  }
0x10: {  	s5 =	sadd.s32 $0xBE400, s1;
	s1 =	sadd.s32 s26, s1;
	s7 =	sadd.s32 $0x8000, s6  }
0x11: {  	s9 =	sadd.s32 $0x16200, s11;
	s11 =	sadd.s32 $0x16700, s11;
	s14 =	sadd.s32 $0x2000, s6  }
0x12: {  	s15 =	sadd.s32 $0x4000, s6;
	s16 =	sadd.s32 $0x6000, s6;
	s8 =	sadd.s32 $0x2200, s10  }
0x13: {  	s10 =	sadd.s32 $0x2700, s10;
	s12 =	sadd.s32 $0xBE800, s1;
	s1 =	simm.s32 $0x9F00  }
.LBB2_1:
0x14: {  	[tilespmem:s17], [sflag:$0x3] =	stream.linear.gather [hbm4b:s5+s4], $0x2000, $0x38;
	[tilespmem:$0x17E00] =	vst v63  }
0x15: {  	_ =	swait.ge [sflag:s18], $0x2000  }
0x16: {  	[sflag:s18] =	ssyncset.done $0x0  }
0x17: {  	[sflag:s18] =	ssyncadd.s32 $0xFFFFE000  }
0x18: {  	[spmem:s6] =	stream.linear.scatter [tilespmem:s17], [sflag:$0x3], $0x2000, $0x38;
	[tilespmem:$0x17E00] =	vst v63  }
0x19: {  	_ =	swait.ge [sflag:s18], $0x2000  }
0x1a: {  	[sflag:s18] =	ssyncset.done $0x0  }
0x1b: {  	[sflag:s18] =	ssyncadd.s32 $0xFFFFE000  }
0x1c: {  	[spmem:s14] =	stream.linear.scatter [tilespmem:s17], [sflag:$0x3], $0x2000, $0x38;
	[tilespmem:$0x17E00] =	vst v63  }
0x1d: {  	_ =	swait.ge [sflag:s18], $0x2000  }
0x1e: {  	[sflag:s18] =	ssyncset.done $0x0  }
0x1f: {  	[sflag:s18] =	ssyncadd.s32 $0xFFFFE000  }
0x20: {  	[spmem:s15] =	stream.linear.scatter [tilespmem:s17], [sflag:$0x3], $0x2000, $0x38;
	[tilespmem:$0x17E00] =	vst v63  }
0x21: {  	_ =	swait.ge [sflag:s18], $0x2000  }
0x22: {  	[sflag:s18] =	ssyncset.done $0x0  }
0x23: {  	[sflag:s18] =	ssyncadd.s32 $0xFFFFE000  }
0x24: {  	[spmem:s16] =	stream.linear.scatter [tilespmem:s17], [sflag:$0x3], $0x2000, $0x38;
	[tilespmem:$0x17E00] =	vst v63  }
0x25: {  	_ =	swait.ge [sflag:s18], $0x2000  }
0x26: {  	[sflag:s18] =	ssyncset.done $0x0  }
0x27: {  	[sflag:s18] =	ssyncadd.s32 $0xFFFFE000  }
0x28: {  	[spmem:s7] =	stream.linear.scatter [tilespmem:s17], [sflag:$0x3], $0x1E00, $0x38;
	[tilespmem:$0x17E00] =	vst v63  }
0x29: {  	_ =	swait.ge [sflag:s18], $0x1E00  }
0x2a: {  	[sflag:s18] =	ssyncset.done $0x0  }
0x2b: {  	[sflag:s18] =	ssyncadd.s32 $0xFFFFE200  }
0x2c: {  	[bflag:$0x0] =	sbarrier.arrive $0xFFFF  }
0x2d: {  	[tilespmem:s4], [sflag:$0x3] =	stream.linear.gather [hbm4b:s8+s4], $0x2800, $0x38;
	[tilespmem:$0x17E00] =	vst v63  }
0x2e: {  	_ =	swait.ge [sflag:s18], $0x2800  }
0x2f: {  	[sflag:s18] =	ssyncset.done $0x0  }
0x30: {  	s21 =	simm.s32 $0x2800;
	[sflag:s18] =	ssyncadd.s32 $0xFFFFD800  }
0x31: {  	[tilespmem:s21], [sflag:$0x3] =	stream.linear.gather [hbm4b:s9+s4], $0x2800, $0x38;
	[tilespmem:$0x17E00] =	vst v63  }
0x32: {  	_ =	swait.ge [sflag:s18], $0x2800  }
0x33: {  	[sflag:s18] =	ssyncset.done $0x0  }
0x34: {  	[sflag:s18] =	ssyncadd.s32 $0xFFFFD800  }
0x35: {  	[tilespmem:s20], [sflag:$0x2] =	stream.linear.gather [hbm4b:s10+s4], $0x2800, $0x38;
	[tilespmem:$0x17E00] =	vst v63  }
0x36: {  	s28 =	simm.s32 $0x7800  }
0x37: {  	[tilespmem:s28], [sflag:$0x2] =	stream.linear.gather [hbm4b:s11+s4], $0x2800, $0x38;
	[tilespmem:$0x17E00] =	vst v63  }
0x38: {  	_ = 	snop  }
0x39: {  	[tilespmem:s17], [sflag:$0x1] =	stream.indirect.gather [hbm4b:s0+s22], $0x40, s4, s22, $0xb8;
	[tilespmem:$0x17E00] =	vst v63  }
0x3a: {  	_ =	swait.ge [sflag:s23], $0x2000  }
0x3b: {  	[sflag:s23] =	ssyncset.done $0x0  }
0x3c: {  	s26 =	simm.s32 $0x80;
	[sflag:s23] =	ssyncadd.s32 $0xFFFFE000  }
0x3d: {  	[tilespmem:s24], [sflag:$0x1] =	stream.indirect.gather [hbm4b:s0+s22], $0x40, s26, s22, $0xb8;
	[tilespmem:$0x17E00] =	vst v63  }
0x3e: {  	s28 =	simm.s32 $0x2800  }
0x3f: {  	[spmem:s3] =	stream.indirect.scatter.add.f32 [tilespmem:s17], [sflag:$0x3], $0x40, s28, s22, $0xb8;
	[tilespmem:$0x17E00] =	vst v63  }
0x40: {  	_ =	swait.ge [sflag:s18], $0x2000  }
0x41: {  	[sflag:s18] =	ssyncset.done $0x0  }
0x42: {  	[sflag:s18] =	ssyncadd.s32 $0xFFFFE000  }
0x43: {  	_ =	swait.ge [sflag:s23], $0x2000  }
0x44: {  	[sflag:s23] =	ssyncset.done $0x0  }
0x45: {  	s26 =	simm.s32 $0x100;
	[sflag:s23] =	ssyncadd.s32 $0xFFFFE000  }
0x46: {  	[tilespmem:s17], [sflag:$0x1] =	stream.indirect.gather [hbm4b:s0+s22], $0x40, s26, s22, $0xb8;
	[tilespmem:$0x17E00] =	vst v63  }
0x47: {  	s28 =	simm.s32 $0x2880  }
0x48: {  	[spmem:s3] =	stream.indirect.scatter.add.f32 [tilespmem:s24], [sflag:$0x3], $0x40, s28, s22, $0xb8;
	[tilespmem:$0x17E00] =	vst v63  }
0x49: {  	_ =	swait.ge [sflag:s18], $0x2000  }
0x4a: {  	s21 =	simm.s32 $0x400;
	[sflag:s18] =	ssyncset.done $0x0  }
.LBB2_2:
0x4b: {  	p0 =	sne.s32 s21, $0x9800  }
0x4c: {  	[sflag:s18] =	ssyncadd.s32 $0xFFFFE000;
	s26 =	smov.u32 s21;
	s21 =	sadd.s32 $0x400, s21  }
0x4d: {  	_ = 	snop  }
0x4e: {  	_ =	swait.ge [sflag:s23], $0x2000  }
0x4f: {  	s26 =	sshra.s32 s26, $0x2;
	[sflag:s23] =	ssyncset.done $0x0  }
0x50: {  	s28 =	sadd.s32 $0x80, s26;
	[sflag:s23] =	ssyncadd.s32 $0xFFFFE000  }
0x51: {  	[tilespmem:s24], [sflag:$0x1] =	stream.indirect.gather [hbm4b:s0+s22], $0x40, s28, s22, $0xb8;
	[tilespmem:$0x17E00] =	vst v63  }
0x52: {  	s28 =	sadd.s32 $0x2800, s26  }
0x53: {  	[spmem:s3] =	stream.indirect.scatter.add.f32 [tilespmem:s17], [sflag:$0x3], $0x40, s28, s22, $0xb8;
	[tilespmem:$0x17E00] =	vst v63  }
0x54: {  	_ =	swait.ge [sflag:s18], $0x2000  }
0x55: {  	[sflag:s18] =	ssyncset.done $0x0  }
0x56: {  	[sflag:s18] =	ssyncadd.s32 $0xFFFFE000  }
0x57: {  	_ =	swait.ge [sflag:s23], $0x2000  }
0x58: {  	[sflag:s23] =	ssyncset.done $0x0  }
0x59: {  	s28 =	sadd.s32 $0x100, s26;
	[sflag:s23] =	ssyncadd.s32 $0xFFFFE000  }
0x5a: {  	[tilespmem:s17], [sflag:$0x1] =	stream.indirect.gather [hbm4b:s0+s22], $0x40, s28, s22, $0xb8;
	[tilespmem:$0x17E00] =	vst v63  }
.Ltmp0:
0x5b: {  	_ = 	snop;
	(pc) =	sbr.rel @p0 .LBB2_2-.Ltmp0, $4  }
0x5c: {  	s26 =	sadd.s32 $0x2880, s26  }
0x5d: {  	[spmem:s3] =	stream.indirect.scatter.add.f32 [tilespmem:s24], [sflag:$0x3], $0x40, s26, s22, $0xb8;
	[tilespmem:$0x17E00] =	vst v63  }
0x5e: {  	_ =	swait.ge [sflag:s18], $0x2000  }
0x5f: {  	[sflag:s18] =	ssyncset.done $0x0  }
0x60: {  	[sflag:s18] =	ssyncadd.s32 $0xFFFFE000  }
0x61: {  	_ =	swait.ge [sflag:s23], $0x2000  }
0x62: {  	[sflag:s23] =	ssyncset.done $0x0  }
0x63: {  	s21 =	simm.s32 $0x2780;
	[sflag:s23] =	ssyncadd.s32 $0xFFFFE000  }
0x64: {  	[tilespmem:s24], [sflag:$0x1] =	stream.indirect.gather [hbm4b:s0+s22], $0x40, s21, s22, $0xb8;
	[tilespmem:$0x17E00] =	vst v63  }
0x65: {  	s28 =	simm.s32 $0x4F00  }
0x66: {  	[spmem:s3] =	stream.indirect.scatter.add.f32 [tilespmem:s17], [sflag:$0x3], $0x40, s28, s22, $0xb8;
	[tilespmem:$0x17E00] =	vst v63  }
0x67: {  	_ =	swait.ge [sflag:s18], $0x2000  }
0x68: {  	[sflag:s18] =	ssyncset.done $0x0  }
0x69: {  	[sflag:s18] =	ssyncadd.s32 $0xFFFFE000  }
0x6a: {  	_ =	swait.ge [sflag:s23], $0x2000  }
0x6b: {  	[sflag:s23] =	ssyncset.done $0x0  }
0x6c: {  	[sflag:s23] =	ssyncadd.s32 $0xFFFFE000  }
0x6d: {  	[spmem:s3] =	stream.indirect.scatter.add.f32 [tilespmem:s24], [sflag:$0x3], $0x40, s29, s22, $0xb8;
	[tilespmem:$0x17E00] =	vst v63  }
0x6e: {  	_ =	swait.ge [sflag:s18], $0x2000  }
0x6f: {  	[sflag:s18] =	ssyncset.done $0x0  }
0x70: {  	[sflag:s18] =	ssyncadd.s32 $0xFFFFE000  }
0x71: {  	_ =	swait.ge [sflag:s30], $0x2800  }
0x72: {  	[sflag:s30] =	ssyncset.done $0x0  }
0x73: {  	[sflag:s30] =	ssyncadd.s32 $0xFFFFD800  }
0x74: {  	_ =	swait.ge [sflag:s30], $0x2800  }
0x75: {  	[sflag:s30] =	ssyncset.done $0x0  }
0x76: {  	[sflag:s30] =	ssyncadd.s32 $0xFFFFD800  }
0x77: {  	[tilespmem:s17], [sflag:$0x1] =	stream.indirect.gather [hbm4b:s0+s22], $0x40, s20, s22, $0xb8;
	[tilespmem:$0x17E00] =	vst v63  }
0x78: {  	_ =	swait.ge [sflag:s23], $0x2000  }
0x79: {  	[sflag:s23] =	ssyncset.done $0x0  }
0x7a: {  	s26 =	simm.s32 $0x5080;
	[sflag:s23] =	ssyncadd.s32 $0xFFFFE000  }
0x7b: {  	[tilespmem:s24], [sflag:$0x1] =	stream.indirect.gather [hbm4b:s0+s22], $0x40, s26, s22, $0xb8;
	[tilespmem:$0x17E00] =	vst v63  }
0x7c: {  	s28 =	simm.s32 $0x7800  }
0x7d: {  	[spmem:s3] =	stream.indirect.scatter.add.f32 [tilespmem:s17], [sflag:$0x3], $0x40, s28, s22, $0xb8;
	[tilespmem:$0x17E00] =	vst v63  }
0x7e: {  	_ =	swait.ge [sflag:s18], $0x2000  }
0x7f: {  	[sflag:s18] =	ssyncset.done $0x0  }
0x80: {  	[sflag:s18] =	ssyncadd.s32 $0xFFFFE000  }
0x81: {  	_ =	swait.ge [sflag:s23], $0x2000  }
0x82: {  	[sflag:s23] =	ssyncset.done $0x0  }
0x83: {  	s26 =	simm.s32 $0x5100;
	[sflag:s23] =	ssyncadd.s32 $0xFFFFE000  }
0x84: {  	[tilespmem:s17], [sflag:$0x1] =	stream.indirect.gather [hbm4b:s0+s22], $0x40, s26, s22, $0xb8;
	[tilespmem:$0x17E00] =	vst v63  }
0x85: {  	s28 =	simm.s32 $0x7880  }
0x86: {  	[spmem:s3] =	stream.indirect.scatter.add.f32 [tilespmem:s24], [sflag:$0x3], $0x40, s28, s22, $0xb8;
	[tilespmem:$0x17E00] =	vst v63  }
0x87: {  	_ =	swait.ge [sflag:s18], $0x2000  }
0x88: {  	s21 =	simm.s32 $0x400;
	[sflag:s18] =	ssyncset.done $0x0  }
.LBB2_4:
0x89: {  	p0 =	sne.s32 s21, $0x9800  }
0x8a: {  	[sflag:s18] =	ssyncadd.s32 $0xFFFFE000;
	s26 =	smov.u32 s21;
	s21 =	sadd.s32 $0x400, s21  }
0x8b: {  	_ = 	snop  }
0x8c: {  	_ =	swait.ge [sflag:s23], $0x2000  }
0x8d: {  	s26 =	sshra.s32 s26, $0x2;
	[sflag:s23] =	ssyncset.done $0x0  }
0x8e: {  	s28 =	sadd.s32 $0x5080, s26;
	[sflag:s23] =	ssyncadd.s32 $0xFFFFE000  }
0x8f: {  	[tilespmem:s24], [sflag:$0x1] =	stream.indirect.gather [hbm4b:s0+s22], $0x40, s28, s22, $0xb8;
	[tilespmem:$0x17E00] =	vst v63  }
0x90: {  	s28 =	sadd.s32 $0x7800, s26  }
0x91: {  	[spmem:s3] =	stream.indirect.scatter.add.f32 [tilespmem:s17], [sflag:$0x3], $0x40, s28, s22, $0xb8;
	[tilespmem:$0x17E00] =	vst v63  }
0x92: {  	_ =	swait.ge [sflag:s18], $0x2000  }
0x93: {  	[sflag:s18] =	ssyncset.done $0x0  }
0x94: {  	[sflag:s18] =	ssyncadd.s32 $0xFFFFE000  }
0x95: {  	_ =	swait.ge [sflag:s23], $0x2000  }
0x96: {  	[sflag:s23] =	ssyncset.done $0x0  }
0x97: {  	s28 =	sadd.s32 $0x5100, s26;
	[sflag:s23] =	ssyncadd.s32 $0xFFFFE000  }
0x98: {  	[tilespmem:s17], [sflag:$0x1] =	stream.indirect.gather [hbm4b:s0+s22], $0x40, s28, s22, $0xb8;
	[tilespmem:$0x17E00] =	vst v63  }
.Ltmp1:
0x99: {  	_ = 	snop;
	(pc) =	sbr.rel @p0 .LBB2_4-.Ltmp1, $4  }
0x9a: {  	s26 =	sadd.s32 $0x7880, s26  }
0x9b: {  	[spmem:s3] =	stream.indirect.scatter.add.f32 [tilespmem:s24], [sflag:$0x3], $0x40, s26, s22, $0xb8;
	[tilespmem:$0x17E00] =	vst v63  }
0x9c: {  	_ =	swait.ge [sflag:s18], $0x2000  }
0x9d: {  	[sflag:s18] =	ssyncset.done $0x0  }
0x9e: {  	[sflag:s18] =	ssyncadd.s32 $0xFFFFE000  }
0x9f: {  	_ =	swait.ge [sflag:s23], $0x2000  }
0xa0: {  	[sflag:s23] =	ssyncset.done $0x0  }
0xa1: {  	[sflag:s23] =	ssyncadd.s32 $0xFFFFE000  }
0xa2: {  	[tilespmem:s24], [sflag:$0x1] =	stream.indirect.gather [hbm4b:s0+s22], $0x40, s31, s22, $0xb8;
	[tilespmem:$0x17E00] =	vst v63  }
0xa3: {  	_ = 	snop  }
0xa4: {  	[spmem:s3] =	stream.indirect.scatter.add.f32 [tilespmem:s17], [sflag:$0x3], $0x40, s1, s22, $0xb8;
	[tilespmem:$0x17E00] =	vst v63  }
0xa5: {  	_ =	swait.ge [sflag:s18], $0x2000  }
0xa6: {  	[sflag:s18] =	ssyncset.done $0x0  }
0xa7: {  	[sflag:s18] =	ssyncadd.s32 $0xFFFFE000  }
0xa8: {  	_ =	swait.ge [sflag:s23], $0x2000  }
0xa9: {  	[sflag:s23] =	ssyncset.done $0x0  }
0xaa: {  	[sflag:s23] =	ssyncadd.s32 $0xFFFFE000  }
0xab: {  	[spmem:s3] =	stream.indirect.scatter.add.f32 [tilespmem:s24], [sflag:$0x3], $0x40, s2, s22, $0xb8;
	[tilespmem:$0x17E00] =	vst v63  }
0xac: {  	_ =	swait.ge [sflag:s18], $0x2000  }
0xad: {  	s21 =	stileid.u32;
	s19 =	sadd.s32 $0x1, s19;
	[sflag:s18] =	ssyncset.done $0x0  }
0xae: {  	s21 =	sshll.u32 s21, $0x6;
	p0 =	sne.s32 s19, s13;
	[sflag:s18] =	ssyncadd.s32 $0xFFFFE000  }
.Ltmp2:
0xaf: {  	s21 =	sor.u32 $0x1C03, s21;
	[bflag:$0x0] =	sbarrier.arrive $0xFFFF;
	(pc) =	sbr.rel @p0 .LBB2_1-.Ltmp2, $4  }
0xb0: {  	[hbm:s12], [sflag:s21] =	dma.local [spmem:s25], $0x13C0  }
0xb1: {  	_ =	swait.ge [sflag:s18], $0x13C0  }
0xb2: {  	[sflag:s18] =	ssyncset.done $0x0  }
0xb3: {  	[sflag:s18] =	ssyncadd.s32 $0xFFFFEC40  }
0xb4: {  	_ =	sfence.sel $0x180000  }
0xb5: {  	[bflag:$0x0] =	sbarrier.arrive $0xFFFF  }
0xb6: {  	_ =	strace $0x9000004D  }
0xb7: {  	s0 =	stileid.u32;
	[bflag:$0x2] =	sbarrier.arrive $0xFFFF  }
0xb8: {  	p0 =	sne.s32 s0, $0x0;
	s0 =	rddreg [dreg:$0x3]  }
0xb9: {  	s0 =	sadd.s32 @!p0 $0x100000, s0  }
0xba: {  	[sflag:s0] =	ssyncadd.tile.s32 @!p0 $0x1;
	_ =	shalt  }
.Lfunc_end2:
_tile_overlayer_lowered:
.L_overlay_start_2:
0xbb: {  	(tag) =	ssettag $0x2  }
0xbc: {  	s0 =	rddreg [dreg:$0x0];
	s2 =	stileid.u32  }
0xbd: {  	s1 =	rddreg [dreg:$0x1];
	p0 =	sne.s32 s2, $0x0  }
0xbe: {  	s3 =	rddreg [dreg:$0x2];
	[bflag:$0x3] =	sbarrier.arrive $0xFFFF;
	s2 =	simm.s32 @!p0 $0x1C03  }
0xbf: {  	[timem:s3], [sflag:s2] =	dma.local @!p0 [hbm:s0], s1  }
0xc0: {  	s0 =	simm.s32 @!p0 $0x3  }
0xc1: {  	_ =	swait.ge @!p0 [sflag:s0], s1  }
0xc2: {  	s1 =	ssub.s32 @!p0 $0x0, s1;
	[sflag:s0] =	ssyncset.done @!p0 $0x0  }
0xc3: {  	[sflag:s0] =	ssyncadd.s32 @!p0 s1  }
0xc4: {  	[bflag:$0x3] =	sbarrier.arrive $0xFFFF  }
0xc5: {  	_ =	shalt  }

// kernel: kernel.9.cloned.1.call-start
scs
__scs_entry_jumppad:
0x0: {  	(pc) =	sbr.rel $0x88, $3  }
0x1: {  	(tag) =	ssettag $0x0;
	lr =	simm.s32 $0x1  }
0x2: {  	[smem:$0x3F9B] =	sst lr;
	_ =	strace $0xD0000000  }
0x3: {  	_ = 	snop  }
0x4: {  	_ = 	snop  }
0x5: {  	_ = 	snop  }
0x6: {  	_ = 	snop  }
0x7: {  	_ = 	snop  }
__scs_overlays_trampoline_lowered:
0x8: {  	[smem:$0x3FAA] =	sst s0  }
0x9: {  	[smem:$0x3FAB] =	sst s1  }
0xa: {  	[smem:$0x3FAC] =	sst s2  }
0xb: {  	[smem:$0x3FAD] =	sst s3  }
0xc: {  	[smem:$0x3FAE] =	sst s4  }
0xd: {  	[smem:$0x3FAF] =	sst s5  }
0xe: {  	[smem:$0x3FB0] =	sst s6  }
0xf: {  	[smem:$0x3FB1] =	sst s7  }
0x10: {  	[smem:$0x3FB2] =	sst s8  }
0x11: {  	[smem:$0x3FB3] =	sst s9;
	s0 =	simm.s32 @!p0 $0x0  }
0x12: {  	s1 =	sld [smem:$0x3F99];
	s0 =	simm.s32 @p0 $0x1  }
0x13: {  	[smem:$0x3FB4] =	sst s0;
	s0 =	simm.s32 @!p1 $0x0  }
0x14: {  	s2 =	sld [smem:$0x3F98];
	s0 =	simm.s32 @p1 $0x1  }
0x15: {  	[smem:$0x3FB5] =	sst s0;
	s0 =	simm.s32 @!p2 $0x0  }
0x16: {  	s3 =	sld [smem:$0x3FDB];
	s0 =	simm.s32 @p2 $0x1  }
0x17: {  	s4 =	simm.s32 $0x1BF5;
	[smem:$0x3FB7] =	sst s0  }
0x18: {  	s0 =	sld [smem:$0x3F9A];
	_ =	swait.ge [sflag:s4], $0x0  }
0x19: {  	s7 =	sld [smem:$0x3F9B]  }
0x1a: {  	s8 =	sadd.s32 $0xFFFFE003, lr  }
0x1b: {  	s9 =	sadd.s32 $0xFFFFFEF7, lr;
	s5 =	simm.s32 $0xFFFFFFFF;
	p2 =	slt.u32 s8, $0xFFFFF086  }
0x1c: {  	p1 =	slt.u32 s9, $0xF7A;
	s5 =	simm.s32 @!p2 $0x0  }
0x1d: {  	s5 =	simm.s32 @p1 $0x1;
	p0 =	seq.s32 s7, s2  }
0x1e: {  	s7 =	smul.u32 @!p0 $0xF7A, s2;
	p2 =	seq.s32 @!p0 s5, $0x0  }
0x1f: {  	s9 =	smul.u32 $0xF7A, s1;
	s8 =	simm.s32 @!p0 $0x1BF5;
	p2 =	por !p2, p0  }
0x20: {  	[sflag:s8] =	ssyncset.s32 @!p0 $0xFFFFF086;
	s6 =	sadd.s32 @!p0 s3, s7;
	s7 =	simm.s32 @!p0 $0x108  }
0x21: {  	s3 =	sadd.s32 s3, s9;
	s6 =	sadd.s32 @!p0 $0x88, s6;
	s7 =	simm.s32 @p2 $0x1082  }
0x22: {  	[simem:s7], [sflag:s8] =	dma.local @!p0 [hbm:s6], $0xF7A  }
0x23: {  	s9 =	sor.u32 $0xD0000000, s2;
	s6 =	simm.s32 $0x108;
	_ =	swait.ge @!p0 [sflag:s8], $0x0  }
0x24: {  	s3 =	sadd.s32 $0x88, s3;
	s6 =	simm.s32 @!p1 $0x1082;
	[sflag:s4] =	ssyncset.s32 $0xFFFFF086  }
0x25: {  	[simem:s6], [sflag:s4] =	dma.local [hbm:s3], $0xF7A  }
0x26: {  	[smem:$0x3F9B] =	sst s1;
	(tag) =	ssettag s2;
	_ =	strace s9  }
0x27: {  	s1 =	sld [smem:$0x3FAB]  }
0x28: {  	s2 =	sld [smem:$0x3FAC]  }
0x29: {  	s4 =	sld [smem:$0x3FAE]  }
0x2a: {  	p0 =	seq.s32 s5, $0x0;
	s5 =	sld [smem:$0x3FAF]  }
0x2b: {  	s6 =	sld [smem:$0x3FB0]  }
0x2c: {  	s7 =	sld [smem:$0x3FB1]  }
0x2d: {  	s3 =	simm.s32 $0x108;
	s8 =	sld [smem:$0x3FB2]  }
0x2e: {  	s3 =	simm.s32 @!p0 $0x1082;
	s9 =	sld [smem:$0x3FB3]  }
0x2f: {  	lr =	sadd.s32 s0, s3;
	s0 =	sld [smem:$0x3FAA]  }
0x30: {  	s3 =	sld [smem:$0x3FAD]  }
0x31: {  	[smem:$0x3FB6] =	sst s10  }
0x32: {  	s10 =	sld [smem:$0x3FB4];
	_ =	sdelay $0x3  }
0x33: {  	p0 =	seq.s32 s10, $0x1;
	s10 =	sld [smem:$0x3FB6];
	_ =	sdelay $0x3  }
0x34: {  	[smem:$0x3FB6] =	sst s10  }
0x35: {  	s10 =	sld [smem:$0x3FB5];
	_ =	sdelay $0x3  }
0x36: {  	p1 =	seq.s32 s10, $0x1;
	s10 =	sld [smem:$0x3FB6];
	_ =	sdelay $0x3  }
0x37: {  	[smem:$0x3FB6] =	sst s10  }
0x38: {  	s10 =	sld [smem:$0x3FB7]  }
0x39: {  	_ = 	snop;
	(pc) =	sbr.ind lr, $3  }
0x3a: {  	_ = 	snop  }
0x3b: {  	_ = 	snop  }
0x3c: {  	p2 =	seq.s32 s10, $0x1;
	s10 =	sld [smem:$0x3FB6]  }
0x3d: {  	_ =	shalt  }
0x3e: {  	_ =	shalt  }
0x3f: {  	_ =	shalt  }
0x40: {  	_ =	shalt  }
0x41: {  	_ =	shalt  }
0x42: {  	_ =	shalt  }
0x43: {  	_ =	shalt  }
0x44: {  	_ =	shalt  }
0x45: {  	_ =	shalt  }
0x46: {  	_ =	shalt  }
0x47: {  	_ =	shalt  }
0x48: {  	_ =	shalt  }
0x49: {  	_ =	shalt  }
0x4a: {  	_ =	shalt  }
0x4b: {  	_ =	shalt  }
0x4c: {  	_ =	shalt  }
0x4d: {  	_ =	shalt  }
0x4e: {  	_ =	shalt  }
0x4f: {  	_ =	shalt  }
0x50: {  	_ =	shalt  }
0x51: {  	_ =	shalt  }
0x52: {  	_ =	shalt  }
0x53: {  	_ =	shalt  }
0x54: {  	_ =	shalt  }
0x55: {  	_ =	shalt  }
0x56: {  	_ =	shalt  }
0x57: {  	_ =	shalt  }
0x58: {  	_ =	shalt  }
0x59: {  	_ =	shalt  }
0x5a: {  	_ =	shalt  }
0x5b: {  	_ =	shalt  }
0x5c: {  	_ =	shalt  }
0x5d: {  	_ =	shalt  }
0x5e: {  	_ =	shalt  }
0x5f: {  	_ =	shalt  }
0x60: {  	_ =	shalt  }
0x61: {  	_ =	shalt  }
0x62: {  	_ =	shalt  }
0x63: {  	_ =	shalt  }
0x64: {  	_ =	shalt  }
0x65: {  	_ =	shalt  }
0x66: {  	_ =	shalt  }
0x67: {  	_ =	shalt  }
0x68: {  	_ =	shalt  }
0x69: {  	_ =	shalt  }
0x6a: {  	_ =	shalt  }
0x6b: {  	_ =	shalt  }
0x6c: {  	_ =	shalt  }
0x6d: {  	_ =	shalt  }
0x6e: {  	_ =	shalt  }
0x6f: {  	_ =	shalt  }
0x70: {  	_ =	shalt  }
0x71: {  	_ =	shalt  }
0x72: {  	_ =	shalt  }
0x73: {  	_ =	shalt  }
0x74: {  	_ =	shalt  }
0x75: {  	_ =	shalt  }
0x76: {  	_ =	shalt  }
0x77: {  	_ =	shalt  }
0x78: {  	_ =	shalt  }
0x79: {  	_ =	shalt  }
0x7a: {  	_ =	shalt  }
0x7b: {  	_ =	shalt  }
0x7c: {  	_ =	shalt  }
0x7d: {  	_ =	shalt  }
0x7e: {  	_ =	shalt  }
0x7f: {  	_ =	shalt  }
0x80: {  	_ =	shalt  }
0x81: {  	_ =	shalt  }
0x82: {  	_ =	shalt  }
0x83: {  	_ =	shalt  }
0x84: {  	_ =	shalt  }
0x85: {  	_ =	shalt  }
0x86: {  	_ =	shalt  }
0x87: {  	_ =	shalt  }
.Lfunc_end0:
.L_simem_size_0:
called_computation_lowered:
.L_overlay_start_0:
0x88: {  	s2 =	sld [smem:$0x3FD9]  }
0x89: {  	s3 =	sld [smem:$0x3FFE];
	_ =	sdelay $0x1  }
0x8a: {  	s1 =	srdreg.scid  }
0x8b: {  	s0 =	sand.u32 $0x1, s1  }
0x8c: {  	s17 =	sshll.u32 s0, $0xA;
	s2 =	sadd.s32 s3, s2  }
0x8d: {  	s2 =	sadd.s32 s2, s17  }
0x8e: {  	[smem:$0x3FC2] =	sst s2  }
0x8f: {  	_ = 	snop  }
0x90: {  	s2 =	sld [smem:$0x3FD0];
	(tm) =	ssettm $0x1  }
0x91: {  	s18 =	sld [smem:$0x3FFB];
	_ =	sdelay $0x3  }
0x92: {  	_ =	strace s18  }
0x93: {  	s3 =	sld [smem:$0x3FFC];
	_ =	sdelay $0x3  }
0x94: {  	_ =	strace s3  }
0x95: {  	s3 =	sld [smem:$0x3FFD];
	_ =	sdelay $0x3  }
0x96: {  	_ =	strace s3  }
0x97: {  	_ =	strace $0x8FFFFFFF  }
0x98: {  	s19 =	sld [smem:$0x3FDB];
	_ =	sdelay $0x1  }
0x99: {  	s4 =	simm.s32 $_scs_section_size  }
0x9a: {  	s5 =	simm.s32 $_size__tile_overlayer_lowered;
	s6 =	simm.s32 $_tile_overlayer_lowered  }
0x9b: {  	s22 =	simm.s32 $0x1BFF;
	s21 =	sshll.u32 s6, $0x1;
	s3 =	sadd.s32 s4, s19  }
0x9c: {  	s7 =	simm.s32 $0x0;
	s20 =	sshll.u32 s5, $0x1;
	s5 =	sadd.s32 s21, s3  }
0x9d: {  	[timem:s7], [sflag:s22] =	dma.local [hbm:s5], s20  }
0x9e: {  	_ =	swait.ge [sflag:s22], s20  }
0x9f: {  	s4 =	ssub.s32 $0x0, s20;
	[sflag:s22] =	ssyncset.done $0x0  }
0xa0: {  	[sflag:s22] =	ssyncadd.s32 s4;
	_ =	sdelay $0x1  }
0xa1: {  	s23 =	simm.s32 $0x1B8B  }
0xa2: {  	_ =	swait.ge [sflag:s23], $0x1  }
0xa3: {  	[sflag:s23] =	ssyncset.done $0x0  }
0xa4: {  	s25 =	simm.s32 $0x1B8E;
	s24 =	sld [smem:$0x3FFE];
	[sflag:s23] =	ssyncadd.s32 $0xFFFFFFFF  }
0xa5: {  	s26 =	simm.s32 $execute0_lowered;
	[smem:$0x3FD2] =	sst s25  }
0xa6: {  	s5 =	sshll.u32 s26, $0x1;
	_ =	strace $0x80000046;
	[dreg:$0x1] =	wrdreg $0xFFFFFFFF  }
0xa7: {  	s28 =	simm.s32 $_size_execute0_lowered;
	s3 =	sadd.s32 s3, s5;
	[dreg:$0x0] =	wrdreg $0x0  }
0xa8: {  	s5 =	sshll.u32 s28, $0x1;
	[dreg:$0x2] =	wrdreg s3  }
0xa9: {  	[dreg:$0x3] =	wrdreg s5  }
0xaa: {  	[dreg:$0x4] =	wrdreg $0xC0  }
0xab: {  	_ =	task [dreg:s7], $0x5FFFF  }
0xac: {  	[dreg:$0x1] =	wrdreg $0xFFFFFFFF  }
0xad: {  	[dreg:$0x0] =	wrdreg $0x60  }
0xae: {  	[dreg:$0x2] =	wrdreg s2  }
0xaf: {  	[dreg:$0x3] =	wrdreg s24  }
0xb0: {  	[dreg:$0x4] =	wrdreg $0x2B000  }
0xb1: {  	[dreg:$0x5] =	wrdreg $0x9  }
0xb2: {  	_ =	task.clear_ibuf [dreg:s7], $0x6FFFF;
	_ =	strace $0x90000046  }
0xb3: {  	s29 =	simm.s32 $0x9;
	_ =	strace $0x80000048  }
0xb4: {  	_ =	swait.ge [sflag:s29], $0x1  }
0xb5: {  	[sflag:s29] =	ssyncadd.s32 $0xFFFFFFFF  }
0xb6: {  	_ =	strace $0x90000048  }
0xb7: {  	_ =	sfence  }
0xb8: {  	s30 =	sld [smem:$0x0];
	_ =	sdelay $0x2  }
0xb9: {  	s31 =	sshll.u32 s1, $0xD;
	s1 =	sshrl.u32 s1, $0x2  }
0xba: {  	s3 =	sand.u32 $0x4000, s31;
	s1 =	sadd.s32 s1, s30  }
0xbb: {  	s0 =	sor.u32 s3, s0;
	s1 =	sshll.u32 s1, $0x11  }
0xbc: {  	s0 =	sor.u32 s1, s0  }
0xbd: {  	s0 =	sadd.s32 $0x8F2B, s0  }
0xbe: {  	[sflag:s0] =	ssyncadd.remote.s32 $0x1  }
0xbf: {  	_ =	sfence.sel $0xFFFF  }
0xc0: {  	[dreg:$0x0] =	wrdreg $0xFFFFFFFF;
	(pc) =	sbr.abs _section_cstart, $3  }
0xc1: {  	[dreg:$0x1] =	wrdreg $0xFFFFFFFF  }
0xc2: {  	_ =	task.clear_ibuf [dreg:s7], $0x2FFFF;
	_ =	strace $0x9FFFFFFF  }
0xc3: {  	(tm) =	ssettm $0x7FFFFFFF  }
tec
execute0_lowered:
.L_overlay_start_1:
0x0: {  	(tag) =	ssettag $0x1  }
0x1: {  	s7 =	rddreg [dreg:$0x0]  }
0x2: {  	s6 =	rddreg [dreg:$0x1]  }
0x3: {  	s1 =	srdreg.scid;
	s0 =	stileid.u32  }
0x4: {  	s2 =	rddreg [dreg:$0x2];
	s9 =	smul.u32 $0x280, s0  }
0x5: {  	s3 =	simm.s32 $0x0;
	s8 =	sand.u32 $0x1, s1;
	s12 =	smul.u32 $0x2800, s0  }
0x6: {  	s14 =	simm.s32 $0x0;
	s1 =	rddreg [dreg:$0x3];
	s10 =	smul.u32 $0x2800, s8  }
0x7: {  	[smem:$0x7FF] =	sst s3;
	s4 =	sadd.s32 $0x20400, s6;
	s11 =	smul.u32 $0x28000, s8  }
0x8: {  	s5 =	sadd.s32 $0x20200, s6;
	_ =	strace $0x80000047;
	s8 =	ssub.s32 $0x2, s8  }
0x9: {  	s13 =	sshrl.u32 s8, $0x1;
	s10 =	sadd.s32 s9, s10;
	s11 =	sadd.s32 s12, s11  }
0xa: {  	s30 =	ssub.s32 s8, s13;
	s12 =	simm.s32 $0x2880;
	s13 =	simm.s32 $0x80  }
0xb: {  	s10 =	sshrl.u32 s10, $0x3;
	s31 =	sshrl.u32 s11, $0x3;
	s11 =	simm.s32 $0x1  }
0xc: {  	s10 =	sadd.s32 s10, s6;
	s6 =	sadd.s32 s9, s2;
	s7 =	sadd.s32 s7, s31  }
0xd: {  	s9 =	smax.u32 s30, $0x1;
	s8 =	sadd.s32 $0x20600, s10;
	s10 =	simm.s32 $0x2800  }
.LBB2_1:
0xe: {  	[tilespmem:s10], [sflag:$0x1] =	stream.linear.gather [hbm4b:s4+s3], $0x80, $0x38;
	[tilespmem:$0x2D80] =	vst v63  }
0xf: {  	_ =	swait.ge [sflag:s11], $0x80  }
0x10: {  	[sflag:s11] =	ssyncset.done $0x0  }
0x11: {  	[sflag:s11] =	ssyncadd.s32 $0xFFFFFF80  }
0x12: {  	[tilespmem:s12], [sflag:$0x1] =	stream.linear.gather [hbm4b:s5+s3], $0x280, $0x38;
	[tilespmem:$0x2D80] =	vst v63  }
0x13: {  	_ =	swait.ge [sflag:s11], $0x280  }
0x14: {  	[sflag:s11] =	ssyncset.done $0x0  }
0x15: {  	[sflag:s11] =	ssyncadd.s32 $0xFFFFFD80  }
0x16: {  	[spmem:s6] =	stream.linear.scatter [tilespmem:s12], [sflag:$0x1], $0x280, $0x38;
	[tilespmem:$0x2D80] =	vst v63  }
0x17: {  	_ =	swait.ge [sflag:s11], $0x280  }
0x18: {  	[sflag:s11] =	ssyncset.done $0x0  }
0x19: {  	[sflag:s11] =	ssyncadd.s32 $0xFFFFFD80  }
0x1a: {  	[tilespmem:s3], [sflag:$0x1] =	stream.linear.gather [hbm4b:s7+s3], $0x2800, $0x38;
	[tilespmem:$0x2D80] =	vst v63  }
0x1b: {  	_ =	swait.ge [sflag:s11], $0x2800  }
0x1c: {  	[sflag:s11] =	ssyncset.done $0x0  }
0x1d: {  	[sflag:s11] =	ssyncadd.s32 $0xFFFFD800  }
0x1e: {  	s15 =	simm.s32 $0x0;
	[bflag:$0x0] =	sbarrier.arrive $0xFFFF  }
0x1f: {  	[spmem:s2] =	stream.indirect.scatter.add.f32 [tilespmem:s10], [sflag:$0x1], $0x1, s15, s13, $0xb8;
	[tilespmem:$0x2D80] =	vst v63  }
0x20: {  	_ =	swait.ge [sflag:s11], $0x80  }
0x21: {  	s15 =	simm.s32 $0x200;
	[sflag:s11] =	ssyncset.done $0x0  }
.LBB2_2:
0x22: {  	s16 =	sshra.s32 s15, $0x2;
	[sflag:s11] =	ssyncadd.s32 $0xFFFFFF80;
	p0 =	sne.s32 s15, $0x9E00  }
0x23: {  	[spmem:s2] =	stream.indirect.scatter.add.f32 [tilespmem:s10], [sflag:$0x1], $0x1, s16, s13, $0xb8;
	[tilespmem:$0x2D80] =	vst v63  }
.Ltmp0:
0x24: {  	_ = 	snop;
	(pc) =	sbr.rel @p0 .LBB2_2-.Ltmp0, $4  }
0x25: {  	_ = 	snop  }
0x26: {  	s15 =	sadd.s32 $0x200, s15  }
0x27: {  	_ =	swait.ge [sflag:s11], $0x80  }
0x28: {  	[sflag:s11] =	ssyncset.done $0x0  }
0x29: {  	[sflag:s11] =	ssyncadd.s32 $0xFFFFFF80  }
0x2a: {  	[bflag:$0x0] =	sbarrier.arrive $0xFFFF  }
0x2b: {  	[tilespmem:s12], [sflag:$0x1] =	stream.linear.gather [spmem:s6], $0x280, $0x38;
	[tilespmem:$0x2D80] =	vst v63  }
0x2c: {  	s14 =	sadd.s32 $0x1, s14;
	_ =	swait.ge [sflag:s11], $0x280  }
0x2d: {  	p0 =	sne.s32 s14, s9;
	[sflag:s11] =	ssyncset.done $0x0  }
.Ltmp1:
0x2e: {  	[sflag:s11] =	ssyncadd.s32 $0xFFFFFD80;
	(pc) =	sbr.rel @p0 .LBB2_1-.Ltmp1, $4  }
0x2f: {  	[hbm4b:s8+s3] =	stream.linear.scatter [tilespmem:s12], [sflag:$0x1], $0x280, $0x38;
	[tilespmem:$0x2D80] =	vst v63  }
0x30: {  	_ =	swait.ge [sflag:s11], $0x280  }
0x31: {  	[sflag:s11] =	ssyncset.done $0x0  }
0x32: {  	[sflag:s11] =	ssyncadd.s32 $0xFFFFFD80  }
0x33: {  	_ =	sfence.sel $0x180000  }
0x34: {  	[bflag:$0x0] =	sbarrier.arrive $0xFFFF  }
0x35: {  	p0 =	sne.s32 s0, $0x0;
	_ =	strace $0x90000047  }
0x36: {  	s0 =	sadd.s32 @!p0 $0x100000, s1;
	[bflag:$0x2] =	sbarrier.arrive $0xFFFF  }
0x37: {  	[sflag:s0] =	ssyncadd.tile.s32 @!p0 $0x1;
	_ =	shalt  }
.Lfunc_end2:
_tile_overlayer_lowered:
.L_overlay_start_2:
0x38: {  	(tag) =	ssettag $0x2  }
0x39: {  	s0 =	rddreg [dreg:$0x0];
	s2 =	stileid.u32  }
0x3a: {  	s1 =	rddreg [dreg:$0x1];
	p0 =	sne.s32 s2, $0x0  }
0x3b: {  	s3 =	rddreg [dreg:$0x2];
	[bflag:$0x3] =	sbarrier.arrive $0xFFFF;
	s2 =	simm.s32 @!p0 $0x1C01  }
0x3c: {  	[timem:s3], [sflag:s2] =	dma.local @!p0 [hbm:s0], s1  }
0x3d: {  	s0 =	simm.s32 @!p0 $0x1  }
0x3e: {  	_ =	swait.ge @!p0 [sflag:s0], s1  }
0x3f: {  	s1 =	ssub.s32 @!p0 $0x0, s1;
	[sflag:s0] =	ssyncset.done @!p0 $0x0  }
0x40: {  	[sflag:s0] =	ssyncadd.s32 @!p0 s1  }
0x41: {  	[bflag:$0x3] =	sbarrier.arrive $0xFFFF  }
0x42: {  	_ =	shalt  }

</sc_bundles>
